<compile_context>
chip_gen: v7x
topology: tpu7x:2x2x1
jax: 0.10.2.dev20260603
libtpu: 0.0.44.dev20260713+nightly
codegen_flags: <defaults>
</compile_context>

<pallas_src>
import functools
import jax
import jax.numpy as jnp
from jax import lax
from jax.experimental import pallas as pl
from jax.experimental.pallas import tpu as pltpu
from jax.experimental.pallas import tpu_sc as plsc

_D = 768
_NV = _D // 16
_CHUNK = 32


def _rsqrt_newton(v):
    i = lax.bitcast_convert_type(v, jnp.int32)
    i = jnp.int32(0x5F3759DF) - lax.shift_right_logical(i, 1)
    y = lax.bitcast_convert_type(i, jnp.float32)
    for _ in range(3):
        y = y * (1.5 - 0.5 * v * y * y)
    return y


def _sc_body(S, rows_per_w, x_hbm, p_hbm, g_hbm, b_hbm, o_hbm,
             xc, pc, oc, gv, bv, sv):
    nc = 2
    wid = lax.axis_index("s") * nc + lax.axis_index("c")
    base = wid * rows_per_w
    pbase = lax.rem(base, S)

    pltpu.sync_copy(g_hbm, gv)
    pltpu.sync_copy(b_hbm, bv)

    def chunk_body(c, _):
        rb = base + c * _CHUNK
        pb = pbase + c * _CHUNK
        pltpu.sync_copy(x_hbm.at[pl.ds(rb, _CHUNK)], xc)
        pltpu.sync_copy(p_hbm.at[pl.ds(pb, _CHUNK)], pc)

        def row_body(j, _):
            acc = jnp.zeros((16,), jnp.float32)
            acc2 = jnp.zeros((16,), jnp.float32)
            for k in range(_NV):
                v = xc[j, pl.ds(16 * k, 16)] + pc[j, pl.ds(16 * k, 16)]
                oc[j, pl.ds(16 * k, 16)] = v
                acc = acc + v
                acc2 = acc2 + v * v
            s1 = acc[0]
            s2 = acc2[0]
            for t in range(1, 16):
                s1 = s1 + acc[t]
                s2 = s2 + acc2[t]
            mean = s1 * (1.0 / _D)
            var = s2 * (1.0 / _D) - mean * mean
            inv = _rsqrt_newton(var + 1e-5)
            for k in range(_NV):
                v = oc[j, pl.ds(16 * k, 16)]
                oc[j, pl.ds(16 * k, 16)] = (
                    (v - mean) * inv * gv[pl.ds(16 * k, 16)]
                    + bv[pl.ds(16 * k, 16)]
                )
            return 0

        lax.fori_loop(0, _CHUNK, row_body, 0)
        pltpu.sync_copy(oc, o_hbm.at[pl.ds(rb, _CHUNK)])
        return 0

    lax.fori_loop(0, rows_per_w // _CHUNK, chunk_body, 0)


def kernel(x, pos_table, ln_gamma, ln_beta):
    B, S, D = x.shape
    rows = B * S
    nw = 32
    rows_per_w = rows // nw
    x2 = x.reshape(rows, D)
    mesh = plsc.VectorSubcoreMesh(core_axis_name="c", subcore_axis_name="s")
    k = pl.kernel(
        functools.partial(_sc_body, S, rows_per_w),
        out_type=jax.ShapeDtypeStruct((rows, D), jnp.float32),
        mesh=mesh,
        scratch_types=[
            pltpu.VMEM((_CHUNK, D), jnp.float32),
            pltpu.VMEM((_CHUNK, D), jnp.float32),
            pltpu.VMEM((_CHUNK, D), jnp.float32),
            pltpu.VMEM((D,), jnp.float32),
            pltpu.VMEM((D,), jnp.float32),
            pltpu.VMEM((32,), jnp.float32),
        ],
    )
    out = k(x2, pos_table, ln_gamma, ln_beta)
    return out.reshape(B, S, D)

# --- scband reference (transcript-rebuilt; emitter-appended) ---
"""Pipeline reference for scband-positional-embedding-82746839925334 (READ-ONLY COPY).

The authoritative reference and input builder live on the scoring server;
editing this copy changes nothing except your own understanding.
"""

import jax, jax.numpy as jnp
import numpy as np

SEQ_LEN = 8192
EMBED = 768
BATCH = 4

def setup_inputs(seed: int = 0) -> dict:
    key = jax.random.key(seed)
    k1, k2 = jax.random.split(key, 2)
    x = jax.random.normal(k1, (BATCH, SEQ_LEN, EMBED), dtype=jnp.float32)
    pos_table = jax.random.normal(k2, (SEQ_LEN, EMBED), dtype=jnp.float32) * 0.02
    ln_gamma = jnp.ones((EMBED,), dtype=jnp.float32)
    ln_beta = jnp.zeros((EMBED,), dtype=jnp.float32)
    return {"x": x, "pos_table": pos_table, "ln_gamma": ln_gamma, "ln_beta": ln_beta}

def reference(x, pos_table, ln_gamma, ln_beta):
    # position_ids = arange(seq_len) broadcast over batch
    position_ids = jnp.arange(x.shape[1], dtype=jnp.int32)
    # embedding lookup (gather)
    pos_emb = jnp.take(pos_table, position_ids, axis=0)  # [S, D]
    emb = x + pos_emb[None, :, :]
    # LayerNorm over last dim, eps=1e-5 (torch default)
    mean = jnp.mean(emb, axis=-1, keepdims=True)
    var = jnp.var(emb, axis=-1, keepdims=True)
    normed = (emb - mean) / jnp.sqrt(var + 1e-5)
    out = normed * ln_gamma + ln_beta
    # dropout is identity in eval mode
    return out

if __name__ == "__main__":
    import jax
    _d = setup_inputs()
    print(jax.jit(kernel)(*tuple(_d.values())))

</pallas_src>

<mosaic_0001>
#map = affine_map<(d0, d1) -> (0, 0)>
#map1 = affine_map<(d0, d1) -> (0)>
module attributes {stable_mosaic.version = 14 : i64} {
  func.func @_sc_body(%arg0: i32, %arg1: i32, %arg2: memref<32768x768xf32, #tpu.memory_space<hbm>>, %arg3: memref<8192x768xf32, #tpu.memory_space<hbm>>, %arg4: memref<768xf32, #tpu.memory_space<hbm>>, %arg5: memref<768xf32, #tpu.memory_space<hbm>>, %arg6: memref<32768x768xf32, #tpu.memory_space<hbm>>, %arg7: memref<32x768xf32, #tpu.memory_space<vmem>>, %arg8: memref<32x768xf32, #tpu.memory_space<vmem>>, %arg9: memref<32x768xf32, #tpu.memory_space<vmem>>, %arg10: memref<768xf32, #tpu.memory_space<vmem>>, %arg11: memref<768xf32, #tpu.memory_space<vmem>>, %arg12: memref<32xf32, #tpu.memory_space<vmem>>) attributes {dimension_semantics = [#tpu.dimension_semantics<core_parallel>, #tpu.dimension_semantics<subcore_parallel>], iteration_bounds = array<i64: 2, 16>, scalar_prefetch = 0 : i64, scratch_operands = 6 : i64, tpu.core_type = #tpu.core_type<sc_vector_subcore>, window_params = [{transform_indices = #map}, {transform_indices = #map}, {transform_indices = #map1}, {transform_indices = #map1}, {transform_indices = #map}]} {
    %mul3A = arith.constant 2 : i32
    %mul3A_0 = arith.muli %arg1, %mul3A : i32
    %add3A = arith.addi %mul3A_0, %arg0 : i32
    %mul3A_1 = arith.constant 1024 : i32
    %mul3A_2 = arith.muli %add3A, %mul3A_1 : i32
    %rem3A = arith.constant 8192 : i32
    %rem3A_3 = arith.remsi %mul3A_2, %rem3A : i32
    "tpu.region"() ({
      %run_scoped3A = tpu.sem_alloc : memref<!tpu.dma_semaphore, #tpu.memory_space<semaphore_mem>>
      tpu.enqueue_dma source(%arg4 : memref<768xf32, #tpu.memory_space<hbm>>) target(%arg10 : memref<768xf32, #tpu.memory_space<vmem>>) target_semaphore(%run_scoped3A : memref<!tpu.dma_semaphore, #tpu.memory_space<semaphore_mem>>)
      tpu.wait_dma2 semaphore(%run_scoped3A : memref<!tpu.dma_semaphore, #tpu.memory_space<semaphore_mem>>) src(%arg4 : memref<768xf32, #tpu.memory_space<hbm>>) dst(%arg10 : memref<768xf32, #tpu.memory_space<vmem>>)
      tpu.yield
    }) : () -> ()
    "tpu.region"() ({
      %run_scoped3A = tpu.sem_alloc : memref<!tpu.dma_semaphore, #tpu.memory_space<semaphore_mem>>
      tpu.enqueue_dma source(%arg5 : memref<768xf32, #tpu.memory_space<hbm>>) target(%arg11 : memref<768xf32, #tpu.memory_space<vmem>>) target_semaphore(%run_scoped3A : memref<!tpu.dma_semaphore, #tpu.memory_space<semaphore_mem>>)
      tpu.wait_dma2 semaphore(%run_scoped3A : memref<!tpu.dma_semaphore, #tpu.memory_space<semaphore_mem>>) src(%arg5 : memref<768xf32, #tpu.memory_space<hbm>>) dst(%arg11 : memref<768xf32, #tpu.memory_space<vmem>>)
      tpu.yield
    }) : () -> ()
    %scan3A = arith.constant 0 : i32
    %scan3A_4 = arith.constant 0 : i32
    %scan3A_5 = arith.constant 32 : i32
    %scan3A_6 = arith.addi %scan3A_4, %scan3A_5 : i32
    %scan3A_7 = arith.constant 1 : i32
    %scan3A_8 = scf.for %scan3A_10 = %scan3A_4 to %scan3A_6 step %scan3A_7 iter_args(%scan3A_11 = %scan3A) -> (i32)  : i32 {
      %mul3A_12 = arith.constant 32 : i32
      %mul3A_13 = arith.muli %scan3A_10, %mul3A_12 : i32
      %add3A_14 = arith.addi %mul3A_2, %mul3A_13 : i32
      %mul3A_15 = arith.constant 32 : i32
      %mul3A_16 = arith.muli %scan3A_10, %mul3A_15 : i32
      %add3A_17 = arith.addi %rem3A_3, %mul3A_16 : i32
      "tpu.region"() ({
        %run_scoped3A = tpu.sem_alloc : memref<!tpu.dma_semaphore, #tpu.memory_space<semaphore_mem>>
        %dma_start3A = arith.constant 0 : i32
        %dma_start3A_26 = tpu.memref_slice %arg2[%add3A_14, %dma_start3A] : memref<32768x768xf32, #tpu.memory_space<hbm>> -> memref<32x768xf32, #tpu.memory_space<hbm>>
        %dma_start3A_27 = arith.constant 0 : i32
        %dma_start3A_28 = tpu.memref_slice %arg2[%add3A_14, %dma_start3A_27] : memref<32768x768xf32, #tpu.memory_space<hbm>> -> memref<32x768xf32, #tpu.memory_space<hbm>>
        tpu.enqueue_dma source(%dma_start3A_28 : memref<32x768xf32, #tpu.memory_space<hbm>>) target(%arg7 : memref<32x768xf32, #tpu.memory_space<vmem>>) target_semaphore(%run_scoped3A : memref<!tpu.dma_semaphore, #tpu.memory_space<semaphore_mem>>)
        %dma_wait3A = arith.constant 0 : i32
        %dma_wait3A_29 = tpu.memref_slice %arg2[%add3A_14, %dma_wait3A] : memref<32768x768xf32, #tpu.memory_space<hbm>> -> memref<32x768xf32, #tpu.memory_space<hbm>>
        %dma_wait3A_30 = arith.constant 0 : i32
        %dma_wait3A_31 = tpu.memref_slice %arg2[%add3A_14, %dma_wait3A_30] : memref<32768x768xf32, #tpu.memory_space<hbm>> -> memref<32x768xf32, #tpu.memory_space<hbm>>
        tpu.wait_dma2 semaphore(%run_scoped3A : memref<!tpu.dma_semaphore, #tpu.memory_space<semaphore_mem>>) src(%dma_wait3A_31 : memref<32x768xf32, #tpu.memory_space<hbm>>) dst(%arg7 : memref<32x768xf32, #tpu.memory_space<vmem>>)
        tpu.yield
      }) : () -> ()
      "tpu.region"() ({
        %run_scoped3A = tpu.sem_alloc : memref<!tpu.dma_semaphore, #tpu.memory_space<semaphore_mem>>
        %dma_start3A = arith.constant 0 : i32
        %dma_start3A_26 = tpu.memref_slice %arg3[%add3A_17, %dma_start3A] : memref<8192x768xf32, #tpu.memory_space<hbm>> -> memref<32x768xf32, #tpu.memory_space<hbm>>
        %dma_start3A_27 = arith.constant 0 : i32
        %dma_start3A_28 = tpu.memref_slice %arg3[%add3A_17, %dma_start3A_27] : memref<8192x768xf32, #tpu.memory_space<hbm>> -> memref<32x768xf32, #tpu.memory_space<hbm>>
        tpu.enqueue_dma source(%dma_start3A_28 : memref<32x768xf32, #tpu.memory_space<hbm>>) target(%arg8 : memref<32x768xf32, #tpu.memory_space<vmem>>) target_semaphore(%run_scoped3A : memref<!tpu.dma_semaphore, #tpu.memory_space<semaphore_mem>>)
        %dma_wait3A = arith.constant 0 : i32
        %dma_wait3A_29 = tpu.memref_slice %arg3[%add3A_17, %dma_wait3A] : memref<8192x768xf32, #tpu.memory_space<hbm>> -> memref<32x768xf32, #tpu.memory_space<hbm>>
        %dma_wait3A_30 = arith.constant 0 : i32
        %dma_wait3A_31 = tpu.memref_slice %arg3[%add3A_17, %dma_wait3A_30] : memref<8192x768xf32, #tpu.memory_space<hbm>> -> memref<32x768xf32, #tpu.memory_space<hbm>>
        tpu.wait_dma2 semaphore(%run_scoped3A : memref<!tpu.dma_semaphore, #tpu.memory_space<semaphore_mem>>) src(%dma_wait3A_31 : memref<32x768xf32, #tpu.memory_space<hbm>>) dst(%arg8 : memref<32x768xf32, #tpu.memory_space<vmem>>)
        tpu.yield
      }) : () -> ()
      %scan3A_18 = arith.constant 0 : i32
      %scan3A_19 = arith.constant 0 : i32
      %scan3A_20 = arith.constant 32 : i32
      %scan3A_21 = arith.addi %scan3A_19, %scan3A_20 : i32
      %scan3A_22 = arith.constant 1 : i32
      %scan3A_23 = scf.for %scan3A_26 = %scan3A_19 to %scan3A_21 step %scan3A_22 iter_args(%scan3A_27 = %scan3A_18) -> (i32)  : i32 {
        %broadcast_in_dim3A = arith.constant 0.000000e+00 : f32
        %broadcast_in_dim3A_28 = vector.broadcast %broadcast_in_dim3A : f32 to vector<16xf32>
        %broadcast_in_dim3A_29 = arith.constant 0.000000e+00 : f32
        %broadcast_in_dim3A_30 = vector.broadcast %broadcast_in_dim3A_29 : f32 to vector<16xf32>
        %get3A = arith.index_cast %scan3A_26 : i32 to index
        %get3A_31 = arith.constant 0 : index
        %get3A_32 = tpu.vector_load %arg7[%get3A, %get3A_31] {strides = array<i32>} : memref<32x768xf32, #tpu.memory_space<vmem>>, vector<1x16xf32>,
        %get3A_33 = vector.shape_cast %get3A_32 : vector<1x16xf32> to vector<16xf32>
        %get3A_34 = arith.index_cast %scan3A_26 : i32 to index
        %get3A_35 = arith.constant 0 : index
        %get3A_36 = tpu.vector_load %arg8[%get3A_34, %get3A_35] {strides = array<i32>} : memref<32x768xf32, #tpu.memory_space<vmem>>, vector<1x16xf32>,
        %get3A_37 = vector.shape_cast %get3A_36 : vector<1x16xf32> to vector<16xf32>
        %add3A_38 = arith.addf %get3A_33, %get3A_37 : vector<16xf32>
        %swap3A = arith.index_cast %scan3A_26 : i32 to index
        %swap3A_39 = arith.constant 0 : index
        %swap3A_40 = tpu.vector_load %arg9[%swap3A, %swap3A_39] {strides = array<i32>} : memref<32x768xf32, #tpu.memory_space<vmem>>, vector<1x16xf32>,
        %swap3A_41 = vector.shape_cast %swap3A_40 : vector<1x16xf32> to vector<16xf32>
        %swap3A_42 = vector.shape_cast %add3A_38 : vector<16xf32> to vector<1x16xf32>
        tpu.vector_store %arg9[%swap3A, %swap3A_39], %swap3A_42 {strides = array<i32>} : memref<32x768xf32, #tpu.memory_space<vmem>>, vector<1x16xf32>,
        %add3A_43 = arith.addf %broadcast_in_dim3A_28, %add3A_38 : vector<16xf32>
        %mul3A_44 = arith.mulf %add3A_38, %add3A_38 : vector<16xf32>
        %add3A_45 = arith.addf %broadcast_in_dim3A_30, %mul3A_44 : vector<16xf32>
        %get3A_46 = arith.index_cast %scan3A_26 : i32 to index
        %get3A_47 = arith.constant 16 : index
        %get3A_48 = tpu.vector_load %arg7[%get3A_46, %get3A_47] {strides = array<i32>} : memref<32x768xf32, #tpu.memory_space<vmem>>, vector<1x16xf32>,
        %get3A_49 = vector.shape_cast %get3A_48 : vector<1x16xf32> to vector<16xf32>
        %get3A_50 = arith.index_cast %scan3A_26 : i32 to index
        %get3A_51 = arith.constant 16 : index
        %get3A_52 = tpu.vector_load %arg8[%get3A_50, %get3A_51] {strides = array<i32>} : memref<32x768xf32, #tpu.memory_space<vmem>>, vector<1x16xf32>,
        %get3A_53 = vector.shape_cast %get3A_52 : vector<1x16xf32> to vector<16xf32>
        %add3A_54 = arith.addf %get3A_49, %get3A_53 : vector<16xf32>
        %swap3A_55 = arith.index_cast %scan3A_26 : i32 to index
        %swap3A_56 = arith.constant 16 : index
        %swap3A_57 = tpu.vector_load %arg9[%swap3A_55, %swap3A_56] {strides = array<i32>} : memref<32x768xf32, #tpu.memory_space<vmem>>, vector<1x16xf32>,
        %swap3A_58 = vector.shape_cast %swap3A_57 : vector<1x16xf32> to vector<16xf32>
        %swap3A_59 = vector.shape_cast %add3A_54 : vector<16xf32> to vector<1x16xf32>
        tpu.vector_store %arg9[%swap3A_55, %swap3A_56], %swap3A_59 {strides = array<i32>} : memref<32x768xf32, #tpu.memory_space<vmem>>, vector<1x16xf32>,
        %add3A_60 = arith.addf %add3A_43, %add3A_54 : vector<16xf32>
        %mul3A_61 = arith.mulf %add3A_54, %add3A_54 : vector<16xf32>
        %add3A_62 = arith.addf %add3A_45, %mul3A_61 : vector<16xf32>
        %get3A_63 = arith.index_cast %scan3A_26 : i32 to index
        %get3A_64 = arith.constant 32 : index
        %get3A_65 = tpu.vector_load %arg7[%get3A_63, %get3A_64] {strides = array<i32>} : memref<32x768xf32, #tpu.memory_space<vmem>>, vector<1x16xf32>,
        %get3A_66 = vector.shape_cast %get3A_65 : vector<1x16xf32> to vector<16xf32>
        %get3A_67 = arith.index_cast %scan3A_26 : i32 to index
        %get3A_68 = arith.constant 32 : index
        %get3A_69 = tpu.vector_load %arg8[%get3A_67, %get3A_68] {strides = array<i32>} : memref<32x768xf32, #tpu.memory_space<vmem>>, vector<1x16xf32>,
        %get3A_70 = vector.shape_cast %get3A_69 : vector<1x16xf32> to vector<16xf32>
        %add3A_71 = arith.addf %get3A_66, %get3A_70 : vector<16xf32>
        %swap3A_72 = arith.index_cast %scan3A_26 : i32 to index
        %swap3A_73 = arith.constant 32 : index
        %swap3A_74 = tpu.vector_load %arg9[%swap3A_72, %swap3A_73] {strides = array<i32>} : memref<32x768xf32, #tpu.memory_space<vmem>>, vector<1x16xf32>,
        %swap3A_75 = vector.shape_cast %swap3A_74 : vector<1x16xf32> to vector<16xf32>
        %swap3A_76 = vector.shape_cast %add3A_71 : vector<16xf32> to vector<1x16xf32>
        tpu.vector_store %arg9[%swap3A_72, %swap3A_73], %swap3A_76 {strides = array<i32>} : memref<32x768xf32, #tpu.memory_space<vmem>>, vector<1x16xf32>,
        %add3A_77 = arith.addf %add3A_60, %add3A_71 : vector<16xf32>
        %mul3A_78 = arith.mulf %add3A_71, %add3A_71 : vector<16xf32>
        %add3A_79 = arith.addf %add3A_62, %mul3A_78 : vector<16xf32>
        %get3A_80 = arith.index_cast %scan3A_26 : i32 to index
        %get3A_81 = arith.constant 48 : index
        %get3A_82 = tpu.vector_load %arg7[%get3A_80, %get3A_81] {strides = array<i32>} : memref<32x768xf32, #tpu.memory_space<vmem>>, vector<1x16xf32>,
        %get3A_83 = vector.shape_cast %get3A_82 : vector<1x16xf32> to vector<16xf32>
        %get3A_84 = arith.index_cast %scan3A_26 : i32 to index
        %get3A_85 = arith.constant 48 : index
        %get3A_86 = tpu.vector_load %arg8[%get3A_84, %get3A_85] {strides = array<i32>} : memref<32x768xf32, #tpu.memory_space<vmem>>, vector<1x16xf32>,
        %get3A_87 = vector.shape_cast %get3A_86 : vector<1x16xf32> to vector<16xf32>
        %add3A_88 = arith.addf %get3A_83, %get3A_87 : vector<16xf32>
        %swap3A_89 = arith.index_cast %scan3A_26 : i32 to index
        %swap3A_90 = arith.constant 48 : index
        %swap3A_91 = tpu.vector_load %arg9[%swap3A_89, %swap3A_90] {strides = array<i32>} : memref<32x768xf32, #tpu.memory_space<vmem>>, vector<1x16xf32>,
        %swap3A_92 = vector.shape_cast %swap3A_91 : vector<1x16xf32> to vector<16xf32>
        %swap3A_93 = vector.shape_cast %add3A_88 : vector<16xf32> to vector<1x16xf32>
        tpu.vector_store %arg9[%swap3A_89, %swap3A_90], %swap3A_93 {strides = array<i32>} : memref<32x768xf32, #tpu.memory_space<vmem>>, vector<1x16xf32>,
        %add3A_94 = arith.addf %add3A_77, %add3A_88 : vector<16xf32>
        %mul3A_95 = arith.mulf %add3A_88, %add3A_88 : vector<16xf32>
        %add3A_96 = arith.addf %add3A_79, %mul3A_95 : vector<16xf32>
        %get3A_97 = arith.index_cast %scan3A_26 : i32 to index
        %get3A_98 = arith.constant 64 : index
        %get3A_99 = tpu.vector_load %arg7[%get3A_97, %get3A_98] {strides = array<i32>} : memref<32x768xf32, #tpu.memory_space<vmem>>, vector<1x16xf32>,
        %get3A_100 = vector.shape_cast %get3A_99 : vector<1x16xf32> to vector<16xf32>
        %get3A_101 = arith.index_cast %scan3A_26 : i32 to index
        %get3A_102 = arith.constant 64 : index
        %get3A_103 = tpu.vector_load %arg8[%get3A_101, %get3A_102] {strides = array<i32>} : memref<32x768xf32, #tpu.memory_space<vmem>>, vector<1x16xf32>,
        %get3A_104 = vector.shape_cast %get3A_103 : vector<1x16xf32> to vector<16xf32>
        %add3A_105 = arith.addf %get3A_100, %get3A_104 : vector<16xf32>
        %swap3A_106 = arith.index_cast %scan3A_26 : i32 to index
        %swap3A_107 = arith.constant 64 : index
        %swap3A_108 = tpu.vector_load %arg9[%swap3A_106, %swap3A_107] {strides = array<i32>} : memref<32x768xf32, #tpu.memory_space<vmem>>, vector<1x16xf32>,
        %swap3A_109 = vector.shape_cast %swap3A_108 : vector<1x16xf32> to vector<16xf32>
        %swap3A_110 = vector.shape_cast %add3A_105 : vector<16xf32> to vector<1x16xf32>
        tpu.vector_store %arg9[%swap3A_106, %swap3A_107], %swap3A_110 {strides = array<i32>} : memref<32x768xf32, #tpu.memory_space<vmem>>, vector<1x16xf32>,
        %add3A_111 = arith.addf %add3A_94, %add3A_105 : vector<16xf32>
        %mul3A_112 = arith.mulf %add3A_105, %add3A_105 : vector<16xf32>
        %add3A_113 = arith.addf %add3A_96, %mul3A_112 : vector<16xf32>
        %get3A_114 = arith.index_cast %scan3A_26 : i32 to index
        %get3A_115 = arith.constant 80 : index
        %get3A_116 = tpu.vector_load %arg7[%get3A_114, %get3A_115] {strides = array<i32>} : memref<32x768xf32, #tpu.memory_space<vmem>>, vector<1x16xf32>,
        %get3A_117 = vector.shape_cast %get3A_116 : vector<1x16xf32> to vector<16xf32>
        %get3A_118 = arith.index_cast %scan3A_26 : i32 to index
        %get3A_119 = arith.constant 80 : index
        %get3A_120 = tpu.vector_load %arg8[%get3A_118, %get3A_119] {strides = array<i32>} : memref<32x768xf32, #tpu.memory_space<vmem>>, vector<1x16xf32>,
        %get3A_121 = vector.shape_cast %get3A_120 : vector<1x16xf32> to vector<16xf32>
        %add3A_122 = arith.addf %get3A_117, %get3A_121 : vector<16xf32>
        %swap3A_123 = arith.index_cast %scan3A_26 : i32 to index
        %swap3A_124 = arith.constant 80 : index
        %swap3A_125 = tpu.vector_load %arg9[%swap3A_123, %swap3A_124] {strides = array<i32>} : memref<32x768xf32, #tpu.memory_space<vmem>>, vector<1x16xf32>,
        %swap3A_126 = vector.shape_cast %swap3A_125 : vector<1x16xf32> to vector<16xf32>
        %swap3A_127 = vector.shape_cast %add3A_122 : vector<16xf32> to vector<1x16xf32>
        tpu.vector_store %arg9[%swap3A_123, %swap3A_124], %swap3A_127 {strides = array<i32>} : memref<32x768xf32, #tpu.memory_space<vmem>>, vector<1x16xf32>,
        %add3A_128 = arith.addf %add3A_111, %add3A_122 : vector<16xf32>
        %mul3A_129 = arith.mulf %add3A_122, %add3A_122 : vector<16xf32>
        %add3A_130 = arith.addf %add3A_113, %mul3A_129 : vector<16xf32>
        %get3A_131 = arith.index_cast %scan3A_26 : i32 to index
        %get3A_132 = arith.constant 96 : index
        %get3A_133 = tpu.vector_load %arg7[%get3A_131, %get3A_132] {strides = array<i32>} : memref<32x768xf32, #tpu.memory_space<vmem>>, vector<1x16xf32>,
        %get3A_134 = vector.shape_cast %get3A_133 : vector<1x16xf32> to vector<16xf32>
        %get3A_135 = arith.index_cast %scan3A_26 : i32 to index
        %get3A_136 = arith.constant 96 : index
        %get3A_137 = tpu.vector_load %arg8[%get3A_135, %get3A_136] {strides = array<i32>} : memref<32x768xf32, #tpu.memory_space<vmem>>, vector<1x16xf32>,
        %get3A_138 = vector.shape_cast %get3A_137 : vector<1x16xf32> to vector<16xf32>
        %add3A_139 = arith.addf %get3A_134, %get3A_138 : vector<16xf32>
        %swap3A_140 = arith.index_cast %scan3A_26 : i32 to index
        %swap3A_141 = arith.constant 96 : index
        %swap3A_142 = tpu.vector_load %arg9[%swap3A_140, %swap3A_141] {strides = array<i32>} : memref<32x768xf32, #tpu.memory_space<vmem>>, vector<1x16xf32>,
        %swap3A_143 = vector.shape_cast %swap3A_142 : vector<1x16xf32> to vector<16xf32>
        %swap3A_144 = vector.shape_cast %add3A_139 : vector<16xf32> to vector<1x16xf32>
        tpu.vector_store %arg9[%swap3A_140, %swap3A_141], %swap3A_144 {strides = array<i32>} : memref<32x768xf32, #tpu.memory_space<vmem>>, vector<1x16xf32>,
        %add3A_145 = arith.addf %add3A_128, %add3A_139 : vector<16xf32>
        %mul3A_146 = arith.mulf %add3A_139, %add3A_139 : vector<16xf32>
        %add3A_147 = arith.addf %add3A_130, %mul3A_146 : vector<16xf32>
        %get3A_148 = arith.index_cast %scan3A_26 : i32 to index
        %get3A_149 = arith.constant 112 : index
        %get3A_150 = tpu.vector_load %arg7[%get3A_148, %get3A_149] {strides = array<i32>} : memref<32x768xf32, #tpu.memory_space<vmem>>, vector<1x16xf32>,
        %get3A_151 = vector.shape_cast %get3A_150 : vector<1x16xf32> to vector<16xf32>
        %get3A_152 = arith.index_cast %scan3A_26 : i32 to index
        %get3A_153 = arith.constant 112 : index
        %get3A_154 = tpu.vector_load %arg8[%get3A_152, %get3A_153] {strides = array<i32>} : memref<32x768xf32, #tpu.memory_space<vmem>>, vector<1x16xf32>,
        %get3A_155 = vector.shape_cast %get3A_154 : vector<1x16xf32> to vector<16xf32>
        %add3A_156 = arith.addf %get3A_151, %get3A_155 : vector<16xf32>
        %swap3A_157 = arith.index_cast %scan3A_26 : i32 to index
        %swap3A_158 = arith.constant 112 : index
        %swap3A_159 = tpu.vector_load %arg9[%swap3A_157, %swap3A_158] {strides = array<i32>} : memref<32x768xf32, #tpu.memory_space<vmem>>, vector<1x16xf32>,
        %swap3A_160 = vector.shape_cast %swap3A_159 : vector<1x16xf32> to vector<16xf32>
        %swap3A_161 = vector.shape_cast %add3A_156 : vector<16xf32> to vector<1x16xf32>
        tpu.vector_store %arg9[%swap3A_157, %swap3A_158], %swap3A_161 {strides = array<i32>} : memref<32x768xf32, #tpu.memory_space<vmem>>, vector<1x16xf32>,
        %add3A_162 = arith.addf %add3A_145, %add3A_156 : vector<16xf32>
        %mul3A_163 = arith.mulf %add3A_156, %add3A_156 : vector<16xf32>
        %add3A_164 = arith.addf %add3A_147, %mul3A_163 : vector<16xf32>
        %get3A_165 = arith.index_cast %scan3A_26 : i32 to index
        %get3A_166 = arith.constant 128 : index
        %get3A_167 = tpu.vector_load %arg7[%get3A_165, %get3A_166] {strides = array<i32>} : memref<32x768xf32, #tpu.memory_space<vmem>>, vector<1x16xf32>,
        %get3A_168 = vector.shape_cast %get3A_167 : vector<1x16xf32> to vector<16xf32>
        %get3A_169 = arith.index_cast %scan3A_26 : i32 to index
        %get3A_170 = arith.constant 128 : index
        %get3A_171 = tpu.vector_load %arg8[%get3A_169, %get3A_170] {strides = array<i32>} : memref<32x768xf32, #tpu.memory_space<vmem>>, vector<1x16xf32>,
        %get3A_172 = vector.shape_cast %get3A_171 : vector<1x16xf32> to vector<16xf32>
        %add3A_173 = arith.addf %get3A_168, %get3A_172 : vector<16xf32>
        %swap3A_174 = arith.index_cast %scan3A_26 : i32 to index
        %swap3A_175 = arith.constant 128 : index
        %swap3A_176 = tpu.vector_load %arg9[%swap3A_174, %swap3A_175] {strides = array<i32>} : memref<32x768xf32, #tpu.memory_space<vmem>>, vector<1x16xf32>,
        %swap3A_177 = vector.shape_cast %swap3A_176 : vector<1x16xf32> to vector<16xf32>
        %swap3A_178 = vector.shape_cast %add3A_173 : vector<16xf32> to vector<1x16xf32>
        tpu.vector_store %arg9[%swap3A_174, %swap3A_175], %swap3A_178 {strides = array<i32>} : memref<32x768xf32, #tpu.memory_space<vmem>>, vector<1x16xf32>,
        %add3A_179 = arith.addf %add3A_162, %add3A_173 : vector<16xf32>
        %mul3A_180 = arith.mulf %add3A_173, %add3A_173 : vector<16xf32>
        %add3A_181 = arith.addf %add3A_164, %mul3A_180 : vector<16xf32>
        %get3A_182 = arith.index_cast %scan3A_26 : i32 to index
        %get3A_183 = arith.constant 144 : index
        %get3A_184 = tpu.vector_load %arg7[%get3A_182, %get3A_183] {strides = array<i32>} : memref<32x768xf32, #tpu.memory_space<vmem>>, vector<1x16xf32>,
        %get3A_185 = vector.shape_cast %get3A_184 : vector<1x16xf32> to vector<16xf32>
        %get3A_186 = arith.index_cast %scan3A_26 : i32 to index
        %get3A_187 = arith.constant 144 : index
        %get3A_188 = tpu.vector_load %arg8[%get3A_186, %get3A_187] {strides = array<i32>} : memref<32x768xf32, #tpu.memory_space<vmem>>, vector<1x16xf32>,
        %get3A_189 = vector.shape_cast %get3A_188 : vector<1x16xf32> to vector<16xf32>
        %add3A_190 = arith.addf %get3A_185, %get3A_189 : vector<16xf32>
        %swap3A_191 = arith.index_cast %scan3A_26 : i32 to index
        %swap3A_192 = arith.constant 144 : index
        %swap3A_193 = tpu.vector_load %arg9[%swap3A_191, %swap3A_192] {strides = array<i32>} : memref<32x768xf32, #tpu.memory_space<vmem>>, vector<1x16xf32>,
        %swap3A_194 = vector.shape_cast %swap3A_193 : vector<1x16xf32> to vector<16xf32>
        %swap3A_195 = vector.shape_cast %add3A_190 : vector<16xf32> to vector<1x16xf32>
        tpu.vector_store %arg9[%swap3A_191, %swap3A_192], %swap3A_195 {strides = array<i32>} : memref<32x768xf32, #tpu.memory_space<vmem>>, vector<1x16xf32>,
        %add3A_196 = arith.addf %add3A_179, %add3A_190 : vector<16xf32>
        %mul3A_197 = arith.mulf %add3A_190, %add3A_190 : vector<16xf32>
        %add3A_198 = arith.addf %add3A_181, %mul3A_197 : vector<16xf32>
        %get3A_199 = arith.index_cast %scan3A_26 : i32 to index
        %get3A_200 = arith.constant 160 : index
        %get3A_201 = tpu.vector_load %arg7[%get3A_199, %get3A_200] {strides = array<i32>} : memref<32x768xf32, #tpu.memory_space<vmem>>, vector<1x16xf32>,
        %get3A_202 = vector.shape_cast %get3A_201 : vector<1x16xf32> to vector<16xf32>
        %get3A_203 = arith.index_cast %scan3A_26 : i32 to index
        %get3A_204 = arith.constant 160 : index
        %get3A_205 = tpu.vector_load %arg8[%get3A_203, %get3A_204] {strides = array<i32>} : memref<32x768xf32, #tpu.memory_space<vmem>>, vector<1x16xf32>,
        %get3A_206 = vector.shape_cast %get3A_205 : vector<1x16xf32> to vector<16xf32>
        %add3A_207 = arith.addf %get3A_202, %get3A_206 : vector<16xf32>
        %swap3A_208 = arith.index_cast %scan3A_26 : i32 to index
        %swap3A_209 = arith.constant 160 : index
        %swap3A_210 = tpu.vector_load %arg9[%swap3A_208, %swap3A_209] {strides = array<i32>} : memref<32x768xf32, #tpu.memory_space<vmem>>, vector<1x16xf32>,
        %swap3A_211 = vector.shape_cast %swap3A_210 : vector<1x16xf32> to vector<16xf32>
        %swap3A_212 = vector.shape_cast %add3A_207 : vector<16xf32> to vector<1x16xf32>
        tpu.vector_store %arg9[%swap3A_208, %swap3A_209], %swap3A_212 {strides = array<i32>} : memref<32x768xf32, #tpu.memory_space<vmem>>, vector<1x16xf32>,
        %add3A_213 = arith.addf %add3A_196, %add3A_207 : vector<16xf32>
        %mul3A_214 = arith.mulf %add3A_207, %add3A_207 : vector<16xf32>
        %add3A_215 = arith.addf %add3A_198, %mul3A_214 : vector<16xf32>
        %get3A_216 = arith.index_cast %scan3A_26 : i32 to index
        %get3A_217 = arith.constant 176 : index
        %get3A_218 = tpu.vector_load %arg7[%get3A_216, %get3A_217] {strides = array<i32>} : memref<32x768xf32, #tpu.memory_space<vmem>>, vector<1x16xf32>,
        %get3A_219 = vector.shape_cast %get3A_218 : vector<1x16xf32> to vector<16xf32>
        %get3A_220 = arith.index_cast %scan3A_26 : i32 to index
        %get3A_221 = arith.constant 176 : index
        %get3A_222 = tpu.vector_load %arg8[%get3A_220, %get3A_221] {strides = array<i32>} : memref<32x768xf32, #tpu.memory_space<vmem>>, vector<1x16xf32>,
        %get3A_223 = vector.shape_cast %get3A_222 : vector<1x16xf32> to vector<16xf32>
        %add3A_224 = arith.addf %get3A_219, %get3A_223 : vector<16xf32>
        %swap3A_225 = arith.index_cast %scan3A_26 : i32 to index
        %swap3A_226 = arith.constant 176 : index
        %swap3A_227 = tpu.vector_load %arg9[%swap3A_225, %swap3A_226] {strides = array<i32>} : memref<32x768xf32, #tpu.memory_space<vmem>>, vector<1x16xf32>,
        %swap3A_228 = vector.shape_cast %swap3A_227 : vector<1x16xf32> to vector<16xf32>
        %swap3A_229 = vector.shape_cast %add3A_224 : vector<16xf32> to vector<1x16xf32>
        tpu.vector_store %arg9[%swap3A_225, %swap3A_226], %swap3A_229 {strides = array<i32>} : memref<32x768xf32, #tpu.memory_space<vmem>>, vector<1x16xf32>,
        %add3A_230 = arith.addf %add3A_213, %add3A_224 : vector<16xf32>
        %mul3A_231 = arith.mulf %add3A_224, %add3A_224 : vector<16xf32>
        %add3A_232 = arith.addf %add3A_215, %mul3A_231 : vector<16xf32>
        %get3A_233 = arith.index_cast %scan3A_26 : i32 to index
        %get3A_234 = arith.constant 192 : index
        %get3A_235 = tpu.vector_load %arg7[%get3A_233, %get3A_234] {strides = array<i32>} : memref<32x768xf32, #tpu.memory_space<vmem>>, vector<1x16xf32>,
        %get3A_236 = vector.shape_cast %get3A_235 : vector<1x16xf32> to vector<16xf32>
        %get3A_237 = arith.index_cast %scan3A_26 : i32 to index
        %get3A_238 = arith.constant 192 : index
        %get3A_239 = tpu.vector_load %arg8[%get3A_237, %get3A_238] {strides = array<i32>} : memref<32x768xf32, #tpu.memory_space<vmem>>, vector<1x16xf32>,
        %get3A_240 = vector.shape_cast %get3A_239 : vector<1x16xf32> to vector<16xf32>
        %add3A_241 = arith.addf %get3A_236, %get3A_240 : vector<16xf32>
        %swap3A_242 = arith.index_cast %scan3A_26 : i32 to index
        %swap3A_243 = arith.constant 192 : index
        %swap3A_244 = tpu.vector_load %arg9[%swap3A_242, %swap3A_243] {strides = array<i32>} : memref<32x768xf32, #tpu.memory_space<vmem>>, vector<1x16xf32>,
        %swap3A_245 = vector.shape_cast %swap3A_244 : vector<1x16xf32> to vector<16xf32>
        %swap3A_246 = vector.shape_cast %add3A_241 : vector<16xf32> to vector<1x16xf32>
        tpu.vector_store %arg9[%swap3A_242, %swap3A_243], %swap3A_246 {strides = array<i32>} : memref<32x768xf32, #tpu.memory_space<vmem>>, vector<1x16xf32>,
        %add3A_247 = arith.addf %add3A_230, %add3A_241 : vector<16xf32>
        %mul3A_248 = arith.mulf %add3A_241, %add3A_241 : vector<16xf32>
        %add3A_249 = arith.addf %add3A_232, %mul3A_248 : vector<16xf32>
        %get3A_250 = arith.index_cast %scan3A_26 : i32 to index
        %get3A_251 = arith.constant 208 : index
        %get3A_252 = tpu.vector_load %arg7[%get3A_250, %get3A_251] {strides = array<i32>} : memref<32x768xf32, #tpu.memory_space<vmem>>, vector<1x16xf32>,
        %get3A_253 = vector.shape_cast %get3A_252 : vector<1x16xf32> to vector<16xf32>
        %get3A_254 = arith.index_cast %scan3A_26 : i32 to index
        %get3A_255 = arith.constant 208 : index
        %get3A_256 = tpu.vector_load %arg8[%get3A_254, %get3A_255] {strides = array<i32>} : memref<32x768xf32, #tpu.memory_space<vmem>>, vector<1x16xf32>,
        %get3A_257 = vector.shape_cast %get3A_256 : vector<1x16xf32> to vector<16xf32>
        %add3A_258 = arith.addf %get3A_253, %get3A_257 : vector<16xf32>
        %swap3A_259 = arith.index_cast %scan3A_26 : i32 to index
        %swap3A_260 = arith.constant 208 : index
        %swap3A_261 = tpu.vector_load %arg9[%swap3A_259, %swap3A_260] {strides = array<i32>} : memref<32x768xf32, #tpu.memory_space<vmem>>, vector<1x16xf32>,
        %swap3A_262 = vector.shape_cast %swap3A_261 : vector<1x16xf32> to vector<16xf32>
        %swap3A_263 = vector.shape_cast %add3A_258 : vector<16xf32> to vector<1x16xf32>
        tpu.vector_store %arg9[%swap3A_259, %swap3A_260], %swap3A_263 {strides = array<i32>} : memref<32x768xf32, #tpu.memory_space<vmem>>, vector<1x16xf32>,
        %add3A_264 = arith.addf %add3A_247, %add3A_258 : vector<16xf32>
        %mul3A_265 = arith.mulf %add3A_258, %add3A_258 : vector<16xf32>
        %add3A_266 = arith.addf %add3A_249, %mul3A_265 : vector<16xf32>
        %get3A_267 = arith.index_cast %scan3A_26 : i32 to index
        %get3A_268 = arith.constant 224 : index
        %get3A_269 = tpu.vector_load %arg7[%get3A_267, %get3A_268] {strides = array<i32>} : memref<32x768xf32, #tpu.memory_space<vmem>>, vector<1x16xf32>,
        %get3A_270 = vector.shape_cast %get3A_269 : vector<1x16xf32> to vector<16xf32>
        %get3A_271 = arith.index_cast %scan3A_26 : i32 to index
        %get3A_272 = arith.constant 224 : index
        %get3A_273 = tpu.vector_load %arg8[%get3A_271, %get3A_272] {strides = array<i32>} : memref<32x768xf32, #tpu.memory_space<vmem>>, vector<1x16xf32>,
        %get3A_274 = vector.shape_cast %get3A_273 : vector<1x16xf32> to vector<16xf32>
        %add3A_275 = arith.addf %get3A_270, %get3A_274 : vector<16xf32>
        %swap3A_276 = arith.index_cast %scan3A_26 : i32 to index
        %swap3A_277 = arith.constant 224 : index
        %swap3A_278 = tpu.vector_load %arg9[%swap3A_276, %swap3A_277] {strides = array<i32>} : memref<32x768xf32, #tpu.memory_space<vmem>>, vector<1x16xf32>,
        %swap3A_279 = vector.shape_cast %swap3A_278 : vector<1x16xf32> to vector<16xf32>
        %swap3A_280 = vector.shape_cast %add3A_275 : vector<16xf32> to vector<1x16xf32>
        tpu.vector_store %arg9[%swap3A_276, %swap3A_277], %swap3A_280 {strides = array<i32>} : memref<32x768xf32, #tpu.memory_space<vmem>>, vector<1x16xf32>,
        %add3A_281 = arith.addf %add3A_264, %add3A_275 : vector<16xf32>
        %mul3A_282 = arith.mulf %add3A_275, %add3A_275 : vector<16xf32>
        %add3A_283 = arith.addf %add3A_266, %mul3A_282 : vector<16xf32>
        %get3A_284 = arith.index_cast %scan3A_26 : i32 to index
        %get3A_285 = arith.constant 240 : index
        %get3A_286 = tpu.vector_load %arg7[%get3A_284, %get3A_285] {strides = array<i32>} : memref<32x768xf32, #tpu.memory_space<vmem>>, vector<1x16xf32>,
        %get3A_287 = vector.shape_cast %get3A_286 : vector<1x16xf32> to vector<16xf32>
        %get3A_288 = arith.index_cast %scan3A_26 : i32 to index
        %get3A_289 = arith.constant 240 : index
        %get3A_290 = tpu.vector_load %arg8[%get3A_288, %get3A_289] {strides = array<i32>} : memref<32x768xf32, #tpu.memory_space<vmem>>, vector<1x16xf32>,
        %get3A_291 = vector.shape_cast %get3A_290 : vector<1x16xf32> to vector<16xf32>
        %add3A_292 = arith.addf %get3A_287, %get3A_291 : vector<16xf32>
        %swap3A_293 = arith.index_cast %scan3A_26 : i32 to index
        %swap3A_294 = arith.constant 240 : index
        %swap3A_295 = tpu.vector_load %arg9[%swap3A_293, %swap3A_294] {strides = array<i32>} : memref<32x768xf32, #tpu.memory_space<vmem>>, vector<1x16xf32>,
        %swap3A_296 = vector.shape_cast %swap3A_295 : vector<1x16xf32> to vector<16xf32>
        %swap3A_297 = vector.shape_cast %add3A_292 : vector<16xf32> to vector<1x16xf32>
        tpu.vector_store %arg9[%swap3A_293, %swap3A_294], %swap3A_297 {strides = array<i32>} : memref<32x768xf32, #tpu.memory_space<vmem>>, vector<1x16xf32>,
        %add3A_298 = arith.addf %add3A_281, %add3A_292 : vector<16xf32>
        %mul3A_299 = arith.mulf %add3A_292, %add3A_292 : vector<16xf32>
        %add3A_300 = arith.addf %add3A_283, %mul3A_299 : vector<16xf32>
        %get3A_301 = arith.index_cast %scan3A_26 : i32 to index
        %get3A_302 = arith.constant 256 : index
        %get3A_303 = tpu.vector_load %arg7[%get3A_301, %get3A_302] {strides = array<i32>} : memref<32x768xf32, #tpu.memory_space<vmem>>, vector<1x16xf32>,
        %get3A_304 = vector.shape_cast %get3A_303 : vector<1x16xf32> to vector<16xf32>
        %get3A_305 = arith.index_cast %scan3A_26 : i32 to index
        %get3A_306 = arith.constant 256 : index
        %get3A_307 = tpu.vector_load %arg8[%get3A_305, %get3A_306] {strides = array<i32>} : memref<32x768xf32, #tpu.memory_space<vmem>>, vector<1x16xf32>,
        %get3A_308 = vector.shape_cast %get3A_307 : vector<1x16xf32> to vector<16xf32>
        %add3A_309 = arith.addf %get3A_304, %get3A_308 : vector<16xf32>
        %swap3A_310 = arith.index_cast %scan3A_26 : i32 to index
        %swap3A_311 = arith.constant 256 : index
        %swap3A_312 = tpu.vector_load %arg9[%swap3A_310, %swap3A_311] {strides = array<i32>} : memref<32x768xf32, #tpu.memory_space<vmem>>, vector<1x16xf32>,
        %swap3A_313 = vector.shape_cast %swap3A_312 : vector<1x16xf32> to vector<16xf32>
        %swap3A_314 = vector.shape_cast %add3A_309 : vector<16xf32> to vector<1x16xf32>
        tpu.vector_store %arg9[%swap3A_310, %swap3A_311], %swap3A_314 {strides = array<i32>} : memref<32x768xf32, #tpu.memory_space<vmem>>, vector<1x16xf32>,
        %add3A_315 = arith.addf %add3A_298, %add3A_309 : vector<16xf32>
        %mul3A_316 = arith.mulf %add3A_309, %add3A_309 : vector<16xf32>
        %add3A_317 = arith.addf %add3A_300, %mul3A_316 : vector<16xf32>
        %get3A_318 = arith.index_cast %scan3A_26 : i32 to index
        %get3A_319 = arith.constant 272 : index
        %get3A_320 = tpu.vector_load %arg7[%get3A_318, %get3A_319] {strides = array<i32>} : memref<32x768xf32, #tpu.memory_space<vmem>>, vector<1x16xf32>,
        %get3A_321 = vector.shape_cast %get3A_320 : vector<1x16xf32> to vector<16xf32>
        %get3A_322 = arith.index_cast %scan3A_26 : i32 to index
        %get3A_323 = arith.constant 272 : index
        %get3A_324 = tpu.vector_load %arg8[%get3A_322, %get3A_323] {strides = array<i32>} : memref<32x768xf32, #tpu.memory_space<vmem>>, vector<1x16xf32>,
        %get3A_325 = vector.shape_cast %get3A_324 : vector<1x16xf32> to vector<16xf32>
        %add3A_326 = arith.addf %get3A_321, %get3A_325 : vector<16xf32>
        %swap3A_327 = arith.index_cast %scan3A_26 : i32 to index
        %swap3A_328 = arith.constant 272 : index
        %swap3A_329 = tpu.vector_load %arg9[%swap3A_327, %swap3A_328] {strides = array<i32>} : memref<32x768xf32, #tpu.memory_space<vmem>>, vector<1x16xf32>,
        %swap3A_330 = vector.shape_cast %swap3A_329 : vector<1x16xf32> to vector<16xf32>
        %swap3A_331 = vector.shape_cast %add3A_326 : vector<16xf32> to vector<1x16xf32>
        tpu.vector_store %arg9[%swap3A_327, %swap3A_328], %swap3A_331 {strides = array<i32>} : memref<32x768xf32, #tpu.memory_space<vmem>>, vector<1x16xf32>,
        %add3A_332 = arith.addf %add3A_315, %add3A_326 : vector<16xf32>
        %mul3A_333 = arith.mulf %add3A_326, %add3A_326 : vector<16xf32>
        %add3A_334 = arith.addf %add3A_317, %mul3A_333 : vector<16xf32>
        %get3A_335 = arith.index_cast %scan3A_26 : i32 to index
        %get3A_336 = arith.constant 288 : index
        %get3A_337 = tpu.vector_load %arg7[%get3A_335, %get3A_336] {strides = array<i32>} : memref<32x768xf32, #tpu.memory_space<vmem>>, vector<1x16xf32>,
        %get3A_338 = vector.shape_cast %get3A_337 : vector<1x16xf32> to vector<16xf32>
        %get3A_339 = arith.index_cast %scan3A_26 : i32 to index
        %get3A_340 = arith.constant 288 : index
        %get3A_341 = tpu.vector_load %arg8[%get3A_339, %get3A_340] {strides = array<i32>} : memref<32x768xf32, #tpu.memory_space<vmem>>, vector<1x16xf32>,
        %get3A_342 = vector.shape_cast %get3A_341 : vector<1x16xf32> to vector<16xf32>
        %add3A_343 = arith.addf %get3A_338, %get3A_342 : vector<16xf32>
        %swap3A_344 = arith.index_cast %scan3A_26 : i32 to index
        %swap3A_345 = arith.constant 288 : index
        %swap3A_346 = tpu.vector_load %arg9[%swap3A_344, %swap3A_345] {strides = array<i32>} : memref<32x768xf32, #tpu.memory_space<vmem>>, vector<1x16xf32>,
        %swap3A_347 = vector.shape_cast %swap3A_346 : vector<1x16xf32> to vector<16xf32>
        %swap3A_348 = vector.shape_cast %add3A_343 : vector<16xf32> to vector<1x16xf32>
        tpu.vector_store %arg9[%swap3A_344, %swap3A_345], %swap3A_348 {strides = array<i32>} : memref<32x768xf32, #tpu.memory_space<vmem>>, vector<1x16xf32>,
        %add3A_349 = arith.addf %add3A_332, %add3A_343 : vector<16xf32>
        %mul3A_350 = arith.mulf %add3A_343, %add3A_343 : vector<16xf32>
        %add3A_351 = arith.addf %add3A_334, %mul3A_350 : vector<16xf32>
        %get3A_352 = arith.index_cast %scan3A_26 : i32 to index
        %get3A_353 = arith.constant 304 : index
        %get3A_354 = tpu.vector_load %arg7[%get3A_352, %get3A_353] {strides = array<i32>} : memref<32x768xf32, #tpu.memory_space<vmem>>, vector<1x16xf32>,
        %get3A_355 = vector.shape_cast %get3A_354 : vector<1x16xf32> to vector<16xf32>
        %get3A_356 = arith.index_cast %scan3A_26 : i32 to index
        %get3A_357 = arith.constant 304 : index
        %get3A_358 = tpu.vector_load %arg8[%get3A_356, %get3A_357] {strides = array<i32>} : memref<32x768xf32, #tpu.memory_space<vmem>>, vector<1x16xf32>,
        %get3A_359 = vector.shape_cast %get3A_358 : vector<1x16xf32> to vector<16xf32>
        %add3A_360 = arith.addf %get3A_355, %get3A_359 : vector<16xf32>
        %swap3A_361 = arith.index_cast %scan3A_26 : i32 to index
        %swap3A_362 = arith.constant 304 : index
        %swap3A_363 = tpu.vector_load %arg9[%swap3A_361, %swap3A_362] {strides = array<i32>} : memref<32x768xf32, #tpu.memory_space<vmem>>, vector<1x16xf32>,
        %swap3A_364 = vector.shape_cast %swap3A_363 : vector<1x16xf32> to vector<16xf32>
        %swap3A_365 = vector.shape_cast %add3A_360 : vector<16xf32> to vector<1x16xf32>
        tpu.vector_store %arg9[%swap3A_361, %swap3A_362], %swap3A_365 {strides = array<i32>} : memref<32x768xf32, #tpu.memory_space<vmem>>, vector<1x16xf32>,
        %add3A_366 = arith.addf %add3A_349, %add3A_360 : vector<16xf32>
        %mul3A_367 = arith.mulf %add3A_360, %add3A_360 : vector<16xf32>
        %add3A_368 = arith.addf %add3A_351, %mul3A_367 : vector<16xf32>
        %get3A_369 = arith.index_cast %scan3A_26 : i32 to index
        %get3A_370 = arith.constant 320 : index
        %get3A_371 = tpu.vector_load %arg7[%get3A_369, %get3A_370] {strides = array<i32>} : memref<32x768xf32, #tpu.memory_space<vmem>>, vector<1x16xf32>,
        %get3A_372 = vector.shape_cast %get3A_371 : vector<1x16xf32> to vector<16xf32>
        %get3A_373 = arith.index_cast %scan3A_26 : i32 to index
        %get3A_374 = arith.constant 320 : index
        %get3A_375 = tpu.vector_load %arg8[%get3A_373, %get3A_374] {strides = array<i32>} : memref<32x768xf32, #tpu.memory_space<vmem>>, vector<1x16xf32>,
        %get3A_376 = vector.shape_cast %get3A_375 : vector<1x16xf32> to vector<16xf32>
        %add3A_377 = arith.addf %get3A_372, %get3A_376 : vector<16xf32>
        %swap3A_378 = arith.index_cast %scan3A_26 : i32 to index
        %swap3A_379 = arith.constant 320 : index
        %swap3A_380 = tpu.vector_load %arg9[%swap3A_378, %swap3A_379] {strides = array<i32>} : memref<32x768xf32, #tpu.memory_space<vmem>>, vector<1x16xf32>,
        %swap3A_381 = vector.shape_cast %swap3A_380 : vector<1x16xf32> to vector<16xf32>
        %swap3A_382 = vector.shape_cast %add3A_377 : vector<16xf32> to vector<1x16xf32>
        tpu.vector_store %arg9[%swap3A_378, %swap3A_379], %swap3A_382 {strides = array<i32>} : memref<32x768xf32, #tpu.memory_space<vmem>>, vector<1x16xf32>,
        %add3A_383 = arith.addf %add3A_366, %add3A_377 : vector<16xf32>
        %mul3A_384 = arith.mulf %add3A_377, %add3A_377 : vector<16xf32>
        %add3A_385 = arith.addf %add3A_368, %mul3A_384 : vector<16xf32>
        %get3A_386 = arith.index_cast %scan3A_26 : i32 to index
        %get3A_387 = arith.constant 336 : index
        %get3A_388 = tpu.vector_load %arg7[%get3A_386, %get3A_387] {strides = array<i32>} : memref<32x768xf32, #tpu.memory_space<vmem>>, vector<1x16xf32>,
        %get3A_389 = vector.shape_cast %get3A_388 : vector<1x16xf32> to vector<16xf32>
        %get3A_390 = arith.index_cast %scan3A_26 : i32 to index
        %get3A_391 = arith.constant 336 : index
        %get3A_392 = tpu.vector_load %arg8[%get3A_390, %get3A_391] {strides = array<i32>} : memref<32x768xf32, #tpu.memory_space<vmem>>, vector<1x16xf32>,
        %get3A_393 = vector.shape_cast %get3A_392 : vector<1x16xf32> to vector<16xf32>
        %add3A_394 = arith.addf %get3A_389, %get3A_393 : vector<16xf32>
        %swap3A_395 = arith.index_cast %scan3A_26 : i32 to index
        %swap3A_396 = arith.constant 336 : index
        %swap3A_397 = tpu.vector_load %arg9[%swap3A_395, %swap3A_396] {strides = array<i32>} : memref<32x768xf32, #tpu.memory_space<vmem>>, vector<1x16xf32>,
        %swap3A_398 = vector.shape_cast %swap3A_397 : vector<1x16xf32> to vector<16xf32>
        %swap3A_399 = vector.shape_cast %add3A_394 : vector<16xf32> to vector<1x16xf32>
        tpu.vector_store %arg9[%swap3A_395, %swap3A_396], %swap3A_399 {strides = array<i32>} : memref<32x768xf32, #tpu.memory_space<vmem>>, vector<1x16xf32>,
        %add3A_400 = arith.addf %add3A_383, %add3A_394 : vector<16xf32>
        %mul3A_401 = arith.mulf %add3A_394, %add3A_394 : vector<16xf32>
        %add3A_402 = arith.addf %add3A_385, %mul3A_401 : vector<16xf32>
        %get3A_403 = arith.index_cast %scan3A_26 : i32 to index
        %get3A_404 = arith.constant 352 : index
        %get3A_405 = tpu.vector_load %arg7[%get3A_403, %get3A_404] {strides = array<i32>} : memref<32x768xf32, #tpu.memory_space<vmem>>, vector<1x16xf32>,
        %get3A_406 = vector.shape_cast %get3A_405 : vector<1x16xf32> to vector<16xf32>
        %get3A_407 = arith.index_cast %scan3A_26 : i32 to index
        %get3A_408 = arith.constant 352 : index
        %get3A_409 = tpu.vector_load %arg8[%get3A_407, %get3A_408] {strides = array<i32>} : memref<32x768xf32, #tpu.memory_space<vmem>>, vector<1x16xf32>,
        %get3A_410 = vector.shape_cast %get3A_409 : vector<1x16xf32> to vector<16xf32>
        %add3A_411 = arith.addf %get3A_406, %get3A_410 : vector<16xf32>
        %swap3A_412 = arith.index_cast %scan3A_26 : i32 to index
        %swap3A_413 = arith.constant 352 : index
        %swap3A_414 = tpu.vector_load %arg9[%swap3A_412, %swap3A_413] {strides = array<i32>} : memref<32x768xf32, #tpu.memory_space<vmem>>, vector<1x16xf32>,
        %swap3A_415 = vector.shape_cast %swap3A_414 : vector<1x16xf32> to vector<16xf32>
        %swap3A_416 = vector.shape_cast %add3A_411 : vector<16xf32> to vector<1x16xf32>
        tpu.vector_store %arg9[%swap3A_412, %swap3A_413], %swap3A_416 {strides = array<i32>} : memref<32x768xf32, #tpu.memory_space<vmem>>, vector<1x16xf32>,
        %add3A_417 = arith.addf %add3A_400, %add3A_411 : vector<16xf32>
        %mul3A_418 = arith.mulf %add3A_411, %add3A_411 : vector<16xf32>
        %add3A_419 = arith.addf %add3A_402, %mul3A_418 : vector<16xf32>
        %get3A_420 = arith.index_cast %scan3A_26 : i32 to index
        %get3A_421 = arith.constant 368 : index
        %get3A_422 = tpu.vector_load %arg7[%get3A_420, %get3A_421] {strides = array<i32>} : memref<32x768xf32, #tpu.memory_space<vmem>>, vector<1x16xf32>,
        %get3A_423 = vector.shape_cast %get3A_422 : vector<1x16xf32> to vector<16xf32>
        %get3A_424 = arith.index_cast %scan3A_26 : i32 to index
        %get3A_425 = arith.constant 368 : index
        %get3A_426 = tpu.vector_load %arg8[%get3A_424, %get3A_425] {strides = array<i32>} : memref<32x768xf32, #tpu.memory_space<vmem>>, vector<1x16xf32>,
        %get3A_427 = vector.shape_cast %get3A_426 : vector<1x16xf32> to vector<16xf32>
        %add3A_428 = arith.addf %get3A_423, %get3A_427 : vector<16xf32>
        %swap3A_429 = arith.index_cast %scan3A_26 : i32 to index
        %swap3A_430 = arith.constant 368 : index
        %swap3A_431 = tpu.vector_load %arg9[%swap3A_429, %swap3A_430] {strides = array<i32>} : memref<32x768xf32, #tpu.memory_space<vmem>>, vector<1x16xf32>,
        %swap3A_432 = vector.shape_cast %swap3A_431 : vector<1x16xf32> to vector<16xf32>
        %swap3A_433 = vector.shape_cast %add3A_428 : vector<16xf32> to vector<1x16xf32>
        tpu.vector_store %arg9[%swap3A_429, %swap3A_430], %swap3A_433 {strides = array<i32>} : memref<32x768xf32, #tpu.memory_space<vmem>>, vector<1x16xf32>,
        %add3A_434 = arith.addf %add3A_417, %add3A_428 : vector<16xf32>
        %mul3A_435 = arith.mulf %add3A_428, %add3A_428 : vector<16xf32>
        %add3A_436 = arith.addf %add3A_419, %mul3A_435 : vector<16xf32>
        %get3A_437 = arith.index_cast %scan3A_26 : i32 to index
        %get3A_438 = arith.constant 384 : index
        %get3A_439 = tpu.vector_load %arg7[%get3A_437, %get3A_438] {strides = array<i32>} : memref<32x768xf32, #tpu.memory_space<vmem>>, vector<1x16xf32>,
        %get3A_440 = vector.shape_cast %get3A_439 : vector<1x16xf32> to vector<16xf32>
        %get3A_441 = arith.index_cast %scan3A_26 : i32 to index
        %get3A_442 = arith.constant 384 : index
        %get3A_443 = tpu.vector_load %arg8[%get3A_441, %get3A_442] {strides = array<i32>} : memref<32x768xf32, #tpu.memory_space<vmem>>, vector<1x16xf32>,
        %get3A_444 = vector.shape_cast %get3A_443 : vector<1x16xf32> to vector<16xf32>
        %add3A_445 = arith.addf %get3A_440, %get3A_444 : vector<16xf32>
        %swap3A_446 = arith.index_cast %scan3A_26 : i32 to index
        %swap3A_447 = arith.constant 384 : index
        %swap3A_448 = tpu.vector_load %arg9[%swap3A_446, %swap3A_447] {strides = array<i32>} : memref<32x768xf32, #tpu.memory_space<vmem>>, vector<1x16xf32>,
        %swap3A_449 = vector.shape_cast %swap3A_448 : vector<1x16xf32> to vector<16xf32>
        %swap3A_450 = vector.shape_cast %add3A_445 : vector<16xf32> to vector<1x16xf32>
        tpu.vector_store %arg9[%swap3A_446, %swap3A_447], %swap3A_450 {strides = array<i32>} : memref<32x768xf32, #tpu.memory_space<vmem>>, vector<1x16xf32>,
        %add3A_451 = arith.addf %add3A_434, %add3A_445 : vector<16xf32>
        %mul3A_452 = arith.mulf %add3A_445, %add3A_445 : vector<16xf32>
        %add3A_453 = arith.addf %add3A_436, %mul3A_452 : vector<16xf32>
        %get3A_454 = arith.index_cast %scan3A_26 : i32 to index
        %get3A_455 = arith.constant 400 : index
        %get3A_456 = tpu.vector_load %arg7[%get3A_454, %get3A_455] {strides = array<i32>} : memref<32x768xf32, #tpu.memory_space<vmem>>, vector<1x16xf32>,
        %get3A_457 = vector.shape_cast %get3A_456 : vector<1x16xf32> to vector<16xf32>
        %get3A_458 = arith.index_cast %scan3A_26 : i32 to index
        %get3A_459 = arith.constant 400 : index
        %get3A_460 = tpu.vector_load %arg8[%get3A_458, %get3A_459] {strides = array<i32>} : memref<32x768xf32, #tpu.memory_space<vmem>>, vector<1x16xf32>,
        %get3A_461 = vector.shape_cast %get3A_460 : vector<1x16xf32> to vector<16xf32>
        %add3A_462 = arith.addf %get3A_457, %get3A_461 : vector<16xf32>
        %swap3A_463 = arith.index_cast %scan3A_26 : i32 to index
        %swap3A_464 = arith.constant 400 : index
        %swap3A_465 = tpu.vector_load %arg9[%swap3A_463, %swap3A_464] {strides = array<i32>} : memref<32x768xf32, #tpu.memory_space<vmem>>, vector<1x16xf32>,
        %swap3A_466 = vector.shape_cast %swap3A_465 : vector<1x16xf32> to vector<16xf32>
        %swap3A_467 = vector.shape_cast %add3A_462 : vector<16xf32> to vector<1x16xf32>
        tpu.vector_store %arg9[%swap3A_463, %swap3A_464], %swap3A_467 {strides = array<i32>} : memref<32x768xf32, #tpu.memory_space<vmem>>, vector<1x16xf32>,
        %add3A_468 = arith.addf %add3A_451, %add3A_462 : vector<16xf32>
        %mul3A_469 = arith.mulf %add3A_462, %add3A_462 : vector<16xf32>
        %add3A_470 = arith.addf %add3A_453, %mul3A_469 : vector<16xf32>
        %get3A_471 = arith.index_cast %scan3A_26 : i32 to index
        %get3A_472 = arith.constant 416 : index
        %get3A_473 = tpu.vector_load %arg7[%get3A_471, %get3A_472] {strides = array<i32>} : memref<32x768xf32, #tpu.memory_space<vmem>>, vector<1x16xf32>,
        %get3A_474 = vector.shape_cast %get3A_473 : vector<1x16xf32> to vector<16xf32>
        %get3A_475 = arith.index_cast %scan3A_26 : i32 to index
        %get3A_476 = arith.constant 416 : index
        %get3A_477 = tpu.vector_load %arg8[%get3A_475, %get3A_476] {strides = array<i32>} : memref<32x768xf32, #tpu.memory_space<vmem>>, vector<1x16xf32>,
        %get3A_478 = vector.shape_cast %get3A_477 : vector<1x16xf32> to vector<16xf32>
        %add3A_479 = arith.addf %get3A_474, %get3A_478 : vector<16xf32>
        %swap3A_480 = arith.index_cast %scan3A_26 : i32 to index
        %swap3A_481 = arith.constant 416 : index
        %swap3A_482 = tpu.vector_load %arg9[%swap3A_480, %swap3A_481] {strides = array<i32>} : memref<32x768xf32, #tpu.memory_space<vmem>>, vector<1x16xf32>,
        %swap3A_483 = vector.shape_cast %swap3A_482 : vector<1x16xf32> to vector<16xf32>
        %swap3A_484 = vector.shape_cast %add3A_479 : vector<16xf32> to vector<1x16xf32>
        tpu.vector_store %arg9[%swap3A_480, %swap3A_481], %swap3A_484 {strides = array<i32>} : memref<32x768xf32, #tpu.memory_space<vmem>>, vector<1x16xf32>,
        %add3A_485 = arith.addf %add3A_468, %add3A_479 : vector<16xf32>
        %mul3A_486 = arith.mulf %add3A_479, %add3A_479 : vector<16xf32>
        %add3A_487 = arith.addf %add3A_470, %mul3A_486 : vector<16xf32>
        %get3A_488 = arith.index_cast %scan3A_26 : i32 to index
        %get3A_489 = arith.constant 432 : index
        %get3A_490 = tpu.vector_load %arg7[%get3A_488, %get3A_489] {strides = array<i32>} : memref<32x768xf32, #tpu.memory_space<vmem>>, vector<1x16xf32>,
        %get3A_491 = vector.shape_cast %get3A_490 : vector<1x16xf32> to vector<16xf32>
        %get3A_492 = arith.index_cast %scan3A_26 : i32 to index
        %get3A_493 = arith.constant 432 : index
        %get3A_494 = tpu.vector_load %arg8[%get3A_492, %get3A_493] {strides = array<i32>} : memref<32x768xf32, #tpu.memory_space<vmem>>, vector<1x16xf32>,
        %get3A_495 = vector.shape_cast %get3A_494 : vector<1x16xf32> to vector<16xf32>
        %add3A_496 = arith.addf %get3A_491, %get3A_495 : vector<16xf32>
        %swap3A_497 = arith.index_cast %scan3A_26 : i32 to index
        %swap3A_498 = arith.constant 432 : index
        %swap3A_499 = tpu.vector_load %arg9[%swap3A_497, %swap3A_498] {strides = array<i32>} : memref<32x768xf32, #tpu.memory_space<vmem>>, vector<1x16xf32>,
        %swap3A_500 = vector.shape_cast %swap3A_499 : vector<1x16xf32> to vector<16xf32>
        %swap3A_501 = vector.shape_cast %add3A_496 : vector<16xf32> to vector<1x16xf32>
        tpu.vector_store %arg9[%swap3A_497, %swap3A_498], %swap3A_501 {strides = array<i32>} : memref<32x768xf32, #tpu.memory_space<vmem>>, vector<1x16xf32>,
        %add3A_502 = arith.addf %add3A_485, %add3A_496 : vector<16xf32>
        %mul3A_503 = arith.mulf %add3A_496, %add3A_496 : vector<16xf32>
        %add3A_504 = arith.addf %add3A_487, %mul3A_503 : vector<16xf32>
        %get3A_505 = arith.index_cast %scan3A_26 : i32 to index
        %get3A_506 = arith.constant 448 : index
        %get3A_507 = tpu.vector_load %arg7[%get3A_505, %get3A_506] {strides = array<i32>} : memref<32x768xf32, #tpu.memory_space<vmem>>, vector<1x16xf32>,
        %get3A_508 = vector.shape_cast %get3A_507 : vector<1x16xf32> to vector<16xf32>
        %get3A_509 = arith.index_cast %scan3A_26 : i32 to index
        %get3A_510 = arith.constant 448 : index
        %get3A_511 = tpu.vector_load %arg8[%get3A_509, %get3A_510] {strides = array<i32>} : memref<32x768xf32, #tpu.memory_space<vmem>>, vector<1x16xf32>,
        %get3A_512 = vector.shape_cast %get3A_511 : vector<1x16xf32> to vector<16xf32>
        %add3A_513 = arith.addf %get3A_508, %get3A_512 : vector<16xf32>
        %swap3A_514 = arith.index_cast %scan3A_26 : i32 to index
        %swap3A_515 = arith.constant 448 : index
        %swap3A_516 = tpu.vector_load %arg9[%swap3A_514, %swap3A_515] {strides = array<i32>} : memref<32x768xf32, #tpu.memory_space<vmem>>, vector<1x16xf32>,
        %swap3A_517 = vector.shape_cast %swap3A_516 : vector<1x16xf32> to vector<16xf32>
        %swap3A_518 = vector.shape_cast %add3A_513 : vector<16xf32> to vector<1x16xf32>
        tpu.vector_store %arg9[%swap3A_514, %swap3A_515], %swap3A_518 {strides = array<i32>} : memref<32x768xf32, #tpu.memory_space<vmem>>, vector<1x16xf32>,
        %add3A_519 = arith.addf %add3A_502, %add3A_513 : vector<16xf32>
        %mul3A_520 = arith.mulf %add3A_513, %add3A_513 : vector<16xf32>
        %add3A_521 = arith.addf %add3A_504, %mul3A_520 : vector<16xf32>
        %get3A_522 = arith.index_cast %scan3A_26 : i32 to index
        %get3A_523 = arith.constant 464 : index
        %get3A_524 = tpu.vector_load %arg7[%get3A_522, %get3A_523] {strides = array<i32>} : memref<32x768xf32, #tpu.memory_space<vmem>>, vector<1x16xf32>,
        %get3A_525 = vector.shape_cast %get3A_524 : vector<1x16xf32> to vector<16xf32>
        %get3A_526 = arith.index_cast %scan3A_26 : i32 to index
        %get3A_527 = arith.constant 464 : index
        %get3A_528 = tpu.vector_load %arg8[%get3A_526, %get3A_527] {strides = array<i32>} : memref<32x768xf32, #tpu.memory_space<vmem>>, vector<1x16xf32>,
        %get3A_529 = vector.shape_cast %get3A_528 : vector<1x16xf32> to vector<16xf32>
        %add3A_530 = arith.addf %get3A_525, %get3A_529 : vector<16xf32>
        %swap3A_531 = arith.index_cast %scan3A_26 : i32 to index
        %swap3A_532 = arith.constant 464 : index
        %swap3A_533 = tpu.vector_load %arg9[%swap3A_531, %swap3A_532] {strides = array<i32>} : memref<32x768xf32, #tpu.memory_space<vmem>>, vector<1x16xf32>,
        %swap3A_534 = vector.shape_cast %swap3A_533 : vector<1x16xf32> to vector<16xf32>
        %swap3A_535 = vector.shape_cast %add3A_530 : vector<16xf32> to vector<1x16xf32>
        tpu.vector_store %arg9[%swap3A_531, %swap3A_532], %swap3A_535 {strides = array<i32>} : memref<32x768xf32, #tpu.memory_space<vmem>>, vector<1x16xf32>,
        %add3A_536 = arith.addf %add3A_519, %add3A_530 : vector<16xf32>
        %mul3A_537 = arith.mulf %add3A_530, %add3A_530 : vector<16xf32>
        %add3A_538 = arith.addf %add3A_521, %mul3A_537 : vector<16xf32>
        %get3A_539 = arith.index_cast %scan3A_26 : i32 to index
        %get3A_540 = arith.constant 480 : index
        %get3A_541 = tpu.vector_load %arg7[%get3A_539, %get3A_540] {strides = array<i32>} : memref<32x768xf32, #tpu.memory_space<vmem>>, vector<1x16xf32>,
        %get3A_542 = vector.shape_cast %get3A_541 : vector<1x16xf32> to vector<16xf32>
        %get3A_543 = arith.index_cast %scan3A_26 : i32 to index
        %get3A_544 = arith.constant 480 : index
        %get3A_545 = tpu.vector_load %arg8[%get3A_543, %get3A_544] {strides = array<i32>} : memref<32x768xf32, #tpu.memory_space<vmem>>, vector<1x16xf32>,
        %get3A_546 = vector.shape_cast %get3A_545 : vector<1x16xf32> to vector<16xf32>
        %add3A_547 = arith.addf %get3A_542, %get3A_546 : vector<16xf32>
        %swap3A_548 = arith.index_cast %scan3A_26 : i32 to index
        %swap3A_549 = arith.constant 480 : index
        %swap3A_550 = tpu.vector_load %arg9[%swap3A_548, %swap3A_549] {strides = array<i32>} : memref<32x768xf32, #tpu.memory_space<vmem>>, vector<1x16xf32>,
        %swap3A_551 = vector.shape_cast %swap3A_550 : vector<1x16xf32> to vector<16xf32>
        %swap3A_552 = vector.shape_cast %add3A_547 : vector<16xf32> to vector<1x16xf32>
        tpu.vector_store %arg9[%swap3A_548, %swap3A_549], %swap3A_552 {strides = array<i32>} : memref<32x768xf32, #tpu.memory_space<vmem>>, vector<1x16xf32>,
        %add3A_553 = arith.addf %add3A_536, %add3A_547 : vector<16xf32>
        %mul3A_554 = arith.mulf %add3A_547, %add3A_547 : vector<16xf32>
        %add3A_555 = arith.addf %add3A_538, %mul3A_554 : vector<16xf32>
        %get3A_556 = arith.index_cast %scan3A_26 : i32 to index
        %get3A_557 = arith.constant 496 : index
        %get3A_558 = tpu.vector_load %arg7[%get3A_556, %get3A_557] {strides = array<i32>} : memref<32x768xf32, #tpu.memory_space<vmem>>, vector<1x16xf32>,
        %get3A_559 = vector.shape_cast %get3A_558 : vector<1x16xf32> to vector<16xf32>
        %get3A_560 = arith.index_cast %scan3A_26 : i32 to index
        %get3A_561 = arith.constant 496 : index
        %get3A_562 = tpu.vector_load %arg8[%get3A_560, %get3A_561] {strides = array<i32>} : memref<32x768xf32, #tpu.memory_space<vmem>>, vector<1x16xf32>,
        %get3A_563 = vector.shape_cast %get3A_562 : vector<1x16xf32> to vector<16xf32>
        %add3A_564 = arith.addf %get3A_559, %get3A_563 : vector<16xf32>
        %swap3A_565 = arith.index_cast %scan3A_26 : i32 to index
        %swap3A_566 = arith.constant 496 : index
        %swap3A_567 = tpu.vector_load %arg9[%swap3A_565, %swap3A_566] {strides = array<i32>} : memref<32x768xf32, #tpu.memory_space<vmem>>, vector<1x16xf32>,
        %swap3A_568 = vector.shape_cast %swap3A_567 : vector<1x16xf32> to vector<16xf32>
        %swap3A_569 = vector.shape_cast %add3A_564 : vector<16xf32> to vector<1x16xf32>
        tpu.vector_store %arg9[%swap3A_565, %swap3A_566], %swap3A_569 {strides = array<i32>} : memref<32x768xf32, #tpu.memory_space<vmem>>, vector<1x16xf32>,
        %add3A_570 = arith.addf %add3A_553, %add3A_564 : vector<16xf32>
        %mul3A_571 = arith.mulf %add3A_564, %add3A_564 : vector<16xf32>
        %add3A_572 = arith.addf %add3A_555, %mul3A_571 : vector<16xf32>
        %get3A_573 = arith.index_cast %scan3A_26 : i32 to index
        %get3A_574 = arith.constant 512 : index
        %get3A_575 = tpu.vector_load %arg7[%get3A_573, %get3A_574] {strides = array<i32>} : memref<32x768xf32, #tpu.memory_space<vmem>>, vector<1x16xf32>,
        %get3A_576 = vector.shape_cast %get3A_575 : vector<1x16xf32> to vector<16xf32>
        %get3A_577 = arith.index_cast %scan3A_26 : i32 to index
        %get3A_578 = arith.constant 512 : index
        %get3A_579 = tpu.vector_load %arg8[%get3A_577, %get3A_578] {strides = array<i32>} : memref<32x768xf32, #tpu.memory_space<vmem>>, vector<1x16xf32>,
        %get3A_580 = vector.shape_cast %get3A_579 : vector<1x16xf32> to vector<16xf32>
        %add3A_581 = arith.addf %get3A_576, %get3A_580 : vector<16xf32>
        %swap3A_582 = arith.index_cast %scan3A_26 : i32 to index
        %swap3A_583 = arith.constant 512 : index
        %swap3A_584 = tpu.vector_load %arg9[%swap3A_582, %swap3A_583] {strides = array<i32>} : memref<32x768xf32, #tpu.memory_space<vmem>>, vector<1x16xf32>,
        %swap3A_585 = vector.shape_cast %swap3A_584 : vector<1x16xf32> to vector<16xf32>
        %swap3A_586 = vector.shape_cast %add3A_581 : vector<16xf32> to vector<1x16xf32>
        tpu.vector_store %arg9[%swap3A_582, %swap3A_583], %swap3A_586 {strides = array<i32>} : memref<32x768xf32, #tpu.memory_space<vmem>>, vector<1x16xf32>,
        %add3A_587 = arith.addf %add3A_570, %add3A_581 : vector<16xf32>
        %mul3A_588 = arith.mulf %add3A_581, %add3A_581 : vector<16xf32>
        %add3A_589 = arith.addf %add3A_572, %mul3A_588 : vector<16xf32>
        %get3A_590 = arith.index_cast %scan3A_26 : i32 to index
        %get3A_591 = arith.constant 528 : index
        %get3A_592 = tpu.vector_load %arg7[%get3A_590, %get3A_591] {strides = array<i32>} : memref<32x768xf32, #tpu.memory_space<vmem>>, vector<1x16xf32>,
        %get3A_593 = vector.shape_cast %get3A_592 : vector<1x16xf32> to vector<16xf32>
        %get3A_594 = arith.index_cast %scan3A_26 : i32 to index
        %get3A_595 = arith.constant 528 : index
        %get3A_596 = tpu.vector_load %arg8[%get3A_594, %get3A_595] {strides = array<i32>} : memref<32x768xf32, #tpu.memory_space<vmem>>, vector<1x16xf32>,
        %get3A_597 = vector.shape_cast %get3A_596 : vector<1x16xf32> to vector<16xf32>
        %add3A_598 = arith.addf %get3A_593, %get3A_597 : vector<16xf32>
        %swap3A_599 = arith.index_cast %scan3A_26 : i32 to index
        %swap3A_600 = arith.constant 528 : index
        %swap3A_601 = tpu.vector_load %arg9[%swap3A_599, %swap3A_600] {strides = array<i32>} : memref<32x768xf32, #tpu.memory_space<vmem>>, vector<1x16xf32>,
        %swap3A_602 = vector.shape_cast %swap3A_601 : vector<1x16xf32> to vector<16xf32>
        %swap3A_603 = vector.shape_cast %add3A_598 : vector<16xf32> to vector<1x16xf32>
        tpu.vector_store %arg9[%swap3A_599, %swap3A_600], %swap3A_603 {strides = array<i32>} : memref<32x768xf32, #tpu.memory_space<vmem>>, vector<1x16xf32>,
        %add3A_604 = arith.addf %add3A_587, %add3A_598 : vector<16xf32>
        %mul3A_605 = arith.mulf %add3A_598, %add3A_598 : vector<16xf32>
        %add3A_606 = arith.addf %add3A_589, %mul3A_605 : vector<16xf32>
        %get3A_607 = arith.index_cast %scan3A_26 : i32 to index
        %get3A_608 = arith.constant 544 : index
        %get3A_609 = tpu.vector_load %arg7[%get3A_607, %get3A_608] {strides = array<i32>} : memref<32x768xf32, #tpu.memory_space<vmem>>, vector<1x16xf32>,
        %get3A_610 = vector.shape_cast %get3A_609 : vector<1x16xf32> to vector<16xf32>
        %get3A_611 = arith.index_cast %scan3A_26 : i32 to index
        %get3A_612 = arith.constant 544 : index
        %get3A_613 = tpu.vector_load %arg8[%get3A_611, %get3A_612] {strides = array<i32>} : memref<32x768xf32, #tpu.memory_space<vmem>>, vector<1x16xf32>,
        %get3A_614 = vector.shape_cast %get3A_613 : vector<1x16xf32> to vector<16xf32>
        %add3A_615 = arith.addf %get3A_610, %get3A_614 : vector<16xf32>
        %swap3A_616 = arith.index_cast %scan3A_26 : i32 to index
        %swap3A_617 = arith.constant 544 : index
        %swap3A_618 = tpu.vector_load %arg9[%swap3A_616, %swap3A_617] {strides = array<i32>} : memref<32x768xf32, #tpu.memory_space<vmem>>, vector<1x16xf32>,
        %swap3A_619 = vector.shape_cast %swap3A_618 : vector<1x16xf32> to vector<16xf32>
        %swap3A_620 = vector.shape_cast %add3A_615 : vector<16xf32> to vector<1x16xf32>
        tpu.vector_store %arg9[%swap3A_616, %swap3A_617], %swap3A_620 {strides = array<i32>} : memref<32x768xf32, #tpu.memory_space<vmem>>, vector<1x16xf32>,
        %add3A_621 = arith.addf %add3A_604, %add3A_615 : vector<16xf32>
        %mul3A_622 = arith.mulf %add3A_615, %add3A_615 : vector<16xf32>
        %add3A_623 = arith.addf %add3A_606, %mul3A_622 : vector<16xf32>
        %get3A_624 = arith.index_cast %scan3A_26 : i32 to index
        %get3A_625 = arith.constant 560 : index
        %get3A_626 = tpu.vector_load %arg7[%get3A_624, %get3A_625] {strides = array<i32>} : memref<32x768xf32, #tpu.memory_space<vmem>>, vector<1x16xf32>,
        %get3A_627 = vector.shape_cast %get3A_626 : vector<1x16xf32> to vector<16xf32>
        %get3A_628 = arith.index_cast %scan3A_26 : i32 to index
        %get3A_629 = arith.constant 560 : index
        %get3A_630 = tpu.vector_load %arg8[%get3A_628, %get3A_629] {strides = array<i32>} : memref<32x768xf32, #tpu.memory_space<vmem>>, vector<1x16xf32>,
        %get3A_631 = vector.shape_cast %get3A_630 : vector<1x16xf32> to vector<16xf32>
        %add3A_632 = arith.addf %get3A_627, %get3A_631 : vector<16xf32>
        %swap3A_633 = arith.index_cast %scan3A_26 : i32 to index
        %swap3A_634 = arith.constant 560 : index
        %swap3A_635 = tpu.vector_load %arg9[%swap3A_633, %swap3A_634] {strides = array<i32>} : memref<32x768xf32, #tpu.memory_space<vmem>>, vector<1x16xf32>,
        %swap3A_636 = vector.shape_cast %swap3A_635 : vector<1x16xf32> to vector<16xf32>
        %swap3A_637 = vector.shape_cast %add3A_632 : vector<16xf32> to vector<1x16xf32>
        tpu.vector_store %arg9[%swap3A_633, %swap3A_634], %swap3A_637 {strides = array<i32>} : memref<32x768xf32, #tpu.memory_space<vmem>>, vector<1x16xf32>,
        %add3A_638 = arith.addf %add3A_621, %add3A_632 : vector<16xf32>
        %mul3A_639 = arith.mulf %add3A_632, %add3A_632 : vector<16xf32>
        %add3A_640 = arith.addf %add3A_623, %mul3A_639 : vector<16xf32>
        %get3A_641 = arith.index_cast %scan3A_26 : i32 to index
        %get3A_642 = arith.constant 576 : index
        %get3A_643 = tpu.vector_load %arg7[%get3A_641, %get3A_642] {strides = array<i32>} : memref<32x768xf32, #tpu.memory_space<vmem>>, vector<1x16xf32>,
        %get3A_644 = vector.shape_cast %get3A_643 : vector<1x16xf32> to vector<16xf32>
        %get3A_645 = arith.index_cast %scan3A_26 : i32 to index
        %get3A_646 = arith.constant 576 : index
        %get3A_647 = tpu.vector_load %arg8[%get3A_645, %get3A_646] {strides = array<i32>} : memref<32x768xf32, #tpu.memory_space<vmem>>, vector<1x16xf32>,
        %get3A_648 = vector.shape_cast %get3A_647 : vector<1x16xf32> to vector<16xf32>
        %add3A_649 = arith.addf %get3A_644, %get3A_648 : vector<16xf32>
        %swap3A_650 = arith.index_cast %scan3A_26 : i32 to index
        %swap3A_651 = arith.constant 576 : index
        %swap3A_652 = tpu.vector_load %arg9[%swap3A_650, %swap3A_651] {strides = array<i32>} : memref<32x768xf32, #tpu.memory_space<vmem>>, vector<1x16xf32>,
        %swap3A_653 = vector.shape_cast %swap3A_652 : vector<1x16xf32> to vector<16xf32>
        %swap3A_654 = vector.shape_cast %add3A_649 : vector<16xf32> to vector<1x16xf32>
        tpu.vector_store %arg9[%swap3A_650, %swap3A_651], %swap3A_654 {strides = array<i32>} : memref<32x768xf32, #tpu.memory_space<vmem>>, vector<1x16xf32>,
        %add3A_655 = arith.addf %add3A_638, %add3A_649 : vector<16xf32>
        %mul3A_656 = arith.mulf %add3A_649, %add3A_649 : vector<16xf32>
        %add3A_657 = arith.addf %add3A_640, %mul3A_656 : vector<16xf32>
        %get3A_658 = arith.index_cast %scan3A_26 : i32 to index
        %get3A_659 = arith.constant 592 : index
        %get3A_660 = tpu.vector_load %arg7[%get3A_658, %get3A_659] {strides = array<i32>} : memref<32x768xf32, #tpu.memory_space<vmem>>, vector<1x16xf32>,
        %get3A_661 = vector.shape_cast %get3A_660 : vector<1x16xf32> to vector<16xf32>
        %get3A_662 = arith.index_cast %scan3A_26 : i32 to index
        %get3A_663 = arith.constant 592 : index
        %get3A_664 = tpu.vector_load %arg8[%get3A_662, %get3A_663] {strides = array<i32>} : memref<32x768xf32, #tpu.memory_space<vmem>>, vector<1x16xf32>,
        %get3A_665 = vector.shape_cast %get3A_664 : vector<1x16xf32> to vector<16xf32>
        %add3A_666 = arith.addf %get3A_661, %get3A_665 : vector<16xf32>
        %swap3A_667 = arith.index_cast %scan3A_26 : i32 to index
        %swap3A_668 = arith.constant 592 : index
        %swap3A_669 = tpu.vector_load %arg9[%swap3A_667, %swap3A_668] {strides = array<i32>} : memref<32x768xf32, #tpu.memory_space<vmem>>, vector<1x16xf32>,
        %swap3A_670 = vector.shape_cast %swap3A_669 : vector<1x16xf32> to vector<16xf32>
        %swap3A_671 = vector.shape_cast %add3A_666 : vector<16xf32> to vector<1x16xf32>
        tpu.vector_store %arg9[%swap3A_667, %swap3A_668], %swap3A_671 {strides = array<i32>} : memref<32x768xf32, #tpu.memory_space<vmem>>, vector<1x16xf32>,
        %add3A_672 = arith.addf %add3A_655, %add3A_666 : vector<16xf32>
        %mul3A_673 = arith.mulf %add3A_666, %add3A_666 : vector<16xf32>
        %add3A_674 = arith.addf %add3A_657, %mul3A_673 : vector<16xf32>
        %get3A_675 = arith.index_cast %scan3A_26 : i32 to index
        %get3A_676 = arith.constant 608 : index
        %get3A_677 = tpu.vector_load %arg7[%get3A_675, %get3A_676] {strides = array<i32>} : memref<32x768xf32, #tpu.memory_space<vmem>>, vector<1x16xf32>,
        %get3A_678 = vector.shape_cast %get3A_677 : vector<1x16xf32> to vector<16xf32>
        %get3A_679 = arith.index_cast %scan3A_26 : i32 to index
        %get3A_680 = arith.constant 608 : index
        %get3A_681 = tpu.vector_load %arg8[%get3A_679, %get3A_680] {strides = array<i32>} : memref<32x768xf32, #tpu.memory_space<vmem>>, vector<1x16xf32>,
        %get3A_682 = vector.shape_cast %get3A_681 : vector<1x16xf32> to vector<16xf32>
        %add3A_683 = arith.addf %get3A_678, %get3A_682 : vector<16xf32>
        %swap3A_684 = arith.index_cast %scan3A_26 : i32 to index
        %swap3A_685 = arith.constant 608 : index
        %swap3A_686 = tpu.vector_load %arg9[%swap3A_684, %swap3A_685] {strides = array<i32>} : memref<32x768xf32, #tpu.memory_space<vmem>>, vector<1x16xf32>,
        %swap3A_687 = vector.shape_cast %swap3A_686 : vector<1x16xf32> to vector<16xf32>
        %swap3A_688 = vector.shape_cast %add3A_683 : vector<16xf32> to vector<1x16xf32>
        tpu.vector_store %arg9[%swap3A_684, %swap3A_685], %swap3A_688 {strides = array<i32>} : memref<32x768xf32, #tpu.memory_space<vmem>>, vector<1x16xf32>,
        %add3A_689 = arith.addf %add3A_672, %add3A_683 : vector<16xf32>
        %mul3A_690 = arith.mulf %add3A_683, %add3A_683 : vector<16xf32>
        %add3A_691 = arith.addf %add3A_674, %mul3A_690 : vector<16xf32>
        %get3A_692 = arith.index_cast %scan3A_26 : i32 to index
        %get3A_693 = arith.constant 624 : index
        %get3A_694 = tpu.vector_load %arg7[%get3A_692, %get3A_693] {strides = array<i32>} : memref<32x768xf32, #tpu.memory_space<vmem>>, vector<1x16xf32>,
        %get3A_695 = vector.shape_cast %get3A_694 : vector<1x16xf32> to vector<16xf32>
        %get3A_696 = arith.index_cast %scan3A_26 : i32 to index
        %get3A_697 = arith.constant 624 : index
        %get3A_698 = tpu.vector_load %arg8[%get3A_696, %get3A_697] {strides = array<i32>} : memref<32x768xf32, #tpu.memory_space<vmem>>, vector<1x16xf32>,
        %get3A_699 = vector.shape_cast %get3A_698 : vector<1x16xf32> to vector<16xf32>
        %add3A_700 = arith.addf %get3A_695, %get3A_699 : vector<16xf32>
        %swap3A_701 = arith.index_cast %scan3A_26 : i32 to index
        %swap3A_702 = arith.constant 624 : index
        %swap3A_703 = tpu.vector_load %arg9[%swap3A_701, %swap3A_702] {strides = array<i32>} : memref<32x768xf32, #tpu.memory_space<vmem>>, vector<1x16xf32>,
        %swap3A_704 = vector.shape_cast %swap3A_703 : vector<1x16xf32> to vector<16xf32>
        %swap3A_705 = vector.shape_cast %add3A_700 : vector<16xf32> to vector<1x16xf32>
        tpu.vector_store %arg9[%swap3A_701, %swap3A_702], %swap3A_705 {strides = array<i32>} : memref<32x768xf32, #tpu.memory_space<vmem>>, vector<1x16xf32>,
        %add3A_706 = arith.addf %add3A_689, %add3A_700 : vector<16xf32>
        %mul3A_707 = arith.mulf %add3A_700, %add3A_700 : vector<16xf32>
        %add3A_708 = arith.addf %add3A_691, %mul3A_707 : vector<16xf32>
        %get3A_709 = arith.index_cast %scan3A_26 : i32 to index
        %get3A_710 = arith.constant 640 : index
        %get3A_711 = tpu.vector_load %arg7[%get3A_709, %get3A_710] {strides = array<i32>} : memref<32x768xf32, #tpu.memory_space<vmem>>, vector<1x16xf32>,
        %get3A_712 = vector.shape_cast %get3A_711 : vector<1x16xf32> to vector<16xf32>
        %get3A_713 = arith.index_cast %scan3A_26 : i32 to index
        %get3A_714 = arith.constant 640 : index
        %get3A_715 = tpu.vector_load %arg8[%get3A_713, %get3A_714] {strides = array<i32>} : memref<32x768xf32, #tpu.memory_space<vmem>>, vector<1x16xf32>,
        %get3A_716 = vector.shape_cast %get3A_715 : vector<1x16xf32> to vector<16xf32>
        %add3A_717 = arith.addf %get3A_712, %get3A_716 : vector<16xf32>
        %swap3A_718 = arith.index_cast %scan3A_26 : i32 to index
        %swap3A_719 = arith.constant 640 : index
        %swap3A_720 = tpu.vector_load %arg9[%swap3A_718, %swap3A_719] {strides = array<i32>} : memref<32x768xf32, #tpu.memory_space<vmem>>, vector<1x16xf32>,
        %swap3A_721 = vector.shape_cast %swap3A_720 : vector<1x16xf32> to vector<16xf32>
        %swap3A_722 = vector.shape_cast %add3A_717 : vector<16xf32> to vector<1x16xf32>
        tpu.vector_store %arg9[%swap3A_718, %swap3A_719], %swap3A_722 {strides = array<i32>} : memref<32x768xf32, #tpu.memory_space<vmem>>, vector<1x16xf32>,
        %add3A_723 = arith.addf %add3A_706, %add3A_717 : vector<16xf32>
        %mul3A_724 = arith.mulf %add3A_717, %add3A_717 : vector<16xf32>
        %add3A_725 = arith.addf %add3A_708, %mul3A_724 : vector<16xf32>
        %get3A_726 = arith.index_cast %scan3A_26 : i32 to index
        %get3A_727 = arith.constant 656 : index
        %get3A_728 = tpu.vector_load %arg7[%get3A_726, %get3A_727] {strides = array<i32>} : memref<32x768xf32, #tpu.memory_space<vmem>>, vector<1x16xf32>,
        %get3A_729 = vector.shape_cast %get3A_728 : vector<1x16xf32> to vector<16xf32>
        %get3A_730 = arith.index_cast %scan3A_26 : i32 to index
        %get3A_731 = arith.constant 656 : index
        %get3A_732 = tpu.vector_load %arg8[%get3A_730, %get3A_731] {strides = array<i32>} : memref<32x768xf32, #tpu.memory_space<vmem>>, vector<1x16xf32>,
        %get3A_733 = vector.shape_cast %get3A_732 : vector<1x16xf32> to vector<16xf32>
        %add3A_734 = arith.addf %get3A_729, %get3A_733 : vector<16xf32>
        %swap3A_735 = arith.index_cast %scan3A_26 : i32 to index
        %swap3A_736 = arith.constant 656 : index
        %swap3A_737 = tpu.vector_load %arg9[%swap3A_735, %swap3A_736] {strides = array<i32>} : memref<32x768xf32, #tpu.memory_space<vmem>>, vector<1x16xf32>,
        %swap3A_738 = vector.shape_cast %swap3A_737 : vector<1x16xf32> to vector<16xf32>
        %swap3A_739 = vector.shape_cast %add3A_734 : vector<16xf32> to vector<1x16xf32>
        tpu.vector_store %arg9[%swap3A_735, %swap3A_736], %swap3A_739 {strides = array<i32>} : memref<32x768xf32, #tpu.memory_space<vmem>>, vector<1x16xf32>,
        %add3A_740 = arith.addf %add3A_723, %add3A_734 : vector<16xf32>
        %mul3A_741 = arith.mulf %add3A_734, %add3A_734 : vector<16xf32>
        %add3A_742 = arith.addf %add3A_725, %mul3A_741 : vector<16xf32>
        %get3A_743 = arith.index_cast %scan3A_26 : i32 to index
        %get3A_744 = arith.constant 672 : index
        %get3A_745 = tpu.vector_load %arg7[%get3A_743, %get3A_744] {strides = array<i32>} : memref<32x768xf32, #tpu.memory_space<vmem>>, vector<1x16xf32>,
        %get3A_746 = vector.shape_cast %get3A_745 : vector<1x16xf32> to vector<16xf32>
        %get3A_747 = arith.index_cast %scan3A_26 : i32 to index
        %get3A_748 = arith.constant 672 : index
        %get3A_749 = tpu.vector_load %arg8[%get3A_747, %get3A_748] {strides = array<i32>} : memref<32x768xf32, #tpu.memory_space<vmem>>, vector<1x16xf32>,
        %get3A_750 = vector.shape_cast %get3A_749 : vector<1x16xf32> to vector<16xf32>
        %add3A_751 = arith.addf %get3A_746, %get3A_750 : vector<16xf32>
        %swap3A_752 = arith.index_cast %scan3A_26 : i32 to index
        %swap3A_753 = arith.constant 672 : index
        %swap3A_754 = tpu.vector_load %arg9[%swap3A_752, %swap3A_753] {strides = array<i32>} : memref<32x768xf32, #tpu.memory_space<vmem>>, vector<1x16xf32>,
        %swap3A_755 = vector.shape_cast %swap3A_754 : vector<1x16xf32> to vector<16xf32>
        %swap3A_756 = vector.shape_cast %add3A_751 : vector<16xf32> to vector<1x16xf32>
        tpu.vector_store %arg9[%swap3A_752, %swap3A_753], %swap3A_756 {strides = array<i32>} : memref<32x768xf32, #tpu.memory_space<vmem>>, vector<1x16xf32>,
        %add3A_757 = arith.addf %add3A_740, %add3A_751 : vector<16xf32>
        %mul3A_758 = arith.mulf %add3A_751, %add3A_751 : vector<16xf32>
        %add3A_759 = arith.addf %add3A_742, %mul3A_758 : vector<16xf32>
        %get3A_760 = arith.index_cast %scan3A_26 : i32 to index
        %get3A_761 = arith.constant 688 : index
        %get3A_762 = tpu.vector_load %arg7[%get3A_760, %get3A_761] {strides = array<i32>} : memref<32x768xf32, #tpu.memory_space<vmem>>, vector<1x16xf32>,
        %get3A_763 = vector.shape_cast %get3A_762 : vector<1x16xf32> to vector<16xf32>
        %get3A_764 = arith.index_cast %scan3A_26 : i32 to index
        %get3A_765 = arith.constant 688 : index
        %get3A_766 = tpu.vector_load %arg8[%get3A_764, %get3A_765] {strides = array<i32>} : memref<32x768xf32, #tpu.memory_space<vmem>>, vector<1x16xf32>,
        %get3A_767 = vector.shape_cast %get3A_766 : vector<1x16xf32> to vector<16xf32>
        %add3A_768 = arith.addf %get3A_763, %get3A_767 : vector<16xf32>
        %swap3A_769 = arith.index_cast %scan3A_26 : i32 to index
        %swap3A_770 = arith.constant 688 : index
        %swap3A_771 = tpu.vector_load %arg9[%swap3A_769, %swap3A_770] {strides = array<i32>} : memref<32x768xf32, #tpu.memory_space<vmem>>, vector<1x16xf32>,
        %swap3A_772 = vector.shape_cast %swap3A_771 : vector<1x16xf32> to vector<16xf32>
        %swap3A_773 = vector.shape_cast %add3A_768 : vector<16xf32> to vector<1x16xf32>
        tpu.vector_store %arg9[%swap3A_769, %swap3A_770], %swap3A_773 {strides = array<i32>} : memref<32x768xf32, #tpu.memory_space<vmem>>, vector<1x16xf32>,
        %add3A_774 = arith.addf %add3A_757, %add3A_768 : vector<16xf32>
        %mul3A_775 = arith.mulf %add3A_768, %add3A_768 : vector<16xf32>
        %add3A_776 = arith.addf %add3A_759, %mul3A_775 : vector<16xf32>
        %get3A_777 = arith.index_cast %scan3A_26 : i32 to index
        %get3A_778 = arith.constant 704 : index
        %get3A_779 = tpu.vector_load %arg7[%get3A_777, %get3A_778] {strides = array<i32>} : memref<32x768xf32, #tpu.memory_space<vmem>>, vector<1x16xf32>,
        %get3A_780 = vector.shape_cast %get3A_779 : vector<1x16xf32> to vector<16xf32>
        %get3A_781 = arith.index_cast %scan3A_26 : i32 to index
        %get3A_782 = arith.constant 704 : index
        %get3A_783 = tpu.vector_load %arg8[%get3A_781, %get3A_782] {strides = array<i32>} : memref<32x768xf32, #tpu.memory_space<vmem>>, vector<1x16xf32>,
        %get3A_784 = vector.shape_cast %get3A_783 : vector<1x16xf32> to vector<16xf32>
        %add3A_785 = arith.addf %get3A_780, %get3A_784 : vector<16xf32>
        %swap3A_786 = arith.index_cast %scan3A_26 : i32 to index
        %swap3A_787 = arith.constant 704 : index
        %swap3A_788 = tpu.vector_load %arg9[%swap3A_786, %swap3A_787] {strides = array<i32>} : memref<32x768xf32, #tpu.memory_space<vmem>>, vector<1x16xf32>,
        %swap3A_789 = vector.shape_cast %swap3A_788 : vector<1x16xf32> to vector<16xf32>
        %swap3A_790 = vector.shape_cast %add3A_785 : vector<16xf32> to vector<1x16xf32>
        tpu.vector_store %arg9[%swap3A_786, %swap3A_787], %swap3A_790 {strides = array<i32>} : memref<32x768xf32, #tpu.memory_space<vmem>>, vector<1x16xf32>,
        %add3A_791 = arith.addf %add3A_774, %add3A_785 : vector<16xf32>
        %mul3A_792 = arith.mulf %add3A_785, %add3A_785 : vector<16xf32>
        %add3A_793 = arith.addf %add3A_776, %mul3A_792 : vector<16xf32>
        %get3A_794 = arith.index_cast %scan3A_26 : i32 to index
        %get3A_795 = arith.constant 720 : index
        %get3A_796 = tpu.vector_load %arg7[%get3A_794, %get3A_795] {strides = array<i32>} : memref<32x768xf32, #tpu.memory_space<vmem>>, vector<1x16xf32>,
        %get3A_797 = vector.shape_cast %get3A_796 : vector<1x16xf32> to vector<16xf32>
        %get3A_798 = arith.index_cast %scan3A_26 : i32 to index
        %get3A_799 = arith.constant 720 : index
        %get3A_800 = tpu.vector_load %arg8[%get3A_798, %get3A_799] {strides = array<i32>} : memref<32x768xf32, #tpu.memory_space<vmem>>, vector<1x16xf32>,
        %get3A_801 = vector.shape_cast %get3A_800 : vector<1x16xf32> to vector<16xf32>
        %add3A_802 = arith.addf %get3A_797, %get3A_801 : vector<16xf32>
        %swap3A_803 = arith.index_cast %scan3A_26 : i32 to index
        %swap3A_804 = arith.constant 720 : index
        %swap3A_805 = tpu.vector_load %arg9[%swap3A_803, %swap3A_804] {strides = array<i32>} : memref<32x768xf32, #tpu.memory_space<vmem>>, vector<1x16xf32>,
        %swap3A_806 = vector.shape_cast %swap3A_805 : vector<1x16xf32> to vector<16xf32>
        %swap3A_807 = vector.shape_cast %add3A_802 : vector<16xf32> to vector<1x16xf32>
        tpu.vector_store %arg9[%swap3A_803, %swap3A_804], %swap3A_807 {strides = array<i32>} : memref<32x768xf32, #tpu.memory_space<vmem>>, vector<1x16xf32>,
        %add3A_808 = arith.addf %add3A_791, %add3A_802 : vector<16xf32>
        %mul3A_809 = arith.mulf %add3A_802, %add3A_802 : vector<16xf32>
        %add3A_810 = arith.addf %add3A_793, %mul3A_809 : vector<16xf32>
        %get3A_811 = arith.index_cast %scan3A_26 : i32 to index
        %get3A_812 = arith.constant 736 : index
        %get3A_813 = tpu.vector_load %arg7[%get3A_811, %get3A_812] {strides = array<i32>} : memref<32x768xf32, #tpu.memory_space<vmem>>, vector<1x16xf32>,
        %get3A_814 = vector.shape_cast %get3A_813 : vector<1x16xf32> to vector<16xf32>
        %get3A_815 = arith.index_cast %scan3A_26 : i32 to index
        %get3A_816 = arith.constant 736 : index
        %get3A_817 = tpu.vector_load %arg8[%get3A_815, %get3A_816] {strides = array<i32>} : memref<32x768xf32, #tpu.memory_space<vmem>>, vector<1x16xf32>,
        %get3A_818 = vector.shape_cast %get3A_817 : vector<1x16xf32> to vector<16xf32>
        %add3A_819 = arith.addf %get3A_814, %get3A_818 : vector<16xf32>
        %swap3A_820 = arith.index_cast %scan3A_26 : i32 to index
        %swap3A_821 = arith.constant 736 : index
        %swap3A_822 = tpu.vector_load %arg9[%swap3A_820, %swap3A_821] {strides = array<i32>} : memref<32x768xf32, #tpu.memory_space<vmem>>, vector<1x16xf32>,
        %swap3A_823 = vector.shape_cast %swap3A_822 : vector<1x16xf32> to vector<16xf32>
        %swap3A_824 = vector.shape_cast %add3A_819 : vector<16xf32> to vector<1x16xf32>
        tpu.vector_store %arg9[%swap3A_820, %swap3A_821], %swap3A_824 {strides = array<i32>} : memref<32x768xf32, #tpu.memory_space<vmem>>, vector<1x16xf32>,
        %add3A_825 = arith.addf %add3A_808, %add3A_819 : vector<16xf32>
        %mul3A_826 = arith.mulf %add3A_819, %add3A_819 : vector<16xf32>
        %add3A_827 = arith.addf %add3A_810, %mul3A_826 : vector<16xf32>
        %get3A_828 = arith.index_cast %scan3A_26 : i32 to index
        %get3A_829 = arith.constant 752 : index
        %get3A_830 = tpu.vector_load %arg7[%get3A_828, %get3A_829] {strides = array<i32>} : memref<32x768xf32, #tpu.memory_space<vmem>>, vector<1x16xf32>,
        %get3A_831 = vector.shape_cast %get3A_830 : vector<1x16xf32> to vector<16xf32>
        %get3A_832 = arith.index_cast %scan3A_26 : i32 to index
        %get3A_833 = arith.constant 752 : index
        %get3A_834 = tpu.vector_load %arg8[%get3A_832, %get3A_833] {strides = array<i32>} : memref<32x768xf32, #tpu.memory_space<vmem>>, vector<1x16xf32>,
        %get3A_835 = vector.shape_cast %get3A_834 : vector<1x16xf32> to vector<16xf32>
        %add3A_836 = arith.addf %get3A_831, %get3A_835 : vector<16xf32>
        %swap3A_837 = arith.index_cast %scan3A_26 : i32 to index
        %swap3A_838 = arith.constant 752 : index
        %swap3A_839 = tpu.vector_load %arg9[%swap3A_837, %swap3A_838] {strides = array<i32>} : memref<32x768xf32, #tpu.memory_space<vmem>>, vector<1x16xf32>,
        %swap3A_840 = vector.shape_cast %swap3A_839 : vector<1x16xf32> to vector<16xf32>
        %swap3A_841 = vector.shape_cast %add3A_836 : vector<16xf32> to vector<1x16xf32>
        tpu.vector_store %arg9[%swap3A_837, %swap3A_838], %swap3A_841 {strides = array<i32>} : memref<32x768xf32, #tpu.memory_space<vmem>>, vector<1x16xf32>,
        %add3A_842 = arith.addf %add3A_825, %add3A_836 : vector<16xf32>
        %mul3A_843 = arith.mulf %add3A_836, %add3A_836 : vector<16xf32>
        %add3A_844 = arith.addf %add3A_827, %mul3A_843 : vector<16xf32>
        %slice3A = vector.extract_strided_slice %add3A_842 {offsets = [0], sizes = [1], strides = [1]} : vector<16xf32> to vector<1xf32>
        %squeeze3A = vector.extract %slice3A[0] : f32 from vector<1xf32>
        %slice3A_845 = vector.extract_strided_slice %add3A_844 {offsets = [0], sizes = [1], strides = [1]} : vector<16xf32> to vector<1xf32>
        %squeeze3A_846 = vector.extract %slice3A_845[0] : f32 from vector<1xf32>
        %slice3A_847 = vector.extract_strided_slice %add3A_842 {offsets = [1], sizes = [1], strides = [1]} : vector<16xf32> to vector<1xf32>
        %squeeze3A_848 = vector.extract %slice3A_847[0] : f32 from vector<1xf32>
        %add3A_849 = arith.addf %squeeze3A, %squeeze3A_848 : f32
        %slice3A_850 = vector.extract_strided_slice %add3A_844 {offsets = [1], sizes = [1], strides = [1]} : vector<16xf32> to vector<1xf32>
        %squeeze3A_851 = vector.extract %slice3A_850[0] : f32 from vector<1xf32>
        %add3A_852 = arith.addf %squeeze3A_846, %squeeze3A_851 : f32
        %slice3A_853 = vector.extract_strided_slice %add3A_842 {offsets = [2], sizes = [1], strides = [1]} : vector<16xf32> to vector<1xf32>
        %squeeze3A_854 = vector.extract %slice3A_853[0] : f32 from vector<1xf32>
        %add3A_855 = arith.addf %add3A_849, %squeeze3A_854 : f32
        %slice3A_856 = vector.extract_strided_slice %add3A_844 {offsets = [2], sizes = [1], strides = [1]} : vector<16xf32> to vector<1xf32>
        %squeeze3A_857 = vector.extract %slice3A_856[0] : f32 from vector<1xf32>
        %add3A_858 = arith.addf %add3A_852, %squeeze3A_857 : f32
        %slice3A_859 = vector.extract_strided_slice %add3A_842 {offsets = [3], sizes = [1], strides = [1]} : vector<16xf32> to vector<1xf32>
        %squeeze3A_860 = vector.extract %slice3A_859[0] : f32 from vector<1xf32>
        %add3A_861 = arith.addf %add3A_855, %squeeze3A_860 : f32
        %slice3A_862 = vector.extract_strided_slice %add3A_844 {offsets = [3], sizes = [1], strides = [1]} : vector<16xf32> to vector<1xf32>
        %squeeze3A_863 = vector.extract %slice3A_862[0] : f32 from vector<1xf32>
        %add3A_864 = arith.addf %add3A_858, %squeeze3A_863 : f32
        %slice3A_865 = vector.extract_strided_slice %add3A_842 {offsets = [4], sizes = [1], strides = [1]} : vector<16xf32> to vector<1xf32>
        %squeeze3A_866 = vector.extract %slice3A_865[0] : f32 from vector<1xf32>
        %add3A_867 = arith.addf %add3A_861, %squeeze3A_866 : f32
        %slice3A_868 = vector.extract_strided_slice %add3A_844 {offsets = [4], sizes = [1], strides = [1]} : vector<16xf32> to vector<1xf32>
        %squeeze3A_869 = vector.extract %slice3A_868[0] : f32 from vector<1xf32>
        %add3A_870 = arith.addf %add3A_864, %squeeze3A_869 : f32
        %slice3A_871 = vector.extract_strided_slice %add3A_842 {offsets = [5], sizes = [1], strides = [1]} : vector<16xf32> to vector<1xf32>
        %squeeze3A_872 = vector.extract %slice3A_871[0] : f32 from vector<1xf32>
        %add3A_873 = arith.addf %add3A_867, %squeeze3A_872 : f32
        %slice3A_874 = vector.extract_strided_slice %add3A_844 {offsets = [5], sizes = [1], strides = [1]} : vector<16xf32> to vector<1xf32>
        %squeeze3A_875 = vector.extract %slice3A_874[0] : f32 from vector<1xf32>
        %add3A_876 = arith.addf %add3A_870, %squeeze3A_875 : f32
        %slice3A_877 = vector.extract_strided_slice %add3A_842 {offsets = [6], sizes = [1], strides = [1]} : vector<16xf32> to vector<1xf32>
        %squeeze3A_878 = vector.extract %slice3A_877[0] : f32 from vector<1xf32>
        %add3A_879 = arith.addf %add3A_873, %squeeze3A_878 : f32
        %slice3A_880 = vector.extract_strided_slice %add3A_844 {offsets = [6], sizes = [1], strides = [1]} : vector<16xf32> to vector<1xf32>
        %squeeze3A_881 = vector.extract %slice3A_880[0] : f32 from vector<1xf32>
        %add3A_882 = arith.addf %add3A_876, %squeeze3A_881 : f32
        %slice3A_883 = vector.extract_strided_slice %add3A_842 {offsets = [7], sizes = [1], strides = [1]} : vector<16xf32> to vector<1xf32>
        %squeeze3A_884 = vector.extract %slice3A_883[0] : f32 from vector<1xf32>
        %add3A_885 = arith.addf %add3A_879, %squeeze3A_884 : f32
        %slice3A_886 = vector.extract_strided_slice %add3A_844 {offsets = [7], sizes = [1], strides = [1]} : vector<16xf32> to vector<1xf32>
        %squeeze3A_887 = vector.extract %slice3A_886[0] : f32 from vector<1xf32>
        %add3A_888 = arith.addf %add3A_882, %squeeze3A_887 : f32
        %slice3A_889 = vector.extract_strided_slice %add3A_842 {offsets = [8], sizes = [1], strides = [1]} : vector<16xf32> to vector<1xf32>
        %squeeze3A_890 = vector.extract %slice3A_889[0] : f32 from vector<1xf32>
        %add3A_891 = arith.addf %add3A_885, %squeeze3A_890 : f32
        %slice3A_892 = vector.extract_strided_slice %add3A_844 {offsets = [8], sizes = [1], strides = [1]} : vector<16xf32> to vector<1xf32>
        %squeeze3A_893 = vector.extract %slice3A_892[0] : f32 from vector<1xf32>
        %add3A_894 = arith.addf %add3A_888, %squeeze3A_893 : f32
        %slice3A_895 = vector.extract_strided_slice %add3A_842 {offsets = [9], sizes = [1], strides = [1]} : vector<16xf32> to vector<1xf32>
        %squeeze3A_896 = vector.extract %slice3A_895[0] : f32 from vector<1xf32>
        %add3A_897 = arith.addf %add3A_891, %squeeze3A_896 : f32
        %slice3A_898 = vector.extract_strided_slice %add3A_844 {offsets = [9], sizes = [1], strides = [1]} : vector<16xf32> to vector<1xf32>
        %squeeze3A_899 = vector.extract %slice3A_898[0] : f32 from vector<1xf32>
        %add3A_900 = arith.addf %add3A_894, %squeeze3A_899 : f32
        %slice3A_901 = vector.extract_strided_slice %add3A_842 {offsets = [10], sizes = [1], strides = [1]} : vector<16xf32> to vector<1xf32>
        %squeeze3A_902 = vector.extract %slice3A_901[0] : f32 from vector<1xf32>
        %add3A_903 = arith.addf %add3A_897, %squeeze3A_902 : f32
        %slice3A_904 = vector.extract_strided_slice %add3A_844 {offsets = [10], sizes = [1], strides = [1]} : vector<16xf32> to vector<1xf32>
        %squeeze3A_905 = vector.extract %slice3A_904[0] : f32 from vector<1xf32>
        %add3A_906 = arith.addf %add3A_900, %squeeze3A_905 : f32
        %slice3A_907 = vector.extract_strided_slice %add3A_842 {offsets = [11], sizes = [1], strides = [1]} : vector<16xf32> to vector<1xf32>
        %squeeze3A_908 = vector.extract %slice3A_907[0] : f32 from vector<1xf32>
        %add3A_909 = arith.addf %add3A_903, %squeeze3A_908 : f32
        %slice3A_910 = vector.extract_strided_slice %add3A_844 {offsets = [11], sizes = [1], strides = [1]} : vector<16xf32> to vector<1xf32>
        %squeeze3A_911 = vector.extract %slice3A_910[0] : f32 from vector<1xf32>
        %add3A_912 = arith.addf %add3A_906, %squeeze3A_911 : f32
        %slice3A_913 = vector.extract_strided_slice %add3A_842 {offsets = [12], sizes = [1], strides = [1]} : vector<16xf32> to vector<1xf32>
        %squeeze3A_914 = vector.extract %slice3A_913[0] : f32 from vector<1xf32>
        %add3A_915 = arith.addf %add3A_909, %squeeze3A_914 : f32
        %slice3A_916 = vector.extract_strided_slice %add3A_844 {offsets = [12], sizes = [1], strides = [1]} : vector<16xf32> to vector<1xf32>
        %squeeze3A_917 = vector.extract %slice3A_916[0] : f32 from vector<1xf32>
        %add3A_918 = arith.addf %add3A_912, %squeeze3A_917 : f32
        %slice3A_919 = vector.extract_strided_slice %add3A_842 {offsets = [13], sizes = [1], strides = [1]} : vector<16xf32> to vector<1xf32>
        %squeeze3A_920 = vector.extract %slice3A_919[0] : f32 from vector<1xf32>
        %add3A_921 = arith.addf %add3A_915, %squeeze3A_920 : f32
        %slice3A_922 = vector.extract_strided_slice %add3A_844 {offsets = [13], sizes = [1], strides = [1]} : vector<16xf32> to vector<1xf32>
        %squeeze3A_923 = vector.extract %slice3A_922[0] : f32 from vector<1xf32>
        %add3A_924 = arith.addf %add3A_918, %squeeze3A_923 : f32
        %slice3A_925 = vector.extract_strided_slice %add3A_842 {offsets = [14], sizes = [1], strides = [1]} : vector<16xf32> to vector<1xf32>
        %squeeze3A_926 = vector.extract %slice3A_925[0] : f32 from vector<1xf32>
        %add3A_927 = arith.addf %add3A_921, %squeeze3A_926 : f32
        %slice3A_928 = vector.extract_strided_slice %add3A_844 {offsets = [14], sizes = [1], strides = [1]} : vector<16xf32> to vector<1xf32>
        %squeeze3A_929 = vector.extract %slice3A_928[0] : f32 from vector<1xf32>
        %add3A_930 = arith.addf %add3A_924, %squeeze3A_929 : f32
        %slice3A_931 = vector.extract_strided_slice %add3A_842 {offsets = [15], sizes = [1], strides = [1]} : vector<16xf32> to vector<1xf32>
        %squeeze3A_932 = vector.extract %slice3A_931[0] : f32 from vector<1xf32>
        %add3A_933 = arith.addf %add3A_927, %squeeze3A_932 : f32
        %slice3A_934 = vector.extract_strided_slice %add3A_844 {offsets = [15], sizes = [1], strides = [1]} : vector<16xf32> to vector<1xf32>
        %squeeze3A_935 = vector.extract %slice3A_934[0] : f32 from vector<1xf32>
        %add3A_936 = arith.addf %add3A_930, %squeeze3A_935 : f32
        %mul3A_937 = arith.constant 0.00130208337 : f32
        %mul3A_938 = arith.mulf %add3A_933, %mul3A_937 : f32
        %mul3A_939 = arith.constant 0.00130208337 : f32
        %mul3A_940 = arith.mulf %add3A_936, %mul3A_939 : f32
        %mul3A_941 = arith.mulf %mul3A_938, %mul3A_938 : f32
        %sub3A = arith.subf %mul3A_940, %mul3A_941 : f32
        %add3A_942 = arith.constant 9.99999974E-6 : f32
        %add3A_943 = arith.addf %sub3A, %add3A_942 : f32
        %bitcast_convert_type3A = arith.bitcast %add3A_943 : f32 to i32
        %shift_right_logical3A = arith.constant 1 : i32
        %shift_right_logical3A_944 = arith.shrui %bitcast_convert_type3A, %shift_right_logical3A : i32
        %sub3A_945 = arith.constant 1597463007 : i32
        %sub3A_946 = arith.subi %sub3A_945, %shift_right_logical3A_944 : i32
        %bitcast_convert_type3A_947 = arith.bitcast %sub3A_946 : i32 to f32
        %mul3A_948 = arith.constant 5.000000e-01 : f32
        %mul3A_949 = arith.mulf %mul3A_948, %add3A_943 : f32
        %mul3A_950 = arith.mulf %mul3A_949, %bitcast_convert_type3A_947 : f32
        %mul3A_951 = arith.mulf %mul3A_950, %bitcast_convert_type3A_947 : f32
        %sub3A_952 = arith.constant 1.500000e+00 : f32
        %sub3A_953 = arith.subf %sub3A_952, %mul3A_951 : f32
        %mul3A_954 = arith.mulf %bitcast_convert_type3A_947, %sub3A_953 : f32
        %mul3A_955 = arith.constant 5.000000e-01 : f32
        %mul3A_956 = arith.mulf %mul3A_955, %add3A_943 : f32
        %mul3A_957 = arith.mulf %mul3A_956, %mul3A_954 : f32
        %mul3A_958 = arith.mulf %mul3A_957, %mul3A_954 : f32
        %sub3A_959 = arith.constant 1.500000e+00 : f32
        %sub3A_960 = arith.subf %sub3A_959, %mul3A_958 : f32
        %mul3A_961 = arith.mulf %mul3A_954, %sub3A_960 : f32
        %mul3A_962 = arith.constant 5.000000e-01 : f32
        %mul3A_963 = arith.mulf %mul3A_962, %add3A_943 : f32
        %mul3A_964 = arith.mulf %mul3A_963, %mul3A_961 : f32
        %mul3A_965 = arith.mulf %mul3A_964, %mul3A_961 : f32
        %sub3A_966 = arith.constant 1.500000e+00 : f32
        %sub3A_967 = arith.subf %sub3A_966, %mul3A_965 : f32
        %mul3A_968 = arith.mulf %mul3A_961, %sub3A_967 : f32
        %get3A_969 = arith.index_cast %scan3A_26 : i32 to index
        %get3A_970 = arith.constant 0 : index
        %get3A_971 = tpu.vector_load %arg9[%get3A_969, %get3A_970] {strides = array<i32>} : memref<32x768xf32, #tpu.memory_space<vmem>>, vector<1x16xf32>,
        %get3A_972 = vector.shape_cast %get3A_971 : vector<1x16xf32> to vector<16xf32>
        %sub3A_973 = vector.broadcast %mul3A_938 : f32 to vector<16xf32>
        %sub3A_974 = arith.subf %get3A_972, %sub3A_973 : vector<16xf32>
        %mul3A_975 = vector.broadcast %mul3A_968 : f32 to vector<16xf32>
        %mul3A_976 = arith.mulf %sub3A_974, %mul3A_975 : vector<16xf32>
        %get3A_977 = arith.constant 0 : index
        %get3A_978 = tpu.vector_load %arg10[%get3A_977] {strides = array<i32>} : memref<768xf32, #tpu.memory_space<vmem>>, vector<16xf32>,
        %get3A_979 = vector.shape_cast %get3A_978 : vector<16xf32> to vector<16xf32>
        %mul3A_980 = arith.mulf %mul3A_976, %get3A_979 : vector<16xf32>
        %get3A_981 = arith.constant 0 : index
        %get3A_982 = tpu.vector_load %arg11[%get3A_981] {strides = array<i32>} : memref<768xf32, #tpu.memory_space<vmem>>, vector<16xf32>,
        %get3A_983 = vector.shape_cast %get3A_982 : vector<16xf32> to vector<16xf32>
        %add3A_984 = arith.addf %mul3A_980, %get3A_983 : vector<16xf32>
        %swap3A_985 = arith.index_cast %scan3A_26 : i32 to index
        %swap3A_986 = arith.constant 0 : index
        %swap3A_987 = tpu.vector_load %arg9[%swap3A_985, %swap3A_986] {strides = array<i32>} : memref<32x768xf32, #tpu.memory_space<vmem>>, vector<1x16xf32>,
        %swap3A_988 = vector.shape_cast %swap3A_987 : vector<1x16xf32> to vector<16xf32>
        %swap3A_989 = vector.shape_cast %add3A_984 : vector<16xf32> to vector<1x16xf32>
        tpu.vector_store %arg9[%swap3A_985, %swap3A_986], %swap3A_989 {strides = array<i32>} : memref<32x768xf32, #tpu.memory_space<vmem>>, vector<1x16xf32>,
        %get3A_990 = arith.index_cast %scan3A_26 : i32 to index
        %get3A_991 = arith.constant 16 : index
        %get3A_992 = tpu.vector_load %arg9[%get3A_990, %get3A_991] {strides = array<i32>} : memref<32x768xf32, #tpu.memory_space<vmem>>, vector<1x16xf32>,
        %get3A_993 = vector.shape_cast %get3A_992 : vector<1x16xf32> to vector<16xf32>
        %sub3A_994 = vector.broadcast %mul3A_938 : f32 to vector<16xf32>
        %sub3A_995 = arith.subf %get3A_993, %sub3A_994 : vector<16xf32>
        %mul3A_996 = vector.broadcast %mul3A_968 : f32 to vector<16xf32>
        %mul3A_997 = arith.mulf %sub3A_995, %mul3A_996 : vector<16xf32>
        %get3A_998 = arith.constant 16 : index
        %get3A_999 = tpu.vector_load %arg10[%get3A_998] {strides = array<i32>} : memref<768xf32, #tpu.memory_space<vmem>>, vector<16xf32>,
        %get3A_1000 = vector.shape_cast %get3A_999 : vector<16xf32> to vector<16xf32>
        %mul3A_1001 = arith.mulf %mul3A_997, %get3A_1000 : vector<16xf32>
        %get3A_1002 = arith.constant 16 : index
        %get3A_1003 = tpu.vector_load %arg11[%get3A_1002] {strides = array<i32>} : memref<768xf32, #tpu.memory_space<vmem>>, vector<16xf32>,
        %get3A_1004 = vector.shape_cast %get3A_1003 : vector<16xf32> to vector<16xf32>
        %add3A_1005 = arith.addf %mul3A_1001, %get3A_1004 : vector<16xf32>
        %swap3A_1006 = arith.index_cast %scan3A_26 : i32 to index
        %swap3A_1007 = arith.constant 16 : index
        %swap3A_1008 = tpu.vector_load %arg9[%swap3A_1006, %swap3A_1007] {strides = array<i32>} : memref<32x768xf32, #tpu.memory_space<vmem>>, vector<1x16xf32>,
        %swap3A_1009 = vector.shape_cast %swap3A_1008 : vector<1x16xf32> to vector<16xf32>
        %swap3A_1010 = vector.shape_cast %add3A_1005 : vector<16xf32> to vector<1x16xf32>
        tpu.vector_store %arg9[%swap3A_1006, %swap3A_1007], %swap3A_1010 {strides = array<i32>} : memref<32x768xf32, #tpu.memory_space<vmem>>, vector<1x16xf32>,
        %get3A_1011 = arith.index_cast %scan3A_26 : i32 to index
        %get3A_1012 = arith.constant 32 : index
        %get3A_1013 = tpu.vector_load %arg9[%get3A_1011, %get3A_1012] {strides = array<i32>} : memref<32x768xf32, #tpu.memory_space<vmem>>, vector<1x16xf32>,
        %get3A_1014 = vector.shape_cast %get3A_1013 : vector<1x16xf32> to vector<16xf32>
        %sub3A_1015 = vector.broadcast %mul3A_938 : f32 to vector<16xf32>
        %sub3A_1016 = arith.subf %get3A_1014, %sub3A_1015 : vector<16xf32>
        %mul3A_1017 = vector.broadcast %mul3A_968 : f32 to vector<16xf32>
        %mul3A_1018 = arith.mulf %sub3A_1016, %mul3A_1017 : vector<16xf32>
        %get3A_1019 = arith.constant 32 : index
        %get3A_1020 = tpu.vector_load %arg10[%get3A_1019] {strides = array<i32>} : memref<768xf32, #tpu.memory_space<vmem>>, vector<16xf32>,
        %get3A_1021 = vector.shape_cast %get3A_1020 : vector<16xf32> to vector<16xf32>
        %mul3A_1022 = arith.mulf %mul3A_1018, %get3A_1021 : vector<16xf32>
        %get3A_1023 = arith.constant 32 : index
        %get3A_1024 = tpu.vector_load %arg11[%get3A_1023] {strides = array<i32>} : memref<768xf32, #tpu.memory_space<vmem>>, vector<16xf32>,
        %get3A_1025 = vector.shape_cast %get3A_1024 : vector<16xf32> to vector<16xf32>
        %add3A_1026 = arith.addf %mul3A_1022, %get3A_1025 : vector<16xf32>
        %swap3A_1027 = arith.index_cast %scan3A_26 : i32 to index
        %swap3A_1028 = arith.constant 32 : index
        %swap3A_1029 = tpu.vector_load %arg9[%swap3A_1027, %swap3A_1028] {strides = array<i32>} : memref<32x768xf32, #tpu.memory_space<vmem>>, vector<1x16xf32>,
        %swap3A_1030 = vector.shape_cast %swap3A_1029 : vector<1x16xf32> to vector<16xf32>
        %swap3A_1031 = vector.shape_cast %add3A_1026 : vector<16xf32> to vector<1x16xf32>
        tpu.vector_store %arg9[%swap3A_1027, %swap3A_1028], %swap3A_1031 {strides = array<i32>} : memref<32x768xf32, #tpu.memory_space<vmem>>, vector<1x16xf32>,
        %get3A_1032 = arith.index_cast %scan3A_26 : i32 to index
        %get3A_1033 = arith.constant 48 : index
        %get3A_1034 = tpu.vector_load %arg9[%get3A_1032, %get3A_1033] {strides = array<i32>} : memref<32x768xf32, #tpu.memory_space<vmem>>, vector<1x16xf32>,
        %get3A_1035 = vector.shape_cast %get3A_1034 : vector<1x16xf32> to vector<16xf32>
        %sub3A_1036 = vector.broadcast %mul3A_938 : f32 to vector<16xf32>
        %sub3A_1037 = arith.subf %get3A_1035, %sub3A_1036 : vector<16xf32>
        %mul3A_1038 = vector.broadcast %mul3A_968 : f32 to vector<16xf32>
        %mul3A_1039 = arith.mulf %sub3A_1037, %mul3A_1038 : vector<16xf32>
        %get3A_1040 = arith.constant 48 : index
        %get3A_1041 = tpu.vector_load %arg10[%get3A_1040] {strides = array<i32>} : memref<768xf32, #tpu.memory_space<vmem>>, vector<16xf32>,
        %get3A_1042 = vector.shape_cast %get3A_1041 : vector<16xf32> to vector<16xf32>
        %mul3A_1043 = arith.mulf %mul3A_1039, %get3A_1042 : vector<16xf32>
        %get3A_1044 = arith.constant 48 : index
        %get3A_1045 = tpu.vector_load %arg11[%get3A_1044] {strides = array<i32>} : memref<768xf32, #tpu.memory_space<vmem>>, vector<16xf32>,
        %get3A_1046 = vector.shape_cast %get3A_1045 : vector<16xf32> to vector<16xf32>
        %add3A_1047 = arith.addf %mul3A_1043, %get3A_1046 : vector<16xf32>
        %swap3A_1048 = arith.index_cast %scan3A_26 : i32 to index
        %swap3A_1049 = arith.constant 48 : index
        %swap3A_1050 = tpu.vector_load %arg9[%swap3A_1048, %swap3A_1049] {strides = array<i32>} : memref<32x768xf32, #tpu.memory_space<vmem>>, vector<1x16xf32>,
        %swap3A_1051 = vector.shape_cast %swap3A_1050 : vector<1x16xf32> to vector<16xf32>
        %swap3A_1052 = vector.shape_cast %add3A_1047 : vector<16xf32> to vector<1x16xf32>
        tpu.vector_store %arg9[%swap3A_1048, %swap3A_1049], %swap3A_1052 {strides = array<i32>} : memref<32x768xf32, #tpu.memory_space<vmem>>, vector<1x16xf32>,
        %get3A_1053 = arith.index_cast %scan3A_26 : i32 to index
        %get3A_1054 = arith.constant 64 : index
        %get3A_1055 = tpu.vector_load %arg9[%get3A_1053, %get3A_1054] {strides = array<i32>} : memref<32x768xf32, #tpu.memory_space<vmem>>, vector<1x16xf32>,
        %get3A_1056 = vector.shape_cast %get3A_1055 : vector<1x16xf32> to vector<16xf32>
        %sub3A_1057 = vector.broadcast %mul3A_938 : f32 to vector<16xf32>
        %sub3A_1058 = arith.subf %get3A_1056, %sub3A_1057 : vector<16xf32>
        %mul3A_1059 = vector.broadcast %mul3A_968 : f32 to vector<16xf32>
        %mul3A_1060 = arith.mulf %sub3A_1058, %mul3A_1059 : vector<16xf32>
        %get3A_1061 = arith.constant 64 : index
        %get3A_1062 = tpu.vector_load %arg10[%get3A_1061] {strides = array<i32>} : memref<768xf32, #tpu.memory_space<vmem>>, vector<16xf32>,
        %get3A_1063 = vector.shape_cast %get3A_1062 : vector<16xf32> to vector<16xf32>
        %mul3A_1064 = arith.mulf %mul3A_1060, %get3A_1063 : vector<16xf32>
        %get3A_1065 = arith.constant 64 : index
        %get3A_1066 = tpu.vector_load %arg11[%get3A_1065] {strides = array<i32>} : memref<768xf32, #tpu.memory_space<vmem>>, vector<16xf32>,
        %get3A_1067 = vector.shape_cast %get3A_1066 : vector<16xf32> to vector<16xf32>
        %add3A_1068 = arith.addf %mul3A_1064, %get3A_1067 : vector<16xf32>
        %swap3A_1069 = arith.index_cast %scan3A_26 : i32 to index
        %swap3A_1070 = arith.constant 64 : index
        %swap3A_1071 = tpu.vector_load %arg9[%swap3A_1069, %swap3A_1070] {strides = array<i32>} : memref<32x768xf32, #tpu.memory_space<vmem>>, vector<1x16xf32>,
        %swap3A_1072 = vector.shape_cast %swap3A_1071 : vector<1x16xf32> to vector<16xf32>
        %swap3A_1073 = vector.shape_cast %add3A_1068 : vector<16xf32> to vector<1x16xf32>
        tpu.vector_store %arg9[%swap3A_1069, %swap3A_1070], %swap3A_1073 {strides = array<i32>} : memref<32x768xf32, #tpu.memory_space<vmem>>, vector<1x16xf32>,
        %get3A_1074 = arith.index_cast %scan3A_26 : i32 to index
        %get3A_1075 = arith.constant 80 : index
        %get3A_1076 = tpu.vector_load %arg9[%get3A_1074, %get3A_1075] {strides = array<i32>} : memref<32x768xf32, #tpu.memory_space<vmem>>, vector<1x16xf32>,
        %get3A_1077 = vector.shape_cast %get3A_1076 : vector<1x16xf32> to vector<16xf32>
        %sub3A_1078 = vector.broadcast %mul3A_938 : f32 to vector<16xf32>
        %sub3A_1079 = arith.subf %get3A_1077, %sub3A_1078 : vector<16xf32>
        %mul3A_1080 = vector.broadcast %mul3A_968 : f32 to vector<16xf32>
        %mul3A_1081 = arith.mulf %sub3A_1079, %mul3A_1080 : vector<16xf32>
        %get3A_1082 = arith.constant 80 : index
        %get3A_1083 = tpu.vector_load %arg10[%get3A_1082] {strides = array<i32>} : memref<768xf32, #tpu.memory_space<vmem>>, vector<16xf32>,
        %get3A_1084 = vector.shape_cast %get3A_1083 : vector<16xf32> to vector<16xf32>
        %mul3A_1085 = arith.mulf %mul3A_1081, %get3A_1084 : vector<16xf32>
        %get3A_1086 = arith.constant 80 : index
        %get3A_1087 = tpu.vector_load %arg11[%get3A_1086] {strides = array<i32>} : memref<768xf32, #tpu.memory_space<vmem>>, vector<16xf32>,
        %get3A_1088 = vector.shape_cast %get3A_1087 : vector<16xf32> to vector<16xf32>
        %add3A_1089 = arith.addf %mul3A_1085, %get3A_1088 : vector<16xf32>
        %swap3A_1090 = arith.index_cast %scan3A_26 : i32 to index
        %swap3A_1091 = arith.constant 80 : index
        %swap3A_1092 = tpu.vector_load %arg9[%swap3A_1090, %swap3A_1091] {strides = array<i32>} : memref<32x768xf32, #tpu.memory_space<vmem>>, vector<1x16xf32>,
        %swap3A_1093 = vector.shape_cast %swap3A_1092 : vector<1x16xf32> to vector<16xf32>
        %swap3A_1094 = vector.shape_cast %add3A_1089 : vector<16xf32> to vector<1x16xf32>
        tpu.vector_store %arg9[%swap3A_1090, %swap3A_1091], %swap3A_1094 {strides = array<i32>} : memref<32x768xf32, #tpu.memory_space<vmem>>, vector<1x16xf32>,
        %get3A_1095 = arith.index_cast %scan3A_26 : i32 to index
        %get3A_1096 = arith.constant 96 : index
        %get3A_1097 = tpu.vector_load %arg9[%get3A_1095, %get3A_1096] {strides = array<i32>} : memref<32x768xf32, #tpu.memory_space<vmem>>, vector<1x16xf32>,
        %get3A_1098 = vector.shape_cast %get3A_1097 : vector<1x16xf32> to vector<16xf32>
        %sub3A_1099 = vector.broadcast %mul3A_938 : f32 to vector<16xf32>
        %sub3A_1100 = arith.subf %get3A_1098, %sub3A_1099 : vector<16xf32>
        %mul3A_1101 = vector.broadcast %mul3A_968 : f32 to vector<16xf32>
        %mul3A_1102 = arith.mulf %sub3A_1100, %mul3A_1101 : vector<16xf32>
        %get3A_1103 = arith.constant 96 : index
        %get3A_1104 = tpu.vector_load %arg10[%get3A_1103] {strides = array<i32>} : memref<768xf32, #tpu.memory_space<vmem>>, vector<16xf32>,
        %get3A_1105 = vector.shape_cast %get3A_1104 : vector<16xf32> to vector<16xf32>
        %mul3A_1106 = arith.mulf %mul3A_1102, %get3A_1105 : vector<16xf32>
        %get3A_1107 = arith.constant 96 : index
        %get3A_1108 = tpu.vector_load %arg11[%get3A_1107] {strides = array<i32>} : memref<768xf32, #tpu.memory_space<vmem>>, vector<16xf32>,
        %get3A_1109 = vector.shape_cast %get3A_1108 : vector<16xf32> to vector<16xf32>
        %add3A_1110 = arith.addf %mul3A_1106, %get3A_1109 : vector<16xf32>
        %swap3A_1111 = arith.index_cast %scan3A_26 : i32 to index
        %swap3A_1112 = arith.constant 96 : index
        %swap3A_1113 = tpu.vector_load %arg9[%swap3A_1111, %swap3A_1112] {strides = array<i32>} : memref<32x768xf32, #tpu.memory_space<vmem>>, vector<1x16xf32>,
        %swap3A_1114 = vector.shape_cast %swap3A_1113 : vector<1x16xf32> to vector<16xf32>
        %swap3A_1115 = vector.shape_cast %add3A_1110 : vector<16xf32> to vector<1x16xf32>
        tpu.vector_store %arg9[%swap3A_1111, %swap3A_1112], %swap3A_1115 {strides = array<i32>} : memref<32x768xf32, #tpu.memory_space<vmem>>, vector<1x16xf32>,
        %get3A_1116 = arith.index_cast %scan3A_26 : i32 to index
        %get3A_1117 = arith.constant 112 : index
        %get3A_1118 = tpu.vector_load %arg9[%get3A_1116, %get3A_1117] {strides = array<i32>} : memref<32x768xf32, #tpu.memory_space<vmem>>, vector<1x16xf32>,
        %get3A_1119 = vector.shape_cast %get3A_1118 : vector<1x16xf32> to vector<16xf32>
        %sub3A_1120 = vector.broadcast %mul3A_938 : f32 to vector<16xf32>
        %sub3A_1121 = arith.subf %get3A_1119, %sub3A_1120 : vector<16xf32>
        %mul3A_1122 = vector.broadcast %mul3A_968 : f32 to vector<16xf32>
        %mul3A_1123 = arith.mulf %sub3A_1121, %mul3A_1122 : vector<16xf32>
        %get3A_1124 = arith.constant 112 : index
        %get3A_1125 = tpu.vector_load %arg10[%get3A_1124] {strides = array<i32>} : memref<768xf32, #tpu.memory_space<vmem>>, vector<16xf32>,
        %get3A_1126 = vector.shape_cast %get3A_1125 : vector<16xf32> to vector<16xf32>
        %mul3A_1127 = arith.mulf %mul3A_1123, %get3A_1126 : vector<16xf32>
        %get3A_1128 = arith.constant 112 : index
        %get3A_1129 = tpu.vector_load %arg11[%get3A_1128] {strides = array<i32>} : memref<768xf32, #tpu.memory_space<vmem>>, vector<16xf32>,
        %get3A_1130 = vector.shape_cast %get3A_1129 : vector<16xf32> to vector<16xf32>
        %add3A_1131 = arith.addf %mul3A_1127, %get3A_1130 : vector<16xf32>
        %swap3A_1132 = arith.index_cast %scan3A_26 : i32 to index
        %swap3A_1133 = arith.constant 112 : index
        %swap3A_1134 = tpu.vector_load %arg9[%swap3A_1132, %swap3A_1133] {strides = array<i32>} : memref<32x768xf32, #tpu.memory_space<vmem>>, vector<1x16xf32>,
        %swap3A_1135 = vector.shape_cast %swap3A_1134 : vector<1x16xf32> to vector<16xf32>
        %swap3A_1136 = vector.shape_cast %add3A_1131 : vector<16xf32> to vector<1x16xf32>
        tpu.vector_store %arg9[%swap3A_1132, %swap3A_1133], %swap3A_1136 {strides = array<i32>} : memref<32x768xf32, #tpu.memory_space<vmem>>, vector<1x16xf32>,
        %get3A_1137 = arith.index_cast %scan3A_26 : i32 to index
        %get3A_1138 = arith.constant 128 : index
        %get3A_1139 = tpu.vector_load %arg9[%get3A_1137, %get3A_1138] {strides = array<i32>} : memref<32x768xf32, #tpu.memory_space<vmem>>, vector<1x16xf32>,
        %get3A_1140 = vector.shape_cast %get3A_1139 : vector<1x16xf32> to vector<16xf32>
        %sub3A_1141 = vector.broadcast %mul3A_938 : f32 to vector<16xf32>
        %sub3A_1142 = arith.subf %get3A_1140, %sub3A_1141 : vector<16xf32>
        %mul3A_1143 = vector.broadcast %mul3A_968 : f32 to vector<16xf32>
        %mul3A_1144 = arith.mulf %sub3A_1142, %mul3A_1143 : vector<16xf32>
        %get3A_1145 = arith.constant 128 : index
        %get3A_1146 = tpu.vector_load %arg10[%get3A_1145] {strides = array<i32>} : memref<768xf32, #tpu.memory_space<vmem>>, vector<16xf32>,
        %get3A_1147 = vector.shape_cast %get3A_1146 : vector<16xf32> to vector<16xf32>
        %mul3A_1148 = arith.mulf %mul3A_1144, %get3A_1147 : vector<16xf32>
        %get3A_1149 = arith.constant 128 : index
        %get3A_1150 = tpu.vector_load %arg11[%get3A_1149] {strides = array<i32>} : memref<768xf32, #tpu.memory_space<vmem>>, vector<16xf32>,
        %get3A_1151 = vector.shape_cast %get3A_1150 : vector<16xf32> to vector<16xf32>
        %add3A_1152 = arith.addf %mul3A_1148, %get3A_1151 : vector<16xf32>
        %swap3A_1153 = arith.index_cast %scan3A_26 : i32 to index
        %swap3A_1154 = arith.constant 128 : index
        %swap3A_1155 = tpu.vector_load %arg9[%swap3A_1153, %swap3A_1154] {strides = array<i32>} : memref<32x768xf32, #tpu.memory_space<vmem>>, vector<1x16xf32>,
        %swap3A_1156 = vector.shape_cast %swap3A_1155 : vector<1x16xf32> to vector<16xf32>
        %swap3A_1157 = vector.shape_cast %add3A_1152 : vector<16xf32> to vector<1x16xf32>
        tpu.vector_store %arg9[%swap3A_1153, %swap3A_1154], %swap3A_1157 {strides = array<i32>} : memref<32x768xf32, #tpu.memory_space<vmem>>, vector<1x16xf32>,
        %get3A_1158 = arith.index_cast %scan3A_26 : i32 to index
        %get3A_1159 = arith.constant 144 : index
        %get3A_1160 = tpu.vector_load %arg9[%get3A_1158, %get3A_1159] {strides = array<i32>} : memref<32x768xf32, #tpu.memory_space<vmem>>, vector<1x16xf32>,
        %get3A_1161 = vector.shape_cast %get3A_1160 : vector<1x16xf32> to vector<16xf32>
        %sub3A_1162 = vector.broadcast %mul3A_938 : f32 to vector<16xf32>
        %sub3A_1163 = arith.subf %get3A_1161, %sub3A_1162 : vector<16xf32>
        %mul3A_1164 = vector.broadcast %mul3A_968 : f32 to vector<16xf32>
        %mul3A_1165 = arith.mulf %sub3A_1163, %mul3A_1164 : vector<16xf32>
        %get3A_1166 = arith.constant 144 : index
        %get3A_1167 = tpu.vector_load %arg10[%get3A_1166] {strides = array<i32>} : memref<768xf32, #tpu.memory_space<vmem>>, vector<16xf32>,
        %get3A_1168 = vector.shape_cast %get3A_1167 : vector<16xf32> to vector<16xf32>
        %mul3A_1169 = arith.mulf %mul3A_1165, %get3A_1168 : vector<16xf32>
        %get3A_1170 = arith.constant 144 : index
        %get3A_1171 = tpu.vector_load %arg11[%get3A_1170] {strides = array<i32>} : memref<768xf32, #tpu.memory_space<vmem>>, vector<16xf32>,
        %get3A_1172 = vector.shape_cast %get3A_1171 : vector<16xf32> to vector<16xf32>
        %add3A_1173 = arith.addf %mul3A_1169, %get3A_1172 : vector<16xf32>
        %swap3A_1174 = arith.index_cast %scan3A_26 : i32 to index
        %swap3A_1175 = arith.constant 144 : index
        %swap3A_1176 = tpu.vector_load %arg9[%swap3A_1174, %swap3A_1175] {strides = array<i32>} : memref<32x768xf32, #tpu.memory_space<vmem>>, vector<1x16xf32>,
        %swap3A_1177 = vector.shape_cast %swap3A_1176 : vector<1x16xf32> to vector<16xf32>
        %swap3A_1178 = vector.shape_cast %add3A_1173 : vector<16xf32> to vector<1x16xf32>
        tpu.vector_store %arg9[%swap3A_1174, %swap3A_1175], %swap3A_1178 {strides = array<i32>} : memref<32x768xf32, #tpu.memory_space<vmem>>, vector<1x16xf32>,
        %get3A_1179 = arith.index_cast %scan3A_26 : i32 to index
        %get3A_1180 = arith.constant 160 : index
        %get3A_1181 = tpu.vector_load %arg9[%get3A_1179, %get3A_1180] {strides = array<i32>} : memref<32x768xf32, #tpu.memory_space<vmem>>, vector<1x16xf32>,
        %get3A_1182 = vector.shape_cast %get3A_1181 : vector<1x16xf32> to vector<16xf32>
        %sub3A_1183 = vector.broadcast %mul3A_938 : f32 to vector<16xf32>
        %sub3A_1184 = arith.subf %get3A_1182, %sub3A_1183 : vector<16xf32>
        %mul3A_1185 = vector.broadcast %mul3A_968 : f32 to vector<16xf32>
        %mul3A_1186 = arith.mulf %sub3A_1184, %mul3A_1185 : vector<16xf32>
        %get3A_1187 = arith.constant 160 : index
        %get3A_1188 = tpu.vector_load %arg10[%get3A_1187] {strides = array<i32>} : memref<768xf32, #tpu.memory_space<vmem>>, vector<16xf32>,
        %get3A_1189 = vector.shape_cast %get3A_1188 : vector<16xf32> to vector<16xf32>
        %mul3A_1190 = arith.mulf %mul3A_1186, %get3A_1189 : vector<16xf32>
        %get3A_1191 = arith.constant 160 : index
        %get3A_1192 = tpu.vector_load %arg11[%get3A_1191] {strides = array<i32>} : memref<768xf32, #tpu.memory_space<vmem>>, vector<16xf32>,
        %get3A_1193 = vector.shape_cast %get3A_1192 : vector<16xf32> to vector<16xf32>
        %add3A_1194 = arith.addf %mul3A_1190, %get3A_1193 : vector<16xf32>
        %swap3A_1195 = arith.index_cast %scan3A_26 : i32 to index
        %swap3A_1196 = arith.constant 160 : index
        %swap3A_1197 = tpu.vector_load %arg9[%swap3A_1195, %swap3A_1196] {strides = array<i32>} : memref<32x768xf32, #tpu.memory_space<vmem>>, vector<1x16xf32>,
        %swap3A_1198 = vector.shape_cast %swap3A_1197 : vector<1x16xf32> to vector<16xf32>
        %swap3A_1199 = vector.shape_cast %add3A_1194 : vector<16xf32> to vector<1x16xf32>
        tpu.vector_store %arg9[%swap3A_1195, %swap3A_1196], %swap3A_1199 {strides = array<i32>} : memref<32x768xf32, #tpu.memory_space<vmem>>, vector<1x16xf32>,
        %get3A_1200 = arith.index_cast %scan3A_26 : i32 to index
        %get3A_1201 = arith.constant 176 : index
        %get3A_1202 = tpu.vector_load %arg9[%get3A_1200, %get3A_1201] {strides = array<i32>} : memref<32x768xf32, #tpu.memory_space<vmem>>, vector<1x16xf32>,
        %get3A_1203 = vector.shape_cast %get3A_1202 : vector<1x16xf32> to vector<16xf32>
        %sub3A_1204 = vector.broadcast %mul3A_938 : f32 to vector<16xf32>
        %sub3A_1205 = arith.subf %get3A_1203, %sub3A_1204 : vector<16xf32>
        %mul3A_1206 = vector.broadcast %mul3A_968 : f32 to vector<16xf32>
        %mul3A_1207 = arith.mulf %sub3A_1205, %mul3A_1206 : vector<16xf32>
        %get3A_1208 = arith.constant 176 : index
        %get3A_1209 = tpu.vector_load %arg10[%get3A_1208] {strides = array<i32>} : memref<768xf32, #tpu.memory_space<vmem>>, vector<16xf32>,
        %get3A_1210 = vector.shape_cast %get3A_1209 : vector<16xf32> to vector<16xf32>
        %mul3A_1211 = arith.mulf %mul3A_1207, %get3A_1210 : vector<16xf32>
        %get3A_1212 = arith.constant 176 : index
        %get3A_1213 = tpu.vector_load %arg11[%get3A_1212] {strides = array<i32>} : memref<768xf32, #tpu.memory_space<vmem>>, vector<16xf32>,
        %get3A_1214 = vector.shape_cast %get3A_1213 : vector<16xf32> to vector<16xf32>
        %add3A_1215 = arith.addf %mul3A_1211, %get3A_1214 : vector<16xf32>
        %swap3A_1216 = arith.index_cast %scan3A_26 : i32 to index
        %swap3A_1217 = arith.constant 176 : index
        %swap3A_1218 = tpu.vector_load %arg9[%swap3A_1216, %swap3A_1217] {strides = array<i32>} : memref<32x768xf32, #tpu.memory_space<vmem>>, vector<1x16xf32>,
        %swap3A_1219 = vector.shape_cast %swap3A_1218 : vector<1x16xf32> to vector<16xf32>
        %swap3A_1220 = vector.shape_cast %add3A_1215 : vector<16xf32> to vector<1x16xf32>
        tpu.vector_store %arg9[%swap3A_1216, %swap3A_1217], %swap3A_1220 {strides = array<i32>} : memref<32x768xf32, #tpu.memory_space<vmem>>, vector<1x16xf32>,
        %get3A_1221 = arith.index_cast %scan3A_26 : i32 to index
        %get3A_1222 = arith.constant 192 : index
        %get3A_1223 = tpu.vector_load %arg9[%get3A_1221, %get3A_1222] {strides = array<i32>} : memref<32x768xf32, #tpu.memory_space<vmem>>, vector<1x16xf32>,
        %get3A_1224 = vector.shape_cast %get3A_1223 : vector<1x16xf32> to vector<16xf32>
        %sub3A_1225 = vector.broadcast %mul3A_938 : f32 to vector<16xf32>
        %sub3A_1226 = arith.subf %get3A_1224, %sub3A_1225 : vector<16xf32>
        %mul3A_1227 = vector.broadcast %mul3A_968 : f32 to vector<16xf32>
        %mul3A_1228 = arith.mulf %sub3A_1226, %mul3A_1227 : vector<16xf32>
        %get3A_1229 = arith.constant 192 : index
        %get3A_1230 = tpu.vector_load %arg10[%get3A_1229] {strides = array<i32>} : memref<768xf32, #tpu.memory_space<vmem>>, vector<16xf32>,
        %get3A_1231 = vector.shape_cast %get3A_1230 : vector<16xf32> to vector<16xf32>
        %mul3A_1232 = arith.mulf %mul3A_1228, %get3A_1231 : vector<16xf32>
        %get3A_1233 = arith.constant 192 : index
        %get3A_1234 = tpu.vector_load %arg11[%get3A_1233] {strides = array<i32>} : memref<768xf32, #tpu.memory_space<vmem>>, vector<16xf32>,
        %get3A_1235 = vector.shape_cast %get3A_1234 : vector<16xf32> to vector<16xf32>
        %add3A_1236 = arith.addf %mul3A_1232, %get3A_1235 : vector<16xf32>
        %swap3A_1237 = arith.index_cast %scan3A_26 : i32 to index
        %swap3A_1238 = arith.constant 192 : index
        %swap3A_1239 = tpu.vector_load %arg9[%swap3A_1237, %swap3A_1238] {strides = array<i32>} : memref<32x768xf32, #tpu.memory_space<vmem>>, vector<1x16xf32>,
        %swap3A_1240 = vector.shape_cast %swap3A_1239 : vector<1x16xf32> to vector<16xf32>
        %swap3A_1241 = vector.shape_cast %add3A_1236 : vector<16xf32> to vector<1x16xf32>
        tpu.vector_store %arg9[%swap3A_1237, %swap3A_1238], %swap3A_1241 {strides = array<i32>} : memref<32x768xf32, #tpu.memory_space<vmem>>, vector<1x16xf32>,
        %get3A_1242 = arith.index_cast %scan3A_26 : i32 to index
        %get3A_1243 = arith.constant 208 : index
        %get3A_1244 = tpu.vector_load %arg9[%get3A_1242, %get3A_1243] {strides = array<i32>} : memref<32x768xf32, #tpu.memory_space<vmem>>, vector<1x16xf32>,
        %get3A_1245 = vector.shape_cast %get3A_1244 : vector<1x16xf32> to vector<16xf32>
        %sub3A_1246 = vector.broadcast %mul3A_938 : f32 to vector<16xf32>
        %sub3A_1247 = arith.subf %get3A_1245, %sub3A_1246 : vector<16xf32>
        %mul3A_1248 = vector.broadcast %mul3A_968 : f32 to vector<16xf32>
        %mul3A_1249 = arith.mulf %sub3A_1247, %mul3A_1248 : vector<16xf32>
        %get3A_1250 = arith.constant 208 : index
        %get3A_1251 = tpu.vector_load %arg10[%get3A_1250] {strides = array<i32>} : memref<768xf32, #tpu.memory_space<vmem>>, vector<16xf32>,
        %get3A_1252 = vector.shape_cast %get3A_1251 : vector<16xf32> to vector<16xf32>
        %mul3A_1253 = arith.mulf %mul3A_1249, %get3A_1252 : vector<16xf32>
        %get3A_1254 = arith.constant 208 : index
        %get3A_1255 = tpu.vector_load %arg11[%get3A_1254] {strides = array<i32>} : memref<768xf32, #tpu.memory_space<vmem>>, vector<16xf32>,
        %get3A_1256 = vector.shape_cast %get3A_1255 : vector<16xf32> to vector<16xf32>
        %add3A_1257 = arith.addf %mul3A_1253, %get3A_1256 : vector<16xf32>
        %swap3A_1258 = arith.index_cast %scan3A_26 : i32 to index
        %swap3A_1259 = arith.constant 208 : index
        %swap3A_1260 = tpu.vector_load %arg9[%swap3A_1258, %swap3A_1259] {strides = array<i32>} : memref<32x768xf32, #tpu.memory_space<vmem>>, vector<1x16xf32>,
        %swap3A_1261 = vector.shape_cast %swap3A_1260 : vector<1x16xf32> to vector<16xf32>
        %swap3A_1262 = vector.shape_cast %add3A_1257 : vector<16xf32> to vector<1x16xf32>
        tpu.vector_store %arg9[%swap3A_1258, %swap3A_1259], %swap3A_1262 {strides = array<i32>} : memref<32x768xf32, #tpu.memory_space<vmem>>, vector<1x16xf32>,
        %get3A_1263 = arith.index_cast %scan3A_26 : i32 to index
        %get3A_1264 = arith.constant 224 : index
        %get3A_1265 = tpu.vector_load %arg9[%get3A_1263, %get3A_1264] {strides = array<i32>} : memref<32x768xf32, #tpu.memory_space<vmem>>, vector<1x16xf32>,
        %get3A_1266 = vector.shape_cast %get3A_1265 : vector<1x16xf32> to vector<16xf32>
        %sub3A_1267 = vector.broadcast %mul3A_938 : f32 to vector<16xf32>
        %sub3A_1268 = arith.subf %get3A_1266, %sub3A_1267 : vector<16xf32>
        %mul3A_1269 = vector.broadcast %mul3A_968 : f32 to vector<16xf32>
        %mul3A_1270 = arith.mulf %sub3A_1268, %mul3A_1269 : vector<16xf32>
        %get3A_1271 = arith.constant 224 : index
        %get3A_1272 = tpu.vector_load %arg10[%get3A_1271] {strides = array<i32>} : memref<768xf32, #tpu.memory_space<vmem>>, vector<16xf32>,
        %get3A_1273 = vector.shape_cast %get3A_1272 : vector<16xf32> to vector<16xf32>
        %mul3A_1274 = arith.mulf %mul3A_1270, %get3A_1273 : vector<16xf32>
        %get3A_1275 = arith.constant 224 : index
        %get3A_1276 = tpu.vector_load %arg11[%get3A_1275] {strides = array<i32>} : memref<768xf32, #tpu.memory_space<vmem>>, vector<16xf32>,
        %get3A_1277 = vector.shape_cast %get3A_1276 : vector<16xf32> to vector<16xf32>
        %add3A_1278 = arith.addf %mul3A_1274, %get3A_1277 : vector<16xf32>
        %swap3A_1279 = arith.index_cast %scan3A_26 : i32 to index
        %swap3A_1280 = arith.constant 224 : index
        %swap3A_1281 = tpu.vector_load %arg9[%swap3A_1279, %swap3A_1280] {strides = array<i32>} : memref<32x768xf32, #tpu.memory_space<vmem>>, vector<1x16xf32>,
        %swap3A_1282 = vector.shape_cast %swap3A_1281 : vector<1x16xf32> to vector<16xf32>
        %swap3A_1283 = vector.shape_cast %add3A_1278 : vector<16xf32> to vector<1x16xf32>
        tpu.vector_store %arg9[%swap3A_1279, %swap3A_1280], %swap3A_1283 {strides = array<i32>} : memref<32x768xf32, #tpu.memory_space<vmem>>, vector<1x16xf32>,
        %get3A_1284 = arith.index_cast %scan3A_26 : i32 to index
        %get3A_1285 = arith.constant 240 : index
        %get3A_1286 = tpu.vector_load %arg9[%get3A_1284, %get3A_1285] {strides = array<i32>} : memref<32x768xf32, #tpu.memory_space<vmem>>, vector<1x16xf32>,
        %get3A_1287 = vector.shape_cast %get3A_1286 : vector<1x16xf32> to vector<16xf32>
        %sub3A_1288 = vector.broadcast %mul3A_938 : f32 to vector<16xf32>
        %sub3A_1289 = arith.subf %get3A_1287, %sub3A_1288 : vector<16xf32>
        %mul3A_1290 = vector.broadcast %mul3A_968 : f32 to vector<16xf32>
        %mul3A_1291 = arith.mulf %sub3A_1289, %mul3A_1290 : vector<16xf32>
        %get3A_1292 = arith.constant 240 : index
        %get3A_1293 = tpu.vector_load %arg10[%get3A_1292] {strides = array<i32>} : memref<768xf32, #tpu.memory_space<vmem>>, vector<16xf32>,
        %get3A_1294 = vector.shape_cast %get3A_1293 : vector<16xf32> to vector<16xf32>
        %mul3A_1295 = arith.mulf %mul3A_1291, %get3A_1294 : vector<16xf32>
        %get3A_1296 = arith.constant 240 : index
        %get3A_1297 = tpu.vector_load %arg11[%get3A_1296] {strides = array<i32>} : memref<768xf32, #tpu.memory_space<vmem>>, vector<16xf32>,
        %get3A_1298 = vector.shape_cast %get3A_1297 : vector<16xf32> to vector<16xf32>
        %add3A_1299 = arith.addf %mul3A_1295, %get3A_1298 : vector<16xf32>
        %swap3A_1300 = arith.index_cast %scan3A_26 : i32 to index
        %swap3A_1301 = arith.constant 240 : index
        %swap3A_1302 = tpu.vector_load %arg9[%swap3A_1300, %swap3A_1301] {strides = array<i32>} : memref<32x768xf32, #tpu.memory_space<vmem>>, vector<1x16xf32>,
        %swap3A_1303 = vector.shape_cast %swap3A_1302 : vector<1x16xf32> to vector<16xf32>
        %swap3A_1304 = vector.shape_cast %add3A_1299 : vector<16xf32> to vector<1x16xf32>
        tpu.vector_store %arg9[%swap3A_1300, %swap3A_1301], %swap3A_1304 {strides = array<i32>} : memref<32x768xf32, #tpu.memory_space<vmem>>, vector<1x16xf32>,
        %get3A_1305 = arith.index_cast %scan3A_26 : i32 to index
        %get3A_1306 = arith.constant 256 : index
        %get3A_1307 = tpu.vector_load %arg9[%get3A_1305, %get3A_1306] {strides = array<i32>} : memref<32x768xf32, #tpu.memory_space<vmem>>, vector<1x16xf32>,
        %get3A_1308 = vector.shape_cast %get3A_1307 : vector<1x16xf32> to vector<16xf32>
        %sub3A_1309 = vector.broadcast %mul3A_938 : f32 to vector<16xf32>
        %sub3A_1310 = arith.subf %get3A_1308, %sub3A_1309 : vector<16xf32>
        %mul3A_1311 = vector.broadcast %mul3A_968 : f32 to vector<16xf32>
        %mul3A_1312 = arith.mulf %sub3A_1310, %mul3A_1311 : vector<16xf32>
        %get3A_1313 = arith.constant 256 : index
        %get3A_1314 = tpu.vector_load %arg10[%get3A_1313] {strides = array<i32>} : memref<768xf32, #tpu.memory_space<vmem>>, vector<16xf32>,
        %get3A_1315 = vector.shape_cast %get3A_1314 : vector<16xf32> to vector<16xf32>
        %mul3A_1316 = arith.mulf %mul3A_1312, %get3A_1315 : vector<16xf32>
        %get3A_1317 = arith.constant 256 : index
        %get3A_1318 = tpu.vector_load %arg11[%get3A_1317] {strides = array<i32>} : memref<768xf32, #tpu.memory_space<vmem>>, vector<16xf32>,
        %get3A_1319 = vector.shape_cast %get3A_1318 : vector<16xf32> to vector<16xf32>
        %add3A_1320 = arith.addf %mul3A_1316, %get3A_1319 : vector<16xf32>
        %swap3A_1321 = arith.index_cast %scan3A_26 : i32 to index
        %swap3A_1322 = arith.constant 256 : index
        %swap3A_1323 = tpu.vector_load %arg9[%swap3A_1321, %swap3A_1322] {strides = array<i32>} : memref<32x768xf32, #tpu.memory_space<vmem>>, vector<1x16xf32>,
        %swap3A_1324 = vector.shape_cast %swap3A_1323 : vector<1x16xf32> to vector<16xf32>
        %swap3A_1325 = vector.shape_cast %add3A_1320 : vector<16xf32> to vector<1x16xf32>
        tpu.vector_store %arg9[%swap3A_1321, %swap3A_1322], %swap3A_1325 {strides = array<i32>} : memref<32x768xf32, #tpu.memory_space<vmem>>, vector<1x16xf32>,
        %get3A_1326 = arith.index_cast %scan3A_26 : i32 to index
        %get3A_1327 = arith.constant 272 : index
        %get3A_1328 = tpu.vector_load %arg9[%get3A_1326, %get3A_1327] {strides = array<i32>} : memref<32x768xf32, #tpu.memory_space<vmem>>, vector<1x16xf32>,
        %get3A_1329 = vector.shape_cast %get3A_1328 : vector<1x16xf32> to vector<16xf32>
        %sub3A_1330 = vector.broadcast %mul3A_938 : f32 to vector<16xf32>
        %sub3A_1331 = arith.subf %get3A_1329, %sub3A_1330 : vector<16xf32>
        %mul3A_1332 = vector.broadcast %mul3A_968 : f32 to vector<16xf32>
        %mul3A_1333 = arith.mulf %sub3A_1331, %mul3A_1332 : vector<16xf32>
        %get3A_1334 = arith.constant 272 : index
        %get3A_1335 = tpu.vector_load %arg10[%get3A_1334] {strides = array<i32>} : memref<768xf32, #tpu.memory_space<vmem>>, vector<16xf32>,
        %get3A_1336 = vector.shape_cast %get3A_1335 : vector<16xf32> to vector<16xf32>
        %mul3A_1337 = arith.mulf %mul3A_1333, %get3A_1336 : vector<16xf32>
        %get3A_1338 = arith.constant 272 : index
        %get3A_1339 = tpu.vector_load %arg11[%get3A_1338] {strides = array<i32>} : memref<768xf32, #tpu.memory_space<vmem>>, vector<16xf32>,
        %get3A_1340 = vector.shape_cast %get3A_1339 : vector<16xf32> to vector<16xf32>
        %add3A_1341 = arith.addf %mul3A_1337, %get3A_1340 : vector<16xf32>
        %swap3A_1342 = arith.index_cast %scan3A_26 : i32 to index
        %swap3A_1343 = arith.constant 272 : index
        %swap3A_1344 = tpu.vector_load %arg9[%swap3A_1342, %swap3A_1343] {strides = array<i32>} : memref<32x768xf32, #tpu.memory_space<vmem>>, vector<1x16xf32>,
        %swap3A_1345 = vector.shape_cast %swap3A_1344 : vector<1x16xf32> to vector<16xf32>
        %swap3A_1346 = vector.shape_cast %add3A_1341 : vector<16xf32> to vector<1x16xf32>
        tpu.vector_store %arg9[%swap3A_1342, %swap3A_1343], %swap3A_1346 {strides = array<i32>} : memref<32x768xf32, #tpu.memory_space<vmem>>, vector<1x16xf32>,
        %get3A_1347 = arith.index_cast %scan3A_26 : i32 to index
        %get3A_1348 = arith.constant 288 : index
        %get3A_1349 = tpu.vector_load %arg9[%get3A_1347, %get3A_1348] {strides = array<i32>} : memref<32x768xf32, #tpu.memory_space<vmem>>, vector<1x16xf32>,
        %get3A_1350 = vector.shape_cast %get3A_1349 : vector<1x16xf32> to vector<16xf32>
        %sub3A_1351 = vector.broadcast %mul3A_938 : f32 to vector<16xf32>
        %sub3A_1352 = arith.subf %get3A_1350, %sub3A_1351 : vector<16xf32>
        %mul3A_1353 = vector.broadcast %mul3A_968 : f32 to vector<16xf32>
        %mul3A_1354 = arith.mulf %sub3A_1352, %mul3A_1353 : vector<16xf32>
        %get3A_1355 = arith.constant 288 : index
        %get3A_1356 = tpu.vector_load %arg10[%get3A_1355] {strides = array<i32>} : memref<768xf32, #tpu.memory_space<vmem>>, vector<16xf32>,
        %get3A_1357 = vector.shape_cast %get3A_1356 : vector<16xf32> to vector<16xf32>
        %mul3A_1358 = arith.mulf %mul3A_1354, %get3A_1357 : vector<16xf32>
        %get3A_1359 = arith.constant 288 : index
        %get3A_1360 = tpu.vector_load %arg11[%get3A_1359] {strides = array<i32>} : memref<768xf32, #tpu.memory_space<vmem>>, vector<16xf32>,
        %get3A_1361 = vector.shape_cast %get3A_1360 : vector<16xf32> to vector<16xf32>
        %add3A_1362 = arith.addf %mul3A_1358, %get3A_1361 : vector<16xf32>
        %swap3A_1363 = arith.index_cast %scan3A_26 : i32 to index
        %swap3A_1364 = arith.constant 288 : index
        %swap3A_1365 = tpu.vector_load %arg9[%swap3A_1363, %swap3A_1364] {strides = array<i32>} : memref<32x768xf32, #tpu.memory_space<vmem>>, vector<1x16xf32>,
        %swap3A_1366 = vector.shape_cast %swap3A_1365 : vector<1x16xf32> to vector<16xf32>
        %swap3A_1367 = vector.shape_cast %add3A_1362 : vector<16xf32> to vector<1x16xf32>
        tpu.vector_store %arg9[%swap3A_1363, %swap3A_1364], %swap3A_1367 {strides = array<i32>} : memref<32x768xf32, #tpu.memory_space<vmem>>, vector<1x16xf32>,
        %get3A_1368 = arith.index_cast %scan3A_26 : i32 to index
        %get3A_1369 = arith.constant 304 : index
        %get3A_1370 = tpu.vector_load %arg9[%get3A_1368, %get3A_1369] {strides = array<i32>} : memref<32x768xf32, #tpu.memory_space<vmem>>, vector<1x16xf32>,
        %get3A_1371 = vector.shape_cast %get3A_1370 : vector<1x16xf32> to vector<16xf32>
        %sub3A_1372 = vector.broadcast %mul3A_938 : f32 to vector<16xf32>
        %sub3A_1373 = arith.subf %get3A_1371, %sub3A_1372 : vector<16xf32>
        %mul3A_1374 = vector.broadcast %mul3A_968 : f32 to vector<16xf32>
        %mul3A_1375 = arith.mulf %sub3A_1373, %mul3A_1374 : vector<16xf32>
        %get3A_1376 = arith.constant 304 : index
        %get3A_1377 = tpu.vector_load %arg10[%get3A_1376] {strides = array<i32>} : memref<768xf32, #tpu.memory_space<vmem>>, vector<16xf32>,
        %get3A_1378 = vector.shape_cast %get3A_1377 : vector<16xf32> to vector<16xf32>
        %mul3A_1379 = arith.mulf %mul3A_1375, %get3A_1378 : vector<16xf32>
        %get3A_1380 = arith.constant 304 : index
        %get3A_1381 = tpu.vector_load %arg11[%get3A_1380] {strides = array<i32>} : memref<768xf32, #tpu.memory_space<vmem>>, vector<16xf32>,
        %get3A_1382 = vector.shape_cast %get3A_1381 : vector<16xf32> to vector<16xf32>
        %add3A_1383 = arith.addf %mul3A_1379, %get3A_1382 : vector<16xf32>
        %swap3A_1384 = arith.index_cast %scan3A_26 : i32 to index
        %swap3A_1385 = arith.constant 304 : index
        %swap3A_1386 = tpu.vector_load %arg9[%swap3A_1384, %swap3A_1385] {strides = array<i32>} : memref<32x768xf32, #tpu.memory_space<vmem>>, vector<1x16xf32>,
        %swap3A_1387 = vector.shape_cast %swap3A_1386 : vector<1x16xf32> to vector<16xf32>
        %swap3A_1388 = vector.shape_cast %add3A_1383 : vector<16xf32> to vector<1x16xf32>
        tpu.vector_store %arg9[%swap3A_1384, %swap3A_1385], %swap3A_1388 {strides = array<i32>} : memref<32x768xf32, #tpu.memory_space<vmem>>, vector<1x16xf32>,
        %get3A_1389 = arith.index_cast %scan3A_26 : i32 to index
        %get3A_1390 = arith.constant 320 : index
        %get3A_1391 = tpu.vector_load %arg9[%get3A_1389, %get3A_1390] {strides = array<i32>} : memref<32x768xf32, #tpu.memory_space<vmem>>, vector<1x16xf32>,
        %get3A_1392 = vector.shape_cast %get3A_1391 : vector<1x16xf32> to vector<16xf32>
        %sub3A_1393 = vector.broadcast %mul3A_938 : f32 to vector<16xf32>
        %sub3A_1394 = arith.subf %get3A_1392, %sub3A_1393 : vector<16xf32>
        %mul3A_1395 = vector.broadcast %mul3A_968 : f32 to vector<16xf32>
        %mul3A_1396 = arith.mulf %sub3A_1394, %mul3A_1395 : vector<16xf32>
        %get3A_1397 = arith.constant 320 : index
        %get3A_1398 = tpu.vector_load %arg10[%get3A_1397] {strides = array<i32>} : memref<768xf32, #tpu.memory_space<vmem>>, vector<16xf32>,
        %get3A_1399 = vector.shape_cast %get3A_1398 : vector<16xf32> to vector<16xf32>
        %mul3A_1400 = arith.mulf %mul3A_1396, %get3A_1399 : vector<16xf32>
        %get3A_1401 = arith.constant 320 : index
        %get3A_1402 = tpu.vector_load %arg11[%get3A_1401] {strides = array<i32>} : memref<768xf32, #tpu.memory_space<vmem>>, vector<16xf32>,
        %get3A_1403 = vector.shape_cast %get3A_1402 : vector<16xf32> to vector<16xf32>
        %add3A_1404 = arith.addf %mul3A_1400, %get3A_1403 : vector<16xf32>
        %swap3A_1405 = arith.index_cast %scan3A_26 : i32 to index
        %swap3A_1406 = arith.constant 320 : index
        %swap3A_1407 = tpu.vector_load %arg9[%swap3A_1405, %swap3A_1406] {strides = array<i32>} : memref<32x768xf32, #tpu.memory_space<vmem>>, vector<1x16xf32>,
        %swap3A_1408 = vector.shape_cast %swap3A_1407 : vector<1x16xf32> to vector<16xf32>
        %swap3A_1409 = vector.shape_cast %add3A_1404 : vector<16xf32> to vector<1x16xf32>
        tpu.vector_store %arg9[%swap3A_1405, %swap3A_1406], %swap3A_1409 {strides = array<i32>} : memref<32x768xf32, #tpu.memory_space<vmem>>, vector<1x16xf32>,
        %get3A_1410 = arith.index_cast %scan3A_26 : i32 to index
        %get3A_1411 = arith.constant 336 : index
        %get3A_1412 = tpu.vector_load %arg9[%get3A_1410, %get3A_1411] {strides = array<i32>} : memref<32x768xf32, #tpu.memory_space<vmem>>, vector<1x16xf32>,
        %get3A_1413 = vector.shape_cast %get3A_1412 : vector<1x16xf32> to vector<16xf32>
        %sub3A_1414 = vector.broadcast %mul3A_938 : f32 to vector<16xf32>
        %sub3A_1415 = arith.subf %get3A_1413, %sub3A_1414 : vector<16xf32>
        %mul3A_1416 = vector.broadcast %mul3A_968 : f32 to vector<16xf32>
        %mul3A_1417 = arith.mulf %sub3A_1415, %mul3A_1416 : vector<16xf32>
        %get3A_1418 = arith.constant 336 : index
        %get3A_1419 = tpu.vector_load %arg10[%get3A_1418] {strides = array<i32>} : memref<768xf32, #tpu.memory_space<vmem>>, vector<16xf32>,
        %get3A_1420 = vector.shape_cast %get3A_1419 : vector<16xf32> to vector<16xf32>
        %mul3A_1421 = arith.mulf %mul3A_1417, %get3A_1420 : vector<16xf32>
        %get3A_1422 = arith.constant 336 : index
        %get3A_1423 = tpu.vector_load %arg11[%get3A_1422] {strides = array<i32>} : memref<768xf32, #tpu.memory_space<vmem>>, vector<16xf32>,
        %get3A_1424 = vector.shape_cast %get3A_1423 : vector<16xf32> to vector<16xf32>
        %add3A_1425 = arith.addf %mul3A_1421, %get3A_1424 : vector<16xf32>
        %swap3A_1426 = arith.index_cast %scan3A_26 : i32 to index
        %swap3A_1427 = arith.constant 336 : index
        %swap3A_1428 = tpu.vector_load %arg9[%swap3A_1426, %swap3A_1427] {strides = array<i32>} : memref<32x768xf32, #tpu.memory_space<vmem>>, vector<1x16xf32>,
        %swap3A_1429 = vector.shape_cast %swap3A_1428 : vector<1x16xf32> to vector<16xf32>
        %swap3A_1430 = vector.shape_cast %add3A_1425 : vector<16xf32> to vector<1x16xf32>
        tpu.vector_store %arg9[%swap3A_1426, %swap3A_1427], %swap3A_1430 {strides = array<i32>} : memref<32x768xf32, #tpu.memory_space<vmem>>, vector<1x16xf32>,
        %get3A_1431 = arith.index_cast %scan3A_26 : i32 to index
        %get3A_1432 = arith.constant 352 : index
        %get3A_1433 = tpu.vector_load %arg9[%get3A_1431, %get3A_1432] {strides = array<i32>} : memref<32x768xf32, #tpu.memory_space<vmem>>, vector<1x16xf32>,
        %get3A_1434 = vector.shape_cast %get3A_1433 : vector<1x16xf32> to vector<16xf32>
        %sub3A_1435 = vector.broadcast %mul3A_938 : f32 to vector<16xf32>
        %sub3A_1436 = arith.subf %get3A_1434, %sub3A_1435 : vector<16xf32>
        %mul3A_1437 = vector.broadcast %mul3A_968 : f32 to vector<16xf32>
        %mul3A_1438 = arith.mulf %sub3A_1436, %mul3A_1437 : vector<16xf32>
        %get3A_1439 = arith.constant 352 : index
        %get3A_1440 = tpu.vector_load %arg10[%get3A_1439] {strides = array<i32>} : memref<768xf32, #tpu.memory_space<vmem>>, vector<16xf32>,
        %get3A_1441 = vector.shape_cast %get3A_1440 : vector<16xf32> to vector<16xf32>
        %mul3A_1442 = arith.mulf %mul3A_1438, %get3A_1441 : vector<16xf32>
        %get3A_1443 = arith.constant 352 : index
        %get3A_1444 = tpu.vector_load %arg11[%get3A_1443] {strides = array<i32>} : memref<768xf32, #tpu.memory_space<vmem>>, vector<16xf32>,
        %get3A_1445 = vector.shape_cast %get3A_1444 : vector<16xf32> to vector<16xf32>
        %add3A_1446 = arith.addf %mul3A_1442, %get3A_1445 : vector<16xf32>
        %swap3A_1447 = arith.index_cast %scan3A_26 : i32 to index
        %swap3A_1448 = arith.constant 352 : index
        %swap3A_1449 = tpu.vector_load %arg9[%swap3A_1447, %swap3A_1448] {strides = array<i32>} : memref<32x768xf32, #tpu.memory_space<vmem>>, vector<1x16xf32>,
        %swap3A_1450 = vector.shape_cast %swap3A_1449 : vector<1x16xf32> to vector<16xf32>
        %swap3A_1451 = vector.shape_cast %add3A_1446 : vector<16xf32> to vector<1x16xf32>
        tpu.vector_store %arg9[%swap3A_1447, %swap3A_1448], %swap3A_1451 {strides = array<i32>} : memref<32x768xf32, #tpu.memory_space<vmem>>, vector<1x16xf32>,
        %get3A_1452 = arith.index_cast %scan3A_26 : i32 to index
        %get3A_1453 = arith.constant 368 : index
        %get3A_1454 = tpu.vector_load %arg9[%get3A_1452, %get3A_1453] {strides = array<i32>} : memref<32x768xf32, #tpu.memory_space<vmem>>, vector<1x16xf32>,
        %get3A_1455 = vector.shape_cast %get3A_1454 : vector<1x16xf32> to vector<16xf32>
        %sub3A_1456 = vector.broadcast %mul3A_938 : f32 to vector<16xf32>
        %sub3A_1457 = arith.subf %get3A_1455, %sub3A_1456 : vector<16xf32>
        %mul3A_1458 = vector.broadcast %mul3A_968 : f32 to vector<16xf32>
        %mul3A_1459 = arith.mulf %sub3A_1457, %mul3A_1458 : vector<16xf32>
        %get3A_1460 = arith.constant 368 : index
        %get3A_1461 = tpu.vector_load %arg10[%get3A_1460] {strides = array<i32>} : memref<768xf32, #tpu.memory_space<vmem>>, vector<16xf32>,
        %get3A_1462 = vector.shape_cast %get3A_1461 : vector<16xf32> to vector<16xf32>
        %mul3A_1463 = arith.mulf %mul3A_1459, %get3A_1462 : vector<16xf32>
        %get3A_1464 = arith.constant 368 : index
        %get3A_1465 = tpu.vector_load %arg11[%get3A_1464] {strides = array<i32>} : memref<768xf32, #tpu.memory_space<vmem>>, vector<16xf32>,
        %get3A_1466 = vector.shape_cast %get3A_1465 : vector<16xf32> to vector<16xf32>
        %add3A_1467 = arith.addf %mul3A_1463, %get3A_1466 : vector<16xf32>
        %swap3A_1468 = arith.index_cast %scan3A_26 : i32 to index
        %swap3A_1469 = arith.constant 368 : index
        %swap3A_1470 = tpu.vector_load %arg9[%swap3A_1468, %swap3A_1469] {strides = array<i32>} : memref<32x768xf32, #tpu.memory_space<vmem>>, vector<1x16xf32>,
        %swap3A_1471 = vector.shape_cast %swap3A_1470 : vector<1x16xf32> to vector<16xf32>
        %swap3A_1472 = vector.shape_cast %add3A_1467 : vector<16xf32> to vector<1x16xf32>
        tpu.vector_store %arg9[%swap3A_1468, %swap3A_1469], %swap3A_1472 {strides = array<i32>} : memref<32x768xf32, #tpu.memory_space<vmem>>, vector<1x16xf32>,
        %get3A_1473 = arith.index_cast %scan3A_26 : i32 to index
        %get3A_1474 = arith.constant 384 : index
        %get3A_1475 = tpu.vector_load %arg9[%get3A_1473, %get3A_1474] {strides = array<i32>} : memref<32x768xf32, #tpu.memory_space<vmem>>, vector<1x16xf32>,
        %get3A_1476 = vector.shape_cast %get3A_1475 : vector<1x16xf32> to vector<16xf32>
        %sub3A_1477 = vector.broadcast %mul3A_938 : f32 to vector<16xf32>
        %sub3A_1478 = arith.subf %get3A_1476, %sub3A_1477 : vector<16xf32>
        %mul3A_1479 = vector.broadcast %mul3A_968 : f32 to vector<16xf32>
        %mul3A_1480 = arith.mulf %sub3A_1478, %mul3A_1479 : vector<16xf32>
        %get3A_1481 = arith.constant 384 : index
        %get3A_1482 = tpu.vector_load %arg10[%get3A_1481] {strides = array<i32>} : memref<768xf32, #tpu.memory_space<vmem>>, vector<16xf32>,
        %get3A_1483 = vector.shape_cast %get3A_1482 : vector<16xf32> to vector<16xf32>
        %mul3A_1484 = arith.mulf %mul3A_1480, %get3A_1483 : vector<16xf32>
        %get3A_1485 = arith.constant 384 : index
        %get3A_1486 = tpu.vector_load %arg11[%get3A_1485] {strides = array<i32>} : memref<768xf32, #tpu.memory_space<vmem>>, vector<16xf32>,
        %get3A_1487 = vector.shape_cast %get3A_1486 : vector<16xf32> to vector<16xf32>
        %add3A_1488 = arith.addf %mul3A_1484, %get3A_1487 : vector<16xf32>
        %swap3A_1489 = arith.index_cast %scan3A_26 : i32 to index
        %swap3A_1490 = arith.constant 384 : index
        %swap3A_1491 = tpu.vector_load %arg9[%swap3A_1489, %swap3A_1490] {strides = array<i32>} : memref<32x768xf32, #tpu.memory_space<vmem>>, vector<1x16xf32>,
        %swap3A_1492 = vector.shape_cast %swap3A_1491 : vector<1x16xf32> to vector<16xf32>
        %swap3A_1493 = vector.shape_cast %add3A_1488 : vector<16xf32> to vector<1x16xf32>
        tpu.vector_store %arg9[%swap3A_1489, %swap3A_1490], %swap3A_1493 {strides = array<i32>} : memref<32x768xf32, #tpu.memory_space<vmem>>, vector<1x16xf32>,
        %get3A_1494 = arith.index_cast %scan3A_26 : i32 to index
        %get3A_1495 = arith.constant 400 : index
        %get3A_1496 = tpu.vector_load %arg9[%get3A_1494, %get3A_1495] {strides = array<i32>} : memref<32x768xf32, #tpu.memory_space<vmem>>, vector<1x16xf32>,
        %get3A_1497 = vector.shape_cast %get3A_1496 : vector<1x16xf32> to vector<16xf32>
        %sub3A_1498 = vector.broadcast %mul3A_938 : f32 to vector<16xf32>
        %sub3A_1499 = arith.subf %get3A_1497, %sub3A_1498 : vector<16xf32>
        %mul3A_1500 = vector.broadcast %mul3A_968 : f32 to vector<16xf32>
        %mul3A_1501 = arith.mulf %sub3A_1499, %mul3A_1500 : vector<16xf32>
        %get3A_1502 = arith.constant 400 : index
        %get3A_1503 = tpu.vector_load %arg10[%get3A_1502] {strides = array<i32>} : memref<768xf32, #tpu.memory_space<vmem>>, vector<16xf32>,
        %get3A_1504 = vector.shape_cast %get3A_1503 : vector<16xf32> to vector<16xf32>
        %mul3A_1505 = arith.mulf %mul3A_1501, %get3A_1504 : vector<16xf32>
        %get3A_1506 = arith.constant 400 : index
        %get3A_1507 = tpu.vector_load %arg11[%get3A_1506] {strides = array<i32>} : memref<768xf32, #tpu.memory_space<vmem>>, vector<16xf32>,
        %get3A_1508 = vector.shape_cast %get3A_1507 : vector<16xf32> to vector<16xf32>
        %add3A_1509 = arith.addf %mul3A_1505, %get3A_1508 : vector<16xf32>
        %swap3A_1510 = arith.index_cast %scan3A_26 : i32 to index
        %swap3A_1511 = arith.constant 400 : index
        %swap3A_1512 = tpu.vector_load %arg9[%swap3A_1510, %swap3A_1511] {strides = array<i32>} : memref<32x768xf32, #tpu.memory_space<vmem>>, vector<1x16xf32>,
        %swap3A_1513 = vector.shape_cast %swap3A_1512 : vector<1x16xf32> to vector<16xf32>
        %swap3A_1514 = vector.shape_cast %add3A_1509 : vector<16xf32> to vector<1x16xf32>
        tpu.vector_store %arg9[%swap3A_1510, %swap3A_1511], %swap3A_1514 {strides = array<i32>} : memref<32x768xf32, #tpu.memory_space<vmem>>, vector<1x16xf32>,
        %get3A_1515 = arith.index_cast %scan3A_26 : i32 to index
        %get3A_1516 = arith.constant 416 : index
        %get3A_1517 = tpu.vector_load %arg9[%get3A_1515, %get3A_1516] {strides = array<i32>} : memref<32x768xf32, #tpu.memory_space<vmem>>, vector<1x16xf32>,
        %get3A_1518 = vector.shape_cast %get3A_1517 : vector<1x16xf32> to vector<16xf32>
        %sub3A_1519 = vector.broadcast %mul3A_938 : f32 to vector<16xf32>
        %sub3A_1520 = arith.subf %get3A_1518, %sub3A_1519 : vector<16xf32>
        %mul3A_1521 = vector.broadcast %mul3A_968 : f32 to vector<16xf32>
        %mul3A_1522 = arith.mulf %sub3A_1520, %mul3A_1521 : vector<16xf32>
        %get3A_1523 = arith.constant 416 : index
        %get3A_1524 = tpu.vector_load %arg10[%get3A_1523] {strides = array<i32>} : memref<768xf32, #tpu.memory_space<vmem>>, vector<16xf32>,
        %get3A_1525 = vector.shape_cast %get3A_1524 : vector<16xf32> to vector<16xf32>
        %mul3A_1526 = arith.mulf %mul3A_1522, %get3A_1525 : vector<16xf32>
        %get3A_1527 = arith.constant 416 : index
        %get3A_1528 = tpu.vector_load %arg11[%get3A_1527] {strides = array<i32>} : memref<768xf32, #tpu.memory_space<vmem>>, vector<16xf32>,
        %get3A_1529 = vector.shape_cast %get3A_1528 : vector<16xf32> to vector<16xf32>
        %add3A_1530 = arith.addf %mul3A_1526, %get3A_1529 : vector<16xf32>
        %swap3A_1531 = arith.index_cast %scan3A_26 : i32 to index
        %swap3A_1532 = arith.constant 416 : index
        %swap3A_1533 = tpu.vector_load %arg9[%swap3A_1531, %swap3A_1532] {strides = array<i32>} : memref<32x768xf32, #tpu.memory_space<vmem>>, vector<1x16xf32>,
        %swap3A_1534 = vector.shape_cast %swap3A_1533 : vector<1x16xf32> to vector<16xf32>
        %swap3A_1535 = vector.shape_cast %add3A_1530 : vector<16xf32> to vector<1x16xf32>
        tpu.vector_store %arg9[%swap3A_1531, %swap3A_1532], %swap3A_1535 {strides = array<i32>} : memref<32x768xf32, #tpu.memory_space<vmem>>, vector<1x16xf32>,
        %get3A_1536 = arith.index_cast %scan3A_26 : i32 to index
        %get3A_1537 = arith.constant 432 : index
        %get3A_1538 = tpu.vector_load %arg9[%get3A_1536, %get3A_1537] {strides = array<i32>} : memref<32x768xf32, #tpu.memory_space<vmem>>, vector<1x16xf32>,
        %get3A_1539 = vector.shape_cast %get3A_1538 : vector<1x16xf32> to vector<16xf32>
        %sub3A_1540 = vector.broadcast %mul3A_938 : f32 to vector<16xf32>
        %sub3A_1541 = arith.subf %get3A_1539, %sub3A_1540 : vector<16xf32>
        %mul3A_1542 = vector.broadcast %mul3A_968 : f32 to vector<16xf32>
        %mul3A_1543 = arith.mulf %sub3A_1541, %mul3A_1542 : vector<16xf32>
        %get3A_1544 = arith.constant 432 : index
        %get3A_1545 = tpu.vector_load %arg10[%get3A_1544] {strides = array<i32>} : memref<768xf32, #tpu.memory_space<vmem>>, vector<16xf32>,
        %get3A_1546 = vector.shape_cast %get3A_1545 : vector<16xf32> to vector<16xf32>
        %mul3A_1547 = arith.mulf %mul3A_1543, %get3A_1546 : vector<16xf32>
        %get3A_1548 = arith.constant 432 : index
        %get3A_1549 = tpu.vector_load %arg11[%get3A_1548] {strides = array<i32>} : memref<768xf32, #tpu.memory_space<vmem>>, vector<16xf32>,
        %get3A_1550 = vector.shape_cast %get3A_1549 : vector<16xf32> to vector<16xf32>
        %add3A_1551 = arith.addf %mul3A_1547, %get3A_1550 : vector<16xf32>
        %swap3A_1552 = arith.index_cast %scan3A_26 : i32 to index
        %swap3A_1553 = arith.constant 432 : index
        %swap3A_1554 = tpu.vector_load %arg9[%swap3A_1552, %swap3A_1553] {strides = array<i32>} : memref<32x768xf32, #tpu.memory_space<vmem>>, vector<1x16xf32>,
        %swap3A_1555 = vector.shape_cast %swap3A_1554 : vector<1x16xf32> to vector<16xf32>
        %swap3A_1556 = vector.shape_cast %add3A_1551 : vector<16xf32> to vector<1x16xf32>
        tpu.vector_store %arg9[%swap3A_1552, %swap3A_1553], %swap3A_1556 {strides = array<i32>} : memref<32x768xf32, #tpu.memory_space<vmem>>, vector<1x16xf32>,
        %get3A_1557 = arith.index_cast %scan3A_26 : i32 to index
        %get3A_1558 = arith.constant 448 : index
        %get3A_1559 = tpu.vector_load %arg9[%get3A_1557, %get3A_1558] {strides = array<i32>} : memref<32x768xf32, #tpu.memory_space<vmem>>, vector<1x16xf32>,
        %get3A_1560 = vector.shape_cast %get3A_1559 : vector<1x16xf32> to vector<16xf32>
        %sub3A_1561 = vector.broadcast %mul3A_938 : f32 to vector<16xf32>
        %sub3A_1562 = arith.subf %get3A_1560, %sub3A_1561 : vector<16xf32>
        %mul3A_1563 = vector.broadcast %mul3A_968 : f32 to vector<16xf32>
        %mul3A_1564 = arith.mulf %sub3A_1562, %mul3A_1563 : vector<16xf32>
        %get3A_1565 = arith.constant 448 : index
        %get3A_1566 = tpu.vector_load %arg10[%get3A_1565] {strides = array<i32>} : memref<768xf32, #tpu.memory_space<vmem>>, vector<16xf32>,
        %get3A_1567 = vector.shape_cast %get3A_1566 : vector<16xf32> to vector<16xf32>
        %mul3A_1568 = arith.mulf %mul3A_1564, %get3A_1567 : vector<16xf32>
        %get3A_1569 = arith.constant 448 : index
        %get3A_1570 = tpu.vector_load %arg11[%get3A_1569] {strides = array<i32>} : memref<768xf32, #tpu.memory_space<vmem>>, vector<16xf32>,
        %get3A_1571 = vector.shape_cast %get3A_1570 : vector<16xf32> to vector<16xf32>
        %add3A_1572 = arith.addf %mul3A_1568, %get3A_1571 : vector<16xf32>
        %swap3A_1573 = arith.index_cast %scan3A_26 : i32 to index
        %swap3A_1574 = arith.constant 448 : index
        %swap3A_1575 = tpu.vector_load %arg9[%swap3A_1573, %swap3A_1574] {strides = array<i32>} : memref<32x768xf32, #tpu.memory_space<vmem>>, vector<1x16xf32>,
        %swap3A_1576 = vector.shape_cast %swap3A_1575 : vector<1x16xf32> to vector<16xf32>
        %swap3A_1577 = vector.shape_cast %add3A_1572 : vector<16xf32> to vector<1x16xf32>
        tpu.vector_store %arg9[%swap3A_1573, %swap3A_1574], %swap3A_1577 {strides = array<i32>} : memref<32x768xf32, #tpu.memory_space<vmem>>, vector<1x16xf32>,
        %get3A_1578 = arith.index_cast %scan3A_26 : i32 to index
        %get3A_1579 = arith.constant 464 : index
        %get3A_1580 = tpu.vector_load %arg9[%get3A_1578, %get3A_1579] {strides = array<i32>} : memref<32x768xf32, #tpu.memory_space<vmem>>, vector<1x16xf32>,
        %get3A_1581 = vector.shape_cast %get3A_1580 : vector<1x16xf32> to vector<16xf32>
        %sub3A_1582 = vector.broadcast %mul3A_938 : f32 to vector<16xf32>
        %sub3A_1583 = arith.subf %get3A_1581, %sub3A_1582 : vector<16xf32>
        %mul3A_1584 = vector.broadcast %mul3A_968 : f32 to vector<16xf32>
        %mul3A_1585 = arith.mulf %sub3A_1583, %mul3A_1584 : vector<16xf32>
        %get3A_1586 = arith.constant 464 : index
        %get3A_1587 = tpu.vector_load %arg10[%get3A_1586] {strides = array<i32>} : memref<768xf32, #tpu.memory_space<vmem>>, vector<16xf32>,
        %get3A_1588 = vector.shape_cast %get3A_1587 : vector<16xf32> to vector<16xf32>
        %mul3A_1589 = arith.mulf %mul3A_1585, %get3A_1588 : vector<16xf32>
        %get3A_1590 = arith.constant 464 : index
        %get3A_1591 = tpu.vector_load %arg11[%get3A_1590] {strides = array<i32>} : memref<768xf32, #tpu.memory_space<vmem>>, vector<16xf32>,
        %get3A_1592 = vector.shape_cast %get3A_1591 : vector<16xf32> to vector<16xf32>
        %add3A_1593 = arith.addf %mul3A_1589, %get3A_1592 : vector<16xf32>
        %swap3A_1594 = arith.index_cast %scan3A_26 : i32 to index
        %swap3A_1595 = arith.constant 464 : index
        %swap3A_1596 = tpu.vector_load %arg9[%swap3A_1594, %swap3A_1595] {strides = array<i32>} : memref<32x768xf32, #tpu.memory_space<vmem>>, vector<1x16xf32>,
        %swap3A_1597 = vector.shape_cast %swap3A_1596 : vector<1x16xf32> to vector<16xf32>
        %swap3A_1598 = vector.shape_cast %add3A_1593 : vector<16xf32> to vector<1x16xf32>
        tpu.vector_store %arg9[%swap3A_1594, %swap3A_1595], %swap3A_1598 {strides = array<i32>} : memref<32x768xf32, #tpu.memory_space<vmem>>, vector<1x16xf32>,
        %get3A_1599 = arith.index_cast %scan3A_26 : i32 to index
        %get3A_1600 = arith.constant 480 : index
        %get3A_1601 = tpu.vector_load %arg9[%get3A_1599, %get3A_1600] {strides = array<i32>} : memref<32x768xf32, #tpu.memory_space<vmem>>, vector<1x16xf32>,
        %get3A_1602 = vector.shape_cast %get3A_1601 : vector<1x16xf32> to vector<16xf32>
        %sub3A_1603 = vector.broadcast %mul3A_938 : f32 to vector<16xf32>
        %sub3A_1604 = arith.subf %get3A_1602, %sub3A_1603 : vector<16xf32>
        %mul3A_1605 = vector.broadcast %mul3A_968 : f32 to vector<16xf32>
        %mul3A_1606 = arith.mulf %sub3A_1604, %mul3A_1605 : vector<16xf32>
        %get3A_1607 = arith.constant 480 : index
        %get3A_1608 = tpu.vector_load %arg10[%get3A_1607] {strides = array<i32>} : memref<768xf32, #tpu.memory_space<vmem>>, vector<16xf32>,
        %get3A_1609 = vector.shape_cast %get3A_1608 : vector<16xf32> to vector<16xf32>
        %mul3A_1610 = arith.mulf %mul3A_1606, %get3A_1609 : vector<16xf32>
        %get3A_1611 = arith.constant 480 : index
        %get3A_1612 = tpu.vector_load %arg11[%get3A_1611] {strides = array<i32>} : memref<768xf32, #tpu.memory_space<vmem>>, vector<16xf32>,
        %get3A_1613 = vector.shape_cast %get3A_1612 : vector<16xf32> to vector<16xf32>
        %add3A_1614 = arith.addf %mul3A_1610, %get3A_1613 : vector<16xf32>
        %swap3A_1615 = arith.index_cast %scan3A_26 : i32 to index
        %swap3A_1616 = arith.constant 480 : index
        %swap3A_1617 = tpu.vector_load %arg9[%swap3A_1615, %swap3A_1616] {strides = array<i32>} : memref<32x768xf32, #tpu.memory_space<vmem>>, vector<1x16xf32>,
        %swap3A_1618 = vector.shape_cast %swap3A_1617 : vector<1x16xf32> to vector<16xf32>
        %swap3A_1619 = vector.shape_cast %add3A_1614 : vector<16xf32> to vector<1x16xf32>
        tpu.vector_store %arg9[%swap3A_1615, %swap3A_1616], %swap3A_1619 {strides = array<i32>} : memref<32x768xf32, #tpu.memory_space<vmem>>, vector<1x16xf32>,
        %get3A_1620 = arith.index_cast %scan3A_26 : i32 to index
        %get3A_1621 = arith.constant 496 : index
        %get3A_1622 = tpu.vector_load %arg9[%get3A_1620, %get3A_1621] {strides = array<i32>} : memref<32x768xf32, #tpu.memory_space<vmem>>, vector<1x16xf32>,
        %get3A_1623 = vector.shape_cast %get3A_1622 : vector<1x16xf32> to vector<16xf32>
        %sub3A_1624 = vector.broadcast %mul3A_938 : f32 to vector<16xf32>
        %sub3A_1625 = arith.subf %get3A_1623, %sub3A_1624 : vector<16xf32>
        %mul3A_1626 = vector.broadcast %mul3A_968 : f32 to vector<16xf32>
        %mul3A_1627 = arith.mulf %sub3A_1625, %mul3A_1626 : vector<16xf32>
        %get3A_1628 = arith.constant 496 : index
        %get3A_1629 = tpu.vector_load %arg10[%get3A_1628] {strides = array<i32>} : memref<768xf32, #tpu.memory_space<vmem>>, vector<16xf32>,
        %get3A_1630 = vector.shape_cast %get3A_1629 : vector<16xf32> to vector<16xf32>
        %mul3A_1631 = arith.mulf %mul3A_1627, %get3A_1630 : vector<16xf32>
        %get3A_1632 = arith.constant 496 : index
        %get3A_1633 = tpu.vector_load %arg11[%get3A_1632] {strides = array<i32>} : memref<768xf32, #tpu.memory_space<vmem>>, vector<16xf32>,
        %get3A_1634 = vector.shape_cast %get3A_1633 : vector<16xf32> to vector<16xf32>
        %add3A_1635 = arith.addf %mul3A_1631, %get3A_1634 : vector<16xf32>
        %swap3A_1636 = arith.index_cast %scan3A_26 : i32 to index
        %swap3A_1637 = arith.constant 496 : index
        %swap3A_1638 = tpu.vector_load %arg9[%swap3A_1636, %swap3A_1637] {strides = array<i32>} : memref<32x768xf32, #tpu.memory_space<vmem>>, vector<1x16xf32>,
        %swap3A_1639 = vector.shape_cast %swap3A_1638 : vector<1x16xf32> to vector<16xf32>
        %swap3A_1640 = vector.shape_cast %add3A_1635 : vector<16xf32> to vector<1x16xf32>
        tpu.vector_store %arg9[%swap3A_1636, %swap3A_1637], %swap3A_1640 {strides = array<i32>} : memref<32x768xf32, #tpu.memory_space<vmem>>, vector<1x16xf32>,
        %get3A_1641 = arith.index_cast %scan3A_26 : i32 to index
        %get3A_1642 = arith.constant 512 : index
        %get3A_1643 = tpu.vector_load %arg9[%get3A_1641, %get3A_1642] {strides = array<i32>} : memref<32x768xf32, #tpu.memory_space<vmem>>, vector<1x16xf32>,
        %get3A_1644 = vector.shape_cast %get3A_1643 : vector<1x16xf32> to vector<16xf32>
        %sub3A_1645 = vector.broadcast %mul3A_938 : f32 to vector<16xf32>
        %sub3A_1646 = arith.subf %get3A_1644, %sub3A_1645 : vector<16xf32>
        %mul3A_1647 = vector.broadcast %mul3A_968 : f32 to vector<16xf32>
        %mul3A_1648 = arith.mulf %sub3A_1646, %mul3A_1647 : vector<16xf32>
        %get3A_1649 = arith.constant 512 : index
        %get3A_1650 = tpu.vector_load %arg10[%get3A_1649] {strides = array<i32>} : memref<768xf32, #tpu.memory_space<vmem>>, vector<16xf32>,
        %get3A_1651 = vector.shape_cast %get3A_1650 : vector<16xf32> to vector<16xf32>
        %mul3A_1652 = arith.mulf %mul3A_1648, %get3A_1651 : vector<16xf32>
        %get3A_1653 = arith.constant 512 : index
        %get3A_1654 = tpu.vector_load %arg11[%get3A_1653] {strides = array<i32>} : memref<768xf32, #tpu.memory_space<vmem>>, vector<16xf32>,
        %get3A_1655 = vector.shape_cast %get3A_1654 : vector<16xf32> to vector<16xf32>
        %add3A_1656 = arith.addf %mul3A_1652, %get3A_1655 : vector<16xf32>
        %swap3A_1657 = arith.index_cast %scan3A_26 : i32 to index
        %swap3A_1658 = arith.constant 512 : index
        %swap3A_1659 = tpu.vector_load %arg9[%swap3A_1657, %swap3A_1658] {strides = array<i32>} : memref<32x768xf32, #tpu.memory_space<vmem>>, vector<1x16xf32>,
        %swap3A_1660 = vector.shape_cast %swap3A_1659 : vector<1x16xf32> to vector<16xf32>
        %swap3A_1661 = vector.shape_cast %add3A_1656 : vector<16xf32> to vector<1x16xf32>
        tpu.vector_store %arg9[%swap3A_1657, %swap3A_1658], %swap3A_1661 {strides = array<i32>} : memref<32x768xf32, #tpu.memory_space<vmem>>, vector<1x16xf32>,
        %get3A_1662 = arith.index_cast %scan3A_26 : i32 to index
        %get3A_1663 = arith.constant 528 : index
        %get3A_1664 = tpu.vector_load %arg9[%get3A_1662, %get3A_1663] {strides = array<i32>} : memref<32x768xf32, #tpu.memory_space<vmem>>, vector<1x16xf32>,
        %get3A_1665 = vector.shape_cast %get3A_1664 : vector<1x16xf32> to vector<16xf32>
        %sub3A_1666 = vector.broadcast %mul3A_938 : f32 to vector<16xf32>
        %sub3A_1667 = arith.subf %get3A_1665, %sub3A_1666 : vector<16xf32>
        %mul3A_1668 = vector.broadcast %mul3A_968 : f32 to vector<16xf32>
        %mul3A_1669 = arith.mulf %sub3A_1667, %mul3A_1668 : vector<16xf32>
        %get3A_1670 = arith.constant 528 : index
        %get3A_1671 = tpu.vector_load %arg10[%get3A_1670] {strides = array<i32>} : memref<768xf32, #tpu.memory_space<vmem>>, vector<16xf32>,
        %get3A_1672 = vector.shape_cast %get3A_1671 : vector<16xf32> to vector<16xf32>
        %mul3A_1673 = arith.mulf %mul3A_1669, %get3A_1672 : vector<16xf32>
        %get3A_1674 = arith.constant 528 : index
        %get3A_1675 = tpu.vector_load %arg11[%get3A_1674] {strides = array<i32>} : memref<768xf32, #tpu.memory_space<vmem>>, vector<16xf32>,
        %get3A_1676 = vector.shape_cast %get3A_1675 : vector<16xf32> to vector<16xf32>
        %add3A_1677 = arith.addf %mul3A_1673, %get3A_1676 : vector<16xf32>
        %swap3A_1678 = arith.index_cast %scan3A_26 : i32 to index
        %swap3A_1679 = arith.constant 528 : index
        %swap3A_1680 = tpu.vector_load %arg9[%swap3A_1678, %swap3A_1679] {strides = array<i32>} : memref<32x768xf32, #tpu.memory_space<vmem>>, vector<1x16xf32>,
        %swap3A_1681 = vector.shape_cast %swap3A_1680 : vector<1x16xf32> to vector<16xf32>
        %swap3A_1682 = vector.shape_cast %add3A_1677 : vector<16xf32> to vector<1x16xf32>
        tpu.vector_store %arg9[%swap3A_1678, %swap3A_1679], %swap3A_1682 {strides = array<i32>} : memref<32x768xf32, #tpu.memory_space<vmem>>, vector<1x16xf32>,
        %get3A_1683 = arith.index_cast %scan3A_26 : i32 to index
        %get3A_1684 = arith.constant 544 : index
        %get3A_1685 = tpu.vector_load %arg9[%get3A_1683, %get3A_1684] {strides = array<i32>} : memref<32x768xf32, #tpu.memory_space<vmem>>, vector<1x16xf32>,
        %get3A_1686 = vector.shape_cast %get3A_1685 : vector<1x16xf32> to vector<16xf32>
        %sub3A_1687 = vector.broadcast %mul3A_938 : f32 to vector<16xf32>
        %sub3A_1688 = arith.subf %get3A_1686, %sub3A_1687 : vector<16xf32>
        %mul3A_1689 = vector.broadcast %mul3A_968 : f32 to vector<16xf32>
        %mul3A_1690 = arith.mulf %sub3A_1688, %mul3A_1689 : vector<16xf32>
        %get3A_1691 = arith.constant 544 : index
        %get3A_1692 = tpu.vector_load %arg10[%get3A_1691] {strides = array<i32>} : memref<768xf32, #tpu.memory_space<vmem>>, vector<16xf32>,
        %get3A_1693 = vector.shape_cast %get3A_1692 : vector<16xf32> to vector<16xf32>
        %mul3A_1694 = arith.mulf %mul3A_1690, %get3A_1693 : vector<16xf32>
        %get3A_1695 = arith.constant 544 : index
        %get3A_1696 = tpu.vector_load %arg11[%get3A_1695] {strides = array<i32>} : memref<768xf32, #tpu.memory_space<vmem>>, vector<16xf32>,
        %get3A_1697 = vector.shape_cast %get3A_1696 : vector<16xf32> to vector<16xf32>
        %add3A_1698 = arith.addf %mul3A_1694, %get3A_1697 : vector<16xf32>
        %swap3A_1699 = arith.index_cast %scan3A_26 : i32 to index
        %swap3A_1700 = arith.constant 544 : index
        %swap3A_1701 = tpu.vector_load %arg9[%swap3A_1699, %swap3A_1700] {strides = array<i32>} : memref<32x768xf32, #tpu.memory_space<vmem>>, vector<1x16xf32>,
        %swap3A_1702 = vector.shape_cast %swap3A_1701 : vector<1x16xf32> to vector<16xf32>
        %swap3A_1703 = vector.shape_cast %add3A_1698 : vector<16xf32> to vector<1x16xf32>
        tpu.vector_store %arg9[%swap3A_1699, %swap3A_1700], %swap3A_1703 {strides = array<i32>} : memref<32x768xf32, #tpu.memory_space<vmem>>, vector<1x16xf32>,
        %get3A_1704 = arith.index_cast %scan3A_26 : i32 to index
        %get3A_1705 = arith.constant 560 : index
        %get3A_1706 = tpu.vector_load %arg9[%get3A_1704, %get3A_1705] {strides = array<i32>} : memref<32x768xf32, #tpu.memory_space<vmem>>, vector<1x16xf32>,
        %get3A_1707 = vector.shape_cast %get3A_1706 : vector<1x16xf32> to vector<16xf32>
        %sub3A_1708 = vector.broadcast %mul3A_938 : f32 to vector<16xf32>
        %sub3A_1709 = arith.subf %get3A_1707, %sub3A_1708 : vector<16xf32>
        %mul3A_1710 = vector.broadcast %mul3A_968 : f32 to vector<16xf32>
        %mul3A_1711 = arith.mulf %sub3A_1709, %mul3A_1710 : vector<16xf32>
        %get3A_1712 = arith.constant 560 : index
        %get3A_1713 = tpu.vector_load %arg10[%get3A_1712] {strides = array<i32>} : memref<768xf32, #tpu.memory_space<vmem>>, vector<16xf32>,
        %get3A_1714 = vector.shape_cast %get3A_1713 : vector<16xf32> to vector<16xf32>
        %mul3A_1715 = arith.mulf %mul3A_1711, %get3A_1714 : vector<16xf32>
        %get3A_1716 = arith.constant 560 : index
        %get3A_1717 = tpu.vector_load %arg11[%get3A_1716] {strides = array<i32>} : memref<768xf32, #tpu.memory_space<vmem>>, vector<16xf32>,
        %get3A_1718 = vector.shape_cast %get3A_1717 : vector<16xf32> to vector<16xf32>
        %add3A_1719 = arith.addf %mul3A_1715, %get3A_1718 : vector<16xf32>
        %swap3A_1720 = arith.index_cast %scan3A_26 : i32 to index
        %swap3A_1721 = arith.constant 560 : index
        %swap3A_1722 = tpu.vector_load %arg9[%swap3A_1720, %swap3A_1721] {strides = array<i32>} : memref<32x768xf32, #tpu.memory_space<vmem>>, vector<1x16xf32>,
        %swap3A_1723 = vector.shape_cast %swap3A_1722 : vector<1x16xf32> to vector<16xf32>
        %swap3A_1724 = vector.shape_cast %add3A_1719 : vector<16xf32> to vector<1x16xf32>
        tpu.vector_store %arg9[%swap3A_1720, %swap3A_1721], %swap3A_1724 {strides = array<i32>} : memref<32x768xf32, #tpu.memory_space<vmem>>, vector<1x16xf32>,
        %get3A_1725 = arith.index_cast %scan3A_26 : i32 to index
        %get3A_1726 = arith.constant 576 : index
        %get3A_1727 = tpu.vector_load %arg9[%get3A_1725, %get3A_1726] {strides = array<i32>} : memref<32x768xf32, #tpu.memory_space<vmem>>, vector<1x16xf32>,
        %get3A_1728 = vector.shape_cast %get3A_1727 : vector<1x16xf32> to vector<16xf32>
        %sub3A_1729 = vector.broadcast %mul3A_938 : f32 to vector<16xf32>
        %sub3A_1730 = arith.subf %get3A_1728, %sub3A_1729 : vector<16xf32>
        %mul3A_1731 = vector.broadcast %mul3A_968 : f32 to vector<16xf32>
        %mul3A_1732 = arith.mulf %sub3A_1730, %mul3A_1731 : vector<16xf32>
        %get3A_1733 = arith.constant 576 : index
        %get3A_1734 = tpu.vector_load %arg10[%get3A_1733] {strides = array<i32>} : memref<768xf32, #tpu.memory_space<vmem>>, vector<16xf32>,
        %get3A_1735 = vector.shape_cast %get3A_1734 : vector<16xf32> to vector<16xf32>
        %mul3A_1736 = arith.mulf %mul3A_1732, %get3A_1735 : vector<16xf32>
        %get3A_1737 = arith.constant 576 : index
        %get3A_1738 = tpu.vector_load %arg11[%get3A_1737] {strides = array<i32>} : memref<768xf32, #tpu.memory_space<vmem>>, vector<16xf32>,
        %get3A_1739 = vector.shape_cast %get3A_1738 : vector<16xf32> to vector<16xf32>
        %add3A_1740 = arith.addf %mul3A_1736, %get3A_1739 : vector<16xf32>
        %swap3A_1741 = arith.index_cast %scan3A_26 : i32 to index
        %swap3A_1742 = arith.constant 576 : index
        %swap3A_1743 = tpu.vector_load %arg9[%swap3A_1741, %swap3A_1742] {strides = array<i32>} : memref<32x768xf32, #tpu.memory_space<vmem>>, vector<1x16xf32>,
        %swap3A_1744 = vector.shape_cast %swap3A_1743 : vector<1x16xf32> to vector<16xf32>
        %swap3A_1745 = vector.shape_cast %add3A_1740 : vector<16xf32> to vector<1x16xf32>
        tpu.vector_store %arg9[%swap3A_1741, %swap3A_1742], %swap3A_1745 {strides = array<i32>} : memref<32x768xf32, #tpu.memory_space<vmem>>, vector<1x16xf32>,
        %get3A_1746 = arith.index_cast %scan3A_26 : i32 to index
        %get3A_1747 = arith.constant 592 : index
        %get3A_1748 = tpu.vector_load %arg9[%get3A_1746, %get3A_1747] {strides = array<i32>} : memref<32x768xf32, #tpu.memory_space<vmem>>, vector<1x16xf32>,
        %get3A_1749 = vector.shape_cast %get3A_1748 : vector<1x16xf32> to vector<16xf32>
        %sub3A_1750 = vector.broadcast %mul3A_938 : f32 to vector<16xf32>
        %sub3A_1751 = arith.subf %get3A_1749, %sub3A_1750 : vector<16xf32>
        %mul3A_1752 = vector.broadcast %mul3A_968 : f32 to vector<16xf32>
        %mul3A_1753 = arith.mulf %sub3A_1751, %mul3A_1752 : vector<16xf32>
        %get3A_1754 = arith.constant 592 : index
        %get3A_1755 = tpu.vector_load %arg10[%get3A_1754] {strides = array<i32>} : memref<768xf32, #tpu.memory_space<vmem>>, vector<16xf32>,
        %get3A_1756 = vector.shape_cast %get3A_1755 : vector<16xf32> to vector<16xf32>
        %mul3A_1757 = arith.mulf %mul3A_1753, %get3A_1756 : vector<16xf32>
        %get3A_1758 = arith.constant 592 : index
        %get3A_1759 = tpu.vector_load %arg11[%get3A_1758] {strides = array<i32>} : memref<768xf32, #tpu.memory_space<vmem>>, vector<16xf32>,
        %get3A_1760 = vector.shape_cast %get3A_1759 : vector<16xf32> to vector<16xf32>
        %add3A_1761 = arith.addf %mul3A_1757, %get3A_1760 : vector<16xf32>
        %swap3A_1762 = arith.index_cast %scan3A_26 : i32 to index
        %swap3A_1763 = arith.constant 592 : index
        %swap3A_1764 = tpu.vector_load %arg9[%swap3A_1762, %swap3A_1763] {strides = array<i32>} : memref<32x768xf32, #tpu.memory_space<vmem>>, vector<1x16xf32>,
        %swap3A_1765 = vector.shape_cast %swap3A_1764 : vector<1x16xf32> to vector<16xf32>
        %swap3A_1766 = vector.shape_cast %add3A_1761 : vector<16xf32> to vector<1x16xf32>
        tpu.vector_store %arg9[%swap3A_1762, %swap3A_1763], %swap3A_1766 {strides = array<i32>} : memref<32x768xf32, #tpu.memory_space<vmem>>, vector<1x16xf32>,
        %get3A_1767 = arith.index_cast %scan3A_26 : i32 to index
        %get3A_1768 = arith.constant 608 : index
        %get3A_1769 = tpu.vector_load %arg9[%get3A_1767, %get3A_1768] {strides = array<i32>} : memref<32x768xf32, #tpu.memory_space<vmem>>, vector<1x16xf32>,
        %get3A_1770 = vector.shape_cast %get3A_1769 : vector<1x16xf32> to vector<16xf32>
        %sub3A_1771 = vector.broadcast %mul3A_938 : f32 to vector<16xf32>
        %sub3A_1772 = arith.subf %get3A_1770, %sub3A_1771 : vector<16xf32>
        %mul3A_1773 = vector.broadcast %mul3A_968 : f32 to vector<16xf32>
        %mul3A_1774 = arith.mulf %sub3A_1772, %mul3A_1773 : vector<16xf32>
        %get3A_1775 = arith.constant 608 : index
        %get3A_1776 = tpu.vector_load %arg10[%get3A_1775] {strides = array<i32>} : memref<768xf32, #tpu.memory_space<vmem>>, vector<16xf32>,
        %get3A_1777 = vector.shape_cast %get3A_1776 : vector<16xf32> to vector<16xf32>
        %mul3A_1778 = arith.mulf %mul3A_1774, %get3A_1777 : vector<16xf32>
        %get3A_1779 = arith.constant 608 : index
        %get3A_1780 = tpu.vector_load %arg11[%get3A_1779] {strides = array<i32>} : memref<768xf32, #tpu.memory_space<vmem>>, vector<16xf32>,
        %get3A_1781 = vector.shape_cast %get3A_1780 : vector<16xf32> to vector<16xf32>
        %add3A_1782 = arith.addf %mul3A_1778, %get3A_1781 : vector<16xf32>
        %swap3A_1783 = arith.index_cast %scan3A_26 : i32 to index
        %swap3A_1784 = arith.constant 608 : index
        %swap3A_1785 = tpu.vector_load %arg9[%swap3A_1783, %swap3A_1784] {strides = array<i32>} : memref<32x768xf32, #tpu.memory_space<vmem>>, vector<1x16xf32>,
        %swap3A_1786 = vector.shape_cast %swap3A_1785 : vector<1x16xf32> to vector<16xf32>
        %swap3A_1787 = vector.shape_cast %add3A_1782 : vector<16xf32> to vector<1x16xf32>
        tpu.vector_store %arg9[%swap3A_1783, %swap3A_1784], %swap3A_1787 {strides = array<i32>} : memref<32x768xf32, #tpu.memory_space<vmem>>, vector<1x16xf32>,
        %get3A_1788 = arith.index_cast %scan3A_26 : i32 to index
        %get3A_1789 = arith.constant 624 : index
        %get3A_1790 = tpu.vector_load %arg9[%get3A_1788, %get3A_1789] {strides = array<i32>} : memref<32x768xf32, #tpu.memory_space<vmem>>, vector<1x16xf32>,
        %get3A_1791 = vector.shape_cast %get3A_1790 : vector<1x16xf32> to vector<16xf32>
        %sub3A_1792 = vector.broadcast %mul3A_938 : f32 to vector<16xf32>
        %sub3A_1793 = arith.subf %get3A_1791, %sub3A_1792 : vector<16xf32>
        %mul3A_1794 = vector.broadcast %mul3A_968 : f32 to vector<16xf32>
        %mul3A_1795 = arith.mulf %sub3A_1793, %mul3A_1794 : vector<16xf32>
        %get3A_1796 = arith.constant 624 : index
        %get3A_1797 = tpu.vector_load %arg10[%get3A_1796] {strides = array<i32>} : memref<768xf32, #tpu.memory_space<vmem>>, vector<16xf32>,
        %get3A_1798 = vector.shape_cast %get3A_1797 : vector<16xf32> to vector<16xf32>
        %mul3A_1799 = arith.mulf %mul3A_1795, %get3A_1798 : vector<16xf32>
        %get3A_1800 = arith.constant 624 : index
        %get3A_1801 = tpu.vector_load %arg11[%get3A_1800] {strides = array<i32>} : memref<768xf32, #tpu.memory_space<vmem>>, vector<16xf32>,
        %get3A_1802 = vector.shape_cast %get3A_1801 : vector<16xf32> to vector<16xf32>
        %add3A_1803 = arith.addf %mul3A_1799, %get3A_1802 : vector<16xf32>
        %swap3A_1804 = arith.index_cast %scan3A_26 : i32 to index
        %swap3A_1805 = arith.constant 624 : index
        %swap3A_1806 = tpu.vector_load %arg9[%swap3A_1804, %swap3A_1805] {strides = array<i32>} : memref<32x768xf32, #tpu.memory_space<vmem>>, vector<1x16xf32>,
        %swap3A_1807 = vector.shape_cast %swap3A_1806 : vector<1x16xf32> to vector<16xf32>
        %swap3A_1808 = vector.shape_cast %add3A_1803 : vector<16xf32> to vector<1x16xf32>
        tpu.vector_store %arg9[%swap3A_1804, %swap3A_1805], %swap3A_1808 {strides = array<i32>} : memref<32x768xf32, #tpu.memory_space<vmem>>, vector<1x16xf32>,
        %get3A_1809 = arith.index_cast %scan3A_26 : i32 to index
        %get3A_1810 = arith.constant 640 : index
        %get3A_1811 = tpu.vector_load %arg9[%get3A_1809, %get3A_1810] {strides = array<i32>} : memref<32x768xf32, #tpu.memory_space<vmem>>, vector<1x16xf32>,
        %get3A_1812 = vector.shape_cast %get3A_1811 : vector<1x16xf32> to vector<16xf32>
        %sub3A_1813 = vector.broadcast %mul3A_938 : f32 to vector<16xf32>
        %sub3A_1814 = arith.subf %get3A_1812, %sub3A_1813 : vector<16xf32>
        %mul3A_1815 = vector.broadcast %mul3A_968 : f32 to vector<16xf32>
        %mul3A_1816 = arith.mulf %sub3A_1814, %mul3A_1815 : vector<16xf32>
        %get3A_1817 = arith.constant 640 : index
        %get3A_1818 = tpu.vector_load %arg10[%get3A_1817] {strides = array<i32>} : memref<768xf32, #tpu.memory_space<vmem>>, vector<16xf32>,
        %get3A_1819 = vector.shape_cast %get3A_1818 : vector<16xf32> to vector<16xf32>
        %mul3A_1820 = arith.mulf %mul3A_1816, %get3A_1819 : vector<16xf32>
        %get3A_1821 = arith.constant 640 : index
        %get3A_1822 = tpu.vector_load %arg11[%get3A_1821] {strides = array<i32>} : memref<768xf32, #tpu.memory_space<vmem>>, vector<16xf32>,
        %get3A_1823 = vector.shape_cast %get3A_1822 : vector<16xf32> to vector<16xf32>
        %add3A_1824 = arith.addf %mul3A_1820, %get3A_1823 : vector<16xf32>
        %swap3A_1825 = arith.index_cast %scan3A_26 : i32 to index
        %swap3A_1826 = arith.constant 640 : index
        %swap3A_1827 = tpu.vector_load %arg9[%swap3A_1825, %swap3A_1826] {strides = array<i32>} : memref<32x768xf32, #tpu.memory_space<vmem>>, vector<1x16xf32>,
        %swap3A_1828 = vector.shape_cast %swap3A_1827 : vector<1x16xf32> to vector<16xf32>
        %swap3A_1829 = vector.shape_cast %add3A_1824 : vector<16xf32> to vector<1x16xf32>
        tpu.vector_store %arg9[%swap3A_1825, %swap3A_1826], %swap3A_1829 {strides = array<i32>} : memref<32x768xf32, #tpu.memory_space<vmem>>, vector<1x16xf32>,
        %get3A_1830 = arith.index_cast %scan3A_26 : i32 to index
        %get3A_1831 = arith.constant 656 : index
        %get3A_1832 = tpu.vector_load %arg9[%get3A_1830, %get3A_1831] {strides = array<i32>} : memref<32x768xf32, #tpu.memory_space<vmem>>, vector<1x16xf32>,
        %get3A_1833 = vector.shape_cast %get3A_1832 : vector<1x16xf32> to vector<16xf32>
        %sub3A_1834 = vector.broadcast %mul3A_938 : f32 to vector<16xf32>
        %sub3A_1835 = arith.subf %get3A_1833, %sub3A_1834 : vector<16xf32>
        %mul3A_1836 = vector.broadcast %mul3A_968 : f32 to vector<16xf32>
        %mul3A_1837 = arith.mulf %sub3A_1835, %mul3A_1836 : vector<16xf32>
        %get3A_1838 = arith.constant 656 : index
        %get3A_1839 = tpu.vector_load %arg10[%get3A_1838] {strides = array<i32>} : memref<768xf32, #tpu.memory_space<vmem>>, vector<16xf32>,
        %get3A_1840 = vector.shape_cast %get3A_1839 : vector<16xf32> to vector<16xf32>
        %mul3A_1841 = arith.mulf %mul3A_1837, %get3A_1840 : vector<16xf32>
        %get3A_1842 = arith.constant 656 : index
        %get3A_1843 = tpu.vector_load %arg11[%get3A_1842] {strides = array<i32>} : memref<768xf32, #tpu.memory_space<vmem>>, vector<16xf32>,
        %get3A_1844 = vector.shape_cast %get3A_1843 : vector<16xf32> to vector<16xf32>
        %add3A_1845 = arith.addf %mul3A_1841, %get3A_1844 : vector<16xf32>
        %swap3A_1846 = arith.index_cast %scan3A_26 : i32 to index
        %swap3A_1847 = arith.constant 656 : index
        %swap3A_1848 = tpu.vector_load %arg9[%swap3A_1846, %swap3A_1847] {strides = array<i32>} : memref<32x768xf32, #tpu.memory_space<vmem>>, vector<1x16xf32>,
        %swap3A_1849 = vector.shape_cast %swap3A_1848 : vector<1x16xf32> to vector<16xf32>
        %swap3A_1850 = vector.shape_cast %add3A_1845 : vector<16xf32> to vector<1x16xf32>
        tpu.vector_store %arg9[%swap3A_1846, %swap3A_1847], %swap3A_1850 {strides = array<i32>} : memref<32x768xf32, #tpu.memory_space<vmem>>, vector<1x16xf32>,
        %get3A_1851 = arith.index_cast %scan3A_26 : i32 to index
        %get3A_1852 = arith.constant 672 : index
        %get3A_1853 = tpu.vector_load %arg9[%get3A_1851, %get3A_1852] {strides = array<i32>} : memref<32x768xf32, #tpu.memory_space<vmem>>, vector<1x16xf32>,
        %get3A_1854 = vector.shape_cast %get3A_1853 : vector<1x16xf32> to vector<16xf32>
        %sub3A_1855 = vector.broadcast %mul3A_938 : f32 to vector<16xf32>
        %sub3A_1856 = arith.subf %get3A_1854, %sub3A_1855 : vector<16xf32>
        %mul3A_1857 = vector.broadcast %mul3A_968 : f32 to vector<16xf32>
        %mul3A_1858 = arith.mulf %sub3A_1856, %mul3A_1857 : vector<16xf32>
        %get3A_1859 = arith.constant 672 : index
        %get3A_1860 = tpu.vector_load %arg10[%get3A_1859] {strides = array<i32>} : memref<768xf32, #tpu.memory_space<vmem>>, vector<16xf32>,
        %get3A_1861 = vector.shape_cast %get3A_1860 : vector<16xf32> to vector<16xf32>
        %mul3A_1862 = arith.mulf %mul3A_1858, %get3A_1861 : vector<16xf32>
        %get3A_1863 = arith.constant 672 : index
        %get3A_1864 = tpu.vector_load %arg11[%get3A_1863] {strides = array<i32>} : memref<768xf32, #tpu.memory_space<vmem>>, vector<16xf32>,
        %get3A_1865 = vector.shape_cast %get3A_1864 : vector<16xf32> to vector<16xf32>
        %add3A_1866 = arith.addf %mul3A_1862, %get3A_1865 : vector<16xf32>
        %swap3A_1867 = arith.index_cast %scan3A_26 : i32 to index
        %swap3A_1868 = arith.constant 672 : index
        %swap3A_1869 = tpu.vector_load %arg9[%swap3A_1867, %swap3A_1868] {strides = array<i32>} : memref<32x768xf32, #tpu.memory_space<vmem>>, vector<1x16xf32>,
        %swap3A_1870 = vector.shape_cast %swap3A_1869 : vector<1x16xf32> to vector<16xf32>
        %swap3A_1871 = vector.shape_cast %add3A_1866 : vector<16xf32> to vector<1x16xf32>
        tpu.vector_store %arg9[%swap3A_1867, %swap3A_1868], %swap3A_1871 {strides = array<i32>} : memref<32x768xf32, #tpu.memory_space<vmem>>, vector<1x16xf32>,
        %get3A_1872 = arith.index_cast %scan3A_26 : i32 to index
        %get3A_1873 = arith.constant 688 : index
        %get3A_1874 = tpu.vector_load %arg9[%get3A_1872, %get3A_1873] {strides = array<i32>} : memref<32x768xf32, #tpu.memory_space<vmem>>, vector<1x16xf32>,
        %get3A_1875 = vector.shape_cast %get3A_1874 : vector<1x16xf32> to vector<16xf32>
        %sub3A_1876 = vector.broadcast %mul3A_938 : f32 to vector<16xf32>
        %sub3A_1877 = arith.subf %get3A_1875, %sub3A_1876 : vector<16xf32>
        %mul3A_1878 = vector.broadcast %mul3A_968 : f32 to vector<16xf32>
        %mul3A_1879 = arith.mulf %sub3A_1877, %mul3A_1878 : vector<16xf32>
        %get3A_1880 = arith.constant 688 : index
        %get3A_1881 = tpu.vector_load %arg10[%get3A_1880] {strides = array<i32>} : memref<768xf32, #tpu.memory_space<vmem>>, vector<16xf32>,
        %get3A_1882 = vector.shape_cast %get3A_1881 : vector<16xf32> to vector<16xf32>
        %mul3A_1883 = arith.mulf %mul3A_1879, %get3A_1882 : vector<16xf32>
        %get3A_1884 = arith.constant 688 : index
        %get3A_1885 = tpu.vector_load %arg11[%get3A_1884] {strides = array<i32>} : memref<768xf32, #tpu.memory_space<vmem>>, vector<16xf32>,
        %get3A_1886 = vector.shape_cast %get3A_1885 : vector<16xf32> to vector<16xf32>
        %add3A_1887 = arith.addf %mul3A_1883, %get3A_1886 : vector<16xf32>
        %swap3A_1888 = arith.index_cast %scan3A_26 : i32 to index
        %swap3A_1889 = arith.constant 688 : index
        %swap3A_1890 = tpu.vector_load %arg9[%swap3A_1888, %swap3A_1889] {strides = array<i32>} : memref<32x768xf32, #tpu.memory_space<vmem>>, vector<1x16xf32>,
        %swap3A_1891 = vector.shape_cast %swap3A_1890 : vector<1x16xf32> to vector<16xf32>
        %swap3A_1892 = vector.shape_cast %add3A_1887 : vector<16xf32> to vector<1x16xf32>
        tpu.vector_store %arg9[%swap3A_1888, %swap3A_1889], %swap3A_1892 {strides = array<i32>} : memref<32x768xf32, #tpu.memory_space<vmem>>, vector<1x16xf32>,
        %get3A_1893 = arith.index_cast %scan3A_26 : i32 to index
        %get3A_1894 = arith.constant 704 : index
        %get3A_1895 = tpu.vector_load %arg9[%get3A_1893, %get3A_1894] {strides = array<i32>} : memref<32x768xf32, #tpu.memory_space<vmem>>, vector<1x16xf32>,
        %get3A_1896 = vector.shape_cast %get3A_1895 : vector<1x16xf32> to vector<16xf32>
        %sub3A_1897 = vector.broadcast %mul3A_938 : f32 to vector<16xf32>
        %sub3A_1898 = arith.subf %get3A_1896, %sub3A_1897 : vector<16xf32>
        %mul3A_1899 = vector.broadcast %mul3A_968 : f32 to vector<16xf32>
        %mul3A_1900 = arith.mulf %sub3A_1898, %mul3A_1899 : vector<16xf32>
        %get3A_1901 = arith.constant 704 : index
        %get3A_1902 = tpu.vector_load %arg10[%get3A_1901] {strides = array<i32>} : memref<768xf32, #tpu.memory_space<vmem>>, vector<16xf32>,
        %get3A_1903 = vector.shape_cast %get3A_1902 : vector<16xf32> to vector<16xf32>
        %mul3A_1904 = arith.mulf %mul3A_1900, %get3A_1903 : vector<16xf32>
        %get3A_1905 = arith.constant 704 : index
        %get3A_1906 = tpu.vector_load %arg11[%get3A_1905] {strides = array<i32>} : memref<768xf32, #tpu.memory_space<vmem>>, vector<16xf32>,
        %get3A_1907 = vector.shape_cast %get3A_1906 : vector<16xf32> to vector<16xf32>
        %add3A_1908 = arith.addf %mul3A_1904, %get3A_1907 : vector<16xf32>
        %swap3A_1909 = arith.index_cast %scan3A_26 : i32 to index
        %swap3A_1910 = arith.constant 704 : index
        %swap3A_1911 = tpu.vector_load %arg9[%swap3A_1909, %swap3A_1910] {strides = array<i32>} : memref<32x768xf32, #tpu.memory_space<vmem>>, vector<1x16xf32>,
        %swap3A_1912 = vector.shape_cast %swap3A_1911 : vector<1x16xf32> to vector<16xf32>
        %swap3A_1913 = vector.shape_cast %add3A_1908 : vector<16xf32> to vector<1x16xf32>
        tpu.vector_store %arg9[%swap3A_1909, %swap3A_1910], %swap3A_1913 {strides = array<i32>} : memref<32x768xf32, #tpu.memory_space<vmem>>, vector<1x16xf32>,
        %get3A_1914 = arith.index_cast %scan3A_26 : i32 to index
        %get3A_1915 = arith.constant 720 : index
        %get3A_1916 = tpu.vector_load %arg9[%get3A_1914, %get3A_1915] {strides = array<i32>} : memref<32x768xf32, #tpu.memory_space<vmem>>, vector<1x16xf32>,
        %get3A_1917 = vector.shape_cast %get3A_1916 : vector<1x16xf32> to vector<16xf32>
        %sub3A_1918 = vector.broadcast %mul3A_938 : f32 to vector<16xf32>
        %sub3A_1919 = arith.subf %get3A_1917, %sub3A_1918 : vector<16xf32>
        %mul3A_1920 = vector.broadcast %mul3A_968 : f32 to vector<16xf32>
        %mul3A_1921 = arith.mulf %sub3A_1919, %mul3A_1920 : vector<16xf32>
        %get3A_1922 = arith.constant 720 : index
        %get3A_1923 = tpu.vector_load %arg10[%get3A_1922] {strides = array<i32>} : memref<768xf32, #tpu.memory_space<vmem>>, vector<16xf32>,
        %get3A_1924 = vector.shape_cast %get3A_1923 : vector<16xf32> to vector<16xf32>
        %mul3A_1925 = arith.mulf %mul3A_1921, %get3A_1924 : vector<16xf32>
        %get3A_1926 = arith.constant 720 : index
        %get3A_1927 = tpu.vector_load %arg11[%get3A_1926] {strides = array<i32>} : memref<768xf32, #tpu.memory_space<vmem>>, vector<16xf32>,
        %get3A_1928 = vector.shape_cast %get3A_1927 : vector<16xf32> to vector<16xf32>
        %add3A_1929 = arith.addf %mul3A_1925, %get3A_1928 : vector<16xf32>
        %swap3A_1930 = arith.index_cast %scan3A_26 : i32 to index
        %swap3A_1931 = arith.constant 720 : index
        %swap3A_1932 = tpu.vector_load %arg9[%swap3A_1930, %swap3A_1931] {strides = array<i32>} : memref<32x768xf32, #tpu.memory_space<vmem>>, vector<1x16xf32>,
        %swap3A_1933 = vector.shape_cast %swap3A_1932 : vector<1x16xf32> to vector<16xf32>
        %swap3A_1934 = vector.shape_cast %add3A_1929 : vector<16xf32> to vector<1x16xf32>
        tpu.vector_store %arg9[%swap3A_1930, %swap3A_1931], %swap3A_1934 {strides = array<i32>} : memref<32x768xf32, #tpu.memory_space<vmem>>, vector<1x16xf32>,
        %get3A_1935 = arith.index_cast %scan3A_26 : i32 to index
        %get3A_1936 = arith.constant 736 : index
        %get3A_1937 = tpu.vector_load %arg9[%get3A_1935, %get3A_1936] {strides = array<i32>} : memref<32x768xf32, #tpu.memory_space<vmem>>, vector<1x16xf32>,
        %get3A_1938 = vector.shape_cast %get3A_1937 : vector<1x16xf32> to vector<16xf32>
        %sub3A_1939 = vector.broadcast %mul3A_938 : f32 to vector<16xf32>
        %sub3A_1940 = arith.subf %get3A_1938, %sub3A_1939 : vector<16xf32>
        %mul3A_1941 = vector.broadcast %mul3A_968 : f32 to vector<16xf32>
        %mul3A_1942 = arith.mulf %sub3A_1940, %mul3A_1941 : vector<16xf32>
        %get3A_1943 = arith.constant 736 : index
        %get3A_1944 = tpu.vector_load %arg10[%get3A_1943] {strides = array<i32>} : memref<768xf32, #tpu.memory_space<vmem>>, vector<16xf32>,
        %get3A_1945 = vector.shape_cast %get3A_1944 : vector<16xf32> to vector<16xf32>
        %mul3A_1946 = arith.mulf %mul3A_1942, %get3A_1945 : vector<16xf32>
        %get3A_1947 = arith.constant 736 : index
        %get3A_1948 = tpu.vector_load %arg11[%get3A_1947] {strides = array<i32>} : memref<768xf32, #tpu.memory_space<vmem>>, vector<16xf32>,
        %get3A_1949 = vector.shape_cast %get3A_1948 : vector<16xf32> to vector<16xf32>
        %add3A_1950 = arith.addf %mul3A_1946, %get3A_1949 : vector<16xf32>
        %swap3A_1951 = arith.index_cast %scan3A_26 : i32 to index
        %swap3A_1952 = arith.constant 736 : index
        %swap3A_1953 = tpu.vector_load %arg9[%swap3A_1951, %swap3A_1952] {strides = array<i32>} : memref<32x768xf32, #tpu.memory_space<vmem>>, vector<1x16xf32>,
        %swap3A_1954 = vector.shape_cast %swap3A_1953 : vector<1x16xf32> to vector<16xf32>
        %swap3A_1955 = vector.shape_cast %add3A_1950 : vector<16xf32> to vector<1x16xf32>
        tpu.vector_store %arg9[%swap3A_1951, %swap3A_1952], %swap3A_1955 {strides = array<i32>} : memref<32x768xf32, #tpu.memory_space<vmem>>, vector<1x16xf32>,
        %get3A_1956 = arith.index_cast %scan3A_26 : i32 to index
        %get3A_1957 = arith.constant 752 : index
        %get3A_1958 = tpu.vector_load %arg9[%get3A_1956, %get3A_1957] {strides = array<i32>} : memref<32x768xf32, #tpu.memory_space<vmem>>, vector<1x16xf32>,
        %get3A_1959 = vector.shape_cast %get3A_1958 : vector<1x16xf32> to vector<16xf32>
        %sub3A_1960 = vector.broadcast %mul3A_938 : f32 to vector<16xf32>
        %sub3A_1961 = arith.subf %get3A_1959, %sub3A_1960 : vector<16xf32>
        %mul3A_1962 = vector.broadcast %mul3A_968 : f32 to vector<16xf32>
        %mul3A_1963 = arith.mulf %sub3A_1961, %mul3A_1962 : vector<16xf32>
        %get3A_1964 = arith.constant 752 : index
        %get3A_1965 = tpu.vector_load %arg10[%get3A_1964] {strides = array<i32>} : memref<768xf32, #tpu.memory_space<vmem>>, vector<16xf32>,
        %get3A_1966 = vector.shape_cast %get3A_1965 : vector<16xf32> to vector<16xf32>
        %mul3A_1967 = arith.mulf %mul3A_1963, %get3A_1966 : vector<16xf32>
        %get3A_1968 = arith.constant 752 : index
        %get3A_1969 = tpu.vector_load %arg11[%get3A_1968] {strides = array<i32>} : memref<768xf32, #tpu.memory_space<vmem>>, vector<16xf32>,
        %get3A_1970 = vector.shape_cast %get3A_1969 : vector<16xf32> to vector<16xf32>
        %add3A_1971 = arith.addf %mul3A_1967, %get3A_1970 : vector<16xf32>
        %swap3A_1972 = arith.index_cast %scan3A_26 : i32 to index
        %swap3A_1973 = arith.constant 752 : index
        %swap3A_1974 = tpu.vector_load %arg9[%swap3A_1972, %swap3A_1973] {strides = array<i32>} : memref<32x768xf32, #tpu.memory_space<vmem>>, vector<1x16xf32>,
        %swap3A_1975 = vector.shape_cast %swap3A_1974 : vector<1x16xf32> to vector<16xf32>
        %swap3A_1976 = vector.shape_cast %add3A_1971 : vector<16xf32> to vector<1x16xf32>
        tpu.vector_store %arg9[%swap3A_1972, %swap3A_1973], %swap3A_1976 {strides = array<i32>} : memref<32x768xf32, #tpu.memory_space<vmem>>, vector<1x16xf32>,
        %scan3A_1977 = arith.constant 0 : i32
        scf.yield %scan3A_1977 : i32
      }
      %scan3A_24 = arith.constant 32 : i32
      "tpu.region"() ({
        %run_scoped3A = tpu.sem_alloc : memref<!tpu.dma_semaphore, #tpu.memory_space<semaphore_mem>>
        %dma_start3A = arith.constant 0 : i32
        %dma_start3A_26 = tpu.memref_slice %arg6[%add3A_14, %dma_start3A] : memref<32768x768xf32, #tpu.memory_space<hbm>> -> memref<32x768xf32, #tpu.memory_space<hbm>>
        %dma_start3A_27 = arith.constant 0 : i32
        %dma_start3A_28 = tpu.memref_slice %arg6[%add3A_14, %dma_start3A_27] : memref<32768x768xf32, #tpu.memory_space<hbm>> -> memref<32x768xf32, #tpu.memory_space<hbm>>
        tpu.enqueue_dma source(%arg9 : memref<32x768xf32, #tpu.memory_space<vmem>>) target(%dma_start3A_28 : memref<32x768xf32, #tpu.memory_space<hbm>>) target_semaphore(%run_scoped3A : memref<!tpu.dma_semaphore, #tpu.memory_space<semaphore_mem>>)
        %dma_wait3A = arith.constant 0 : i32
        %dma_wait3A_29 = tpu.memref_slice %arg6[%add3A_14, %dma_wait3A] : memref<32768x768xf32, #tpu.memory_space<hbm>> -> memref<32x768xf32, #tpu.memory_space<hbm>>
        %dma_wait3A_30 = arith.constant 0 : i32
        %dma_wait3A_31 = tpu.memref_slice %arg6[%add3A_14, %dma_wait3A_30] : memref<32768x768xf32, #tpu.memory_space<hbm>> -> memref<32x768xf32, #tpu.memory_space<hbm>>
        tpu.wait_dma2 semaphore(%run_scoped3A : memref<!tpu.dma_semaphore, #tpu.memory_space<semaphore_mem>>) src(%arg9 : memref<32x768xf32, #tpu.memory_space<vmem>>) dst(%dma_wait3A_31 : memref<32x768xf32, #tpu.memory_space<hbm>>)
        tpu.yield
      }) : () -> ()
      %scan3A_25 = arith.constant 0 : i32
      scf.yield %scan3A_25 : i32
    }
    %scan3A_9 = arith.constant 32 : i32
    return
  }
}

</mosaic_0001>

<sc_bundles>
// kernel: kernel.3.cloned.1.call-start
scs
__scs_entry_jumppad:
0x0: {  	(pc) =	sbr.rel $0x88, $3  }
0x1: {  	(tag) =	ssettag $0x0;
	lr =	simm.s32 $0x1  }
0x2: {  	[smem:$0x3F9D] =	sst lr;
	_ =	strace $0xD0000000  }
0x3: {  	_ = 	snop  }
0x4: {  	_ = 	snop  }
0x5: {  	_ = 	snop  }
0x6: {  	_ = 	snop  }
0x7: {  	_ = 	snop  }
__scs_overlays_trampoline_lowered:
0x8: {  	[smem:$0x3FAC] =	sst s0  }
0x9: {  	[smem:$0x3FAD] =	sst s1  }
0xa: {  	[smem:$0x3FAE] =	sst s2  }
0xb: {  	[smem:$0x3FAF] =	sst s3  }
0xc: {  	[smem:$0x3FB0] =	sst s4  }
0xd: {  	[smem:$0x3FB1] =	sst s5  }
0xe: {  	[smem:$0x3FB2] =	sst s6  }
0xf: {  	[smem:$0x3FB3] =	sst s7  }
0x10: {  	[smem:$0x3FB4] =	sst s8  }
0x11: {  	[smem:$0x3FB5] =	sst s9;
	s0 =	simm.s32 @!p0 $0x0  }
0x12: {  	s1 =	sld [smem:$0x3F9B];
	s0 =	simm.s32 @p0 $0x1  }
0x13: {  	[smem:$0x3FB6] =	sst s0;
	s0 =	simm.s32 @!p1 $0x0  }
0x14: {  	s2 =	sld [smem:$0x3F9A];
	s0 =	simm.s32 @p1 $0x1  }
0x15: {  	[smem:$0x3FB7] =	sst s0;
	s0 =	simm.s32 @!p2 $0x0  }
0x16: {  	s3 =	sld [smem:$0x3FDB];
	s0 =	simm.s32 @p2 $0x1  }
0x17: {  	s4 =	simm.s32 $0x1BF5;
	[smem:$0x3FB9] =	sst s0  }
0x18: {  	s0 =	sld [smem:$0x3F9C];
	_ =	swait.ge [sflag:s4], $0x0  }
0x19: {  	s7 =	sld [smem:$0x3F9D]  }
0x1a: {  	s8 =	sadd.s32 $0xFFFFE003, lr  }
0x1b: {  	s9 =	sadd.s32 $0xFFFFFEF7, lr;
	s5 =	simm.s32 $0xFFFFFFFF;
	p2 =	slt.u32 s8, $0xFFFFF086  }
0x1c: {  	p1 =	slt.u32 s9, $0xF7A;
	s5 =	simm.s32 @!p2 $0x0  }
0x1d: {  	s5 =	simm.s32 @p1 $0x1;
	p0 =	seq.s32 s7, s2  }
0x1e: {  	s7 =	smul.u32 @!p0 $0xF7A, s2;
	p2 =	seq.s32 @!p0 s5, $0x0  }
0x1f: {  	s9 =	smul.u32 $0xF7A, s1;
	s8 =	simm.s32 @!p0 $0x1BF5;
	p2 =	por !p2, p0  }
0x20: {  	[sflag:s8] =	ssyncset.s32 @!p0 $0xFFFFF086;
	s6 =	sadd.s32 @!p0 s3, s7;
	s7 =	simm.s32 @!p0 $0x108  }
0x21: {  	s3 =	sadd.s32 s3, s9;
	s6 =	sadd.s32 @!p0 $0x88, s6;
	s7 =	simm.s32 @p2 $0x1082  }
0x22: {  	[simem:s7], [sflag:s8] =	dma.local @!p0 [hbm:s6], $0xF7A  }
0x23: {  	s9 =	sor.u32 $0xD0000000, s2;
	s6 =	simm.s32 $0x108;
	_ =	swait.ge @!p0 [sflag:s8], $0x0  }
0x24: {  	s3 =	sadd.s32 $0x88, s3;
	s6 =	simm.s32 @!p1 $0x1082;
	[sflag:s4] =	ssyncset.s32 $0xFFFFF086  }
0x25: {  	[simem:s6], [sflag:s4] =	dma.local [hbm:s3], $0xF7A  }
0x26: {  	[smem:$0x3F9D] =	sst s1;
	(tag) =	ssettag s2;
	_ =	strace s9  }
0x27: {  	s1 =	sld [smem:$0x3FAD]  }
0x28: {  	s2 =	sld [smem:$0x3FAE]  }
0x29: {  	s4 =	sld [smem:$0x3FB0]  }
0x2a: {  	p0 =	seq.s32 s5, $0x0;
	s5 =	sld [smem:$0x3FB1]  }
0x2b: {  	s6 =	sld [smem:$0x3FB2]  }
0x2c: {  	s7 =	sld [smem:$0x3FB3]  }
0x2d: {  	s3 =	simm.s32 $0x108;
	s8 =	sld [smem:$0x3FB4]  }
0x2e: {  	s3 =	simm.s32 @!p0 $0x1082;
	s9 =	sld [smem:$0x3FB5]  }
0x2f: {  	lr =	sadd.s32 s0, s3;
	s0 =	sld [smem:$0x3FAC]  }
0x30: {  	s3 =	sld [smem:$0x3FAF]  }
0x31: {  	[smem:$0x3FB8] =	sst s10  }
0x32: {  	s10 =	sld [smem:$0x3FB6];
	_ =	sdelay $0x3  }
0x33: {  	p0 =	seq.s32 s10, $0x1;
	s10 =	sld [smem:$0x3FB8];
	_ =	sdelay $0x3  }
0x34: {  	[smem:$0x3FB8] =	sst s10  }
0x35: {  	s10 =	sld [smem:$0x3FB7];
	_ =	sdelay $0x3  }
0x36: {  	p1 =	seq.s32 s10, $0x1;
	s10 =	sld [smem:$0x3FB8];
	_ =	sdelay $0x3  }
0x37: {  	[smem:$0x3FB8] =	sst s10  }
0x38: {  	s10 =	sld [smem:$0x3FB9]  }
0x39: {  	_ = 	snop;
	(pc) =	sbr.ind lr, $3  }
0x3a: {  	_ = 	snop  }
0x3b: {  	_ = 	snop  }
0x3c: {  	p2 =	seq.s32 s10, $0x1;
	s10 =	sld [smem:$0x3FB8]  }
0x3d: {  	_ =	shalt  }
0x3e: {  	_ =	shalt  }
0x3f: {  	_ =	shalt  }
0x40: {  	_ =	shalt  }
0x41: {  	_ =	shalt  }
0x42: {  	_ =	shalt  }
0x43: {  	_ =	shalt  }
0x44: {  	_ =	shalt  }
0x45: {  	_ =	shalt  }
0x46: {  	_ =	shalt  }
0x47: {  	_ =	shalt  }
0x48: {  	_ =	shalt  }
0x49: {  	_ =	shalt  }
0x4a: {  	_ =	shalt  }
0x4b: {  	_ =	shalt  }
0x4c: {  	_ =	shalt  }
0x4d: {  	_ =	shalt  }
0x4e: {  	_ =	shalt  }
0x4f: {  	_ =	shalt  }
0x50: {  	_ =	shalt  }
0x51: {  	_ =	shalt  }
0x52: {  	_ =	shalt  }
0x53: {  	_ =	shalt  }
0x54: {  	_ =	shalt  }
0x55: {  	_ =	shalt  }
0x56: {  	_ =	shalt  }
0x57: {  	_ =	shalt  }
0x58: {  	_ =	shalt  }
0x59: {  	_ =	shalt  }
0x5a: {  	_ =	shalt  }
0x5b: {  	_ =	shalt  }
0x5c: {  	_ =	shalt  }
0x5d: {  	_ =	shalt  }
0x5e: {  	_ =	shalt  }
0x5f: {  	_ =	shalt  }
0x60: {  	_ =	shalt  }
0x61: {  	_ =	shalt  }
0x62: {  	_ =	shalt  }
0x63: {  	_ =	shalt  }
0x64: {  	_ =	shalt  }
0x65: {  	_ =	shalt  }
0x66: {  	_ =	shalt  }
0x67: {  	_ =	shalt  }
0x68: {  	_ =	shalt  }
0x69: {  	_ =	shalt  }
0x6a: {  	_ =	shalt  }
0x6b: {  	_ =	shalt  }
0x6c: {  	_ =	shalt  }
0x6d: {  	_ =	shalt  }
0x6e: {  	_ =	shalt  }
0x6f: {  	_ =	shalt  }
0x70: {  	_ =	shalt  }
0x71: {  	_ =	shalt  }
0x72: {  	_ =	shalt  }
0x73: {  	_ =	shalt  }
0x74: {  	_ =	shalt  }
0x75: {  	_ =	shalt  }
0x76: {  	_ =	shalt  }
0x77: {  	_ =	shalt  }
0x78: {  	_ =	shalt  }
0x79: {  	_ =	shalt  }
0x7a: {  	_ =	shalt  }
0x7b: {  	_ =	shalt  }
0x7c: {  	_ =	shalt  }
0x7d: {  	_ =	shalt  }
0x7e: {  	_ =	shalt  }
0x7f: {  	_ =	shalt  }
0x80: {  	_ =	shalt  }
0x81: {  	_ =	shalt  }
0x82: {  	_ =	shalt  }
0x83: {  	_ =	shalt  }
0x84: {  	_ =	shalt  }
0x85: {  	_ =	shalt  }
0x86: {  	_ =	shalt  }
0x87: {  	_ =	shalt  }
.Lfunc_end0:
.L_simem_size_0:
called_computation_lowered:
.L_overlay_start_0:
0x88: {  	s2 =	sld [smem:$0x3FD9]  }
0x89: {  	s3 =	sld [smem:$0x3FFE];
	_ =	sdelay $0x1  }
0x8a: {  	s1 =	srdreg.scid  }
0x8b: {  	s0 =	sand.u32 $0x1, s1  }
0x8c: {  	s18 =	sshll.u32 s0, $0xA;
	s2 =	sadd.s32 s3, s2  }
0x8d: {  	s2 =	sadd.s32 s2, s18  }
0x8e: {  	[smem:$0x3FC4] =	sst s2  }
0x8f: {  	_ = 	snop  }
0x90: {  	s2 =	sld [smem:$0x3FC9]  }
0x91: {  	s19 =	sld [smem:$0x3FC8]  }
0x92: {  	s4 =	sld [smem:$0x3FC7]  }
0x93: {  	s5 =	sld [smem:$0x3FC6]  }
0x94: {  	s6 =	sld [smem:$0x3FD0];
	(tm) =	ssettm $0x1  }
0x95: {  	s7 =	sld [smem:$0x3FFB];
	_ =	sdelay $0x3  }
0x96: {  	_ =	strace s7  }
0x97: {  	s7 =	sld [smem:$0x3FFC];
	_ =	sdelay $0x3  }
0x98: {  	_ =	strace s7  }
0x99: {  	s7 =	sld [smem:$0x3FFD];
	_ =	sdelay $0x3  }
0x9a: {  	_ =	strace s7  }
0x9b: {  	_ =	strace $0x8FFFFFFF  }
0x9c: {  	s20 =	sld [smem:$0x3FDB];
	_ =	sdelay $0x1  }
0x9d: {  	s8 =	simm.s32 $_scs_section_size  }
0x9e: {  	s9 =	simm.s32 $_size__tile_overlayer_lowered;
	s10 =	simm.s32 $_tile_overlayer_lowered  }
0x9f: {  	s23 =	simm.s32 $0x1BFF;
	s22 =	sshll.u32 s10, $0x1;
	s7 =	sadd.s32 s8, s20  }
0xa0: {  	s11 =	simm.s32 $0x0;
	s21 =	sshll.u32 s9, $0x1;
	s9 =	sadd.s32 s22, s7  }
0xa1: {  	[timem:s11], [sflag:s23] =	dma.local [hbm:s9], s21  }
0xa2: {  	_ =	swait.ge [sflag:s23], s21  }
0xa3: {  	s8 =	ssub.s32 $0x0, s21;
	[sflag:s23] =	ssyncset.done $0x0  }
0xa4: {  	[sflag:s23] =	ssyncadd.s32 s8;
	_ =	sdelay $0x1  }
0xa5: {  	s24 =	simm.s32 $0x1B8B  }
0xa6: {  	_ =	swait.ge [sflag:s24], $0x1  }
0xa7: {  	[sflag:s24] =	ssyncset.done $0x0  }
0xa8: {  	s25 =	simm.s32 $0x1B8E;
	[sflag:s24] =	ssyncadd.s32 $0xFFFFFFFF  }
0xa9: {  	s26 =	simm.s32 $execute0_lowered;
	[smem:$0x3FD2] =	sst s25  }
0xaa: {  	s8 =	sshll.u32 s26, $0x1;
	_ =	strace $0x80000046;
	[dreg:$0x1] =	wrdreg $0xFFFFFFFF  }
0xab: {  	s28 =	simm.s32 $_size_execute0_lowered;
	s7 =	sadd.s32 s7, s8;
	[dreg:$0x0] =	wrdreg $0x0  }
0xac: {  	s8 =	sshll.u32 s28, $0x1;
	[dreg:$0x2] =	wrdreg s7  }
0xad: {  	[dreg:$0x3] =	wrdreg s8  }
0xae: {  	[dreg:$0x4] =	wrdreg $0xC0  }
0xaf: {  	_ =	task [dreg:s11], $0x5FFFF  }
0xb0: {  	[dreg:$0x1] =	wrdreg $0xFFFFFFFF  }
0xb1: {  	[dreg:$0x0] =	wrdreg $0x60  }
0xb2: {  	[dreg:$0x2] =	wrdreg s2  }
0xb3: {  	[dreg:$0x3] =	wrdreg s19  }
0xb4: {  	[dreg:$0x4] =	wrdreg s4  }
0xb5: {  	[dreg:$0x5] =	wrdreg s5  }
0xb6: {  	[dreg:$0x6] =	wrdreg s6  }
0xb7: {  	[dreg:$0x7] =	wrdreg $0x9  }
0xb8: {  	_ =	task.clear_ibuf [dreg:s11], $0x8FFFF;
	_ =	strace $0x90000046  }
0xb9: {  	s29 =	simm.s32 $0x9;
	_ =	strace $0x80000048  }
0xba: {  	_ =	swait.ge [sflag:s29], $0x1  }
0xbb: {  	[sflag:s29] =	ssyncadd.s32 $0xFFFFFFFF  }
0xbc: {  	_ =	strace $0x90000048  }
0xbd: {  	_ =	sfence  }
0xbe: {  	s30 =	sld [smem:$0x0];
	_ =	sdelay $0x2  }
0xbf: {  	s31 =	sshll.u32 s1, $0xD;
	s1 =	sshrl.u32 s1, $0x2  }
0xc0: {  	s3 =	sand.u32 $0x4000, s31;
	s1 =	sadd.s32 s1, s30  }
0xc1: {  	s0 =	sor.u32 s3, s0;
	s1 =	sshll.u32 s1, $0x11  }
0xc2: {  	s0 =	sor.u32 s1, s0  }
0xc3: {  	s0 =	sadd.s32 $0x8F2B, s0  }
0xc4: {  	[sflag:s0] =	ssyncadd.remote.s32 $0x1  }
0xc5: {  	_ =	sfence.sel $0xFFFF  }
0xc6: {  	[dreg:$0x0] =	wrdreg $0xFFFFFFFF;
	(pc) =	sbr.abs _section_cstart, $3  }
0xc7: {  	[dreg:$0x1] =	wrdreg $0xFFFFFFFF  }
0xc8: {  	_ =	task.clear_ibuf [dreg:s11], $0x2FFFF;
	_ =	strace $0x9FFFFFFF  }
0xc9: {  	(tm) =	ssettm $0x7FFFFFFF  }
tec
execute0_lowered:
.L_overlay_start_1:
0x0: {  	(tag) =	ssettag $0x1  }
0x1: {  	s1 =	rddreg [dreg:$0x0]  }
0x2: {  	s2 =	rddreg [dreg:$0x1]  }
0x3: {  	s3 =	rddreg [dreg:$0x2]  }
0x4: {  	s4 =	rddreg [dreg:$0x3]  }
0x5: {  	s5 =	rddreg [dreg:$0x4]  }
0x6: {  	s6 =	srdreg.scid;
	s0 =	rddreg [dreg:$0x5];
	s7 =	simm.s32 $0x0  }
0x7: {  	s12 =	simm.s32 $0x1;
	s13 =	simm.s32 $0x12300;
	s14 =	simm.s32 $0x6000  }
0x8: {  	s15 =	simm.s32 $0xC000;
	s16 =	simm.s32 $0x0;
	s8 =	sand.u32 $0x1, s6  }
0x9: {  	s6 =	stileid.u32;
	[smem:$0x7FF] =	sst s7;
	s9 =	ssub.s32 $0x2, s8  }
0xa: {  	s11 =	sshll.u32 s6, $0xB;
	s8 =	sshll.u32 s8, $0xA;
	s10 =	sshrl.u32 s9, $0x1  }
0xb: {  	_ =	strace $0x80000047;
	s8 =	sor.u32 s8, s11;
	s10 =	ssub.s32 s9, s10  }
0xc: {  	s11 =	simm.s32 $0x12000;
	s9 =	sand.u32 $0x1C00, s8;
	s10 =	smax.u32 s10, $0x1  }
.LBB2_1:
0xd: {  	[tilespmem:s11], [sflag:$0x1] =	stream.linear.gather [hbm4b:s3+s7], $0x300, $0x38;
	[tilespmem:$0x12600] =	vst v63  }
0xe: {  	_ =	swait.ge [sflag:s12], $0x300  }
0xf: {  	[sflag:s12] =	ssyncset.done $0x0  }
0x10: {  	[sflag:s12] =	ssyncadd.s32 $0xFFFFFD00  }
0x11: {  	[tilespmem:s13], [sflag:$0x1] =	stream.linear.gather [hbm4b:s4+s7], $0x300, $0x38;
	[tilespmem:$0x12600] =	vst v63  }
0x12: {  	_ =	swait.ge [sflag:s12], $0x300  }
0x13: {  	[sflag:s12] =	ssyncset.done $0x0  }
0x14: {  	s17 =	simm.s32 $0x0;
	[sflag:s12] =	ssyncadd.s32 $0xFFFFFD00  }
.LBB2_2:
0x15: {  	s20 =	sshll.u32 s17, $0x5  }
0x16: {  	s18 =	sor.u32 s8, s20  }
0x17: {  	s18 =	sshrl.u32 s18, $0x3  }
0x18: {  	s18 =	smul.u32 $0x300, s18  }
0x19: {  	s20 =	sor.u32 s9, s20  }
0x1a: {  	s19 =	simm.s32 $0x0;
	s20 =	sshrl.u32 s20, $0x3;
	s21 =	sadd.s32 s1, s18  }
0x1b: {  	[tilespmem:s19], [sflag:$0x1] =	stream.linear.gather [hbm4b:s21+s19], $0x6000, $0x38;
	[tilespmem:$0x12600] =	vst v63  }
0x1c: {  	s20 =	smul.u32 $0x300, s20;
	_ =	swait.ge [sflag:s12], $0x6000  }
0x1d: {  	[sflag:s12] =	ssyncset.done $0x0  }
0x1e: {  	s20 =	sadd.s32 s2, s20;
	[sflag:s12] =	ssyncadd.s32 $0xFFFFA000  }
0x1f: {  	[tilespmem:s14], [sflag:$0x1] =	stream.linear.gather [hbm4b:s20+s19], $0x6000, $0x38;
	[tilespmem:$0x12600] =	vst v63  }
0x20: {  	_ =	swait.ge [sflag:s12], $0x6000  }
0x21: {  	[sflag:s12] =	ssyncset.done $0x0  }
0x22: {  	s20 =	simm.s32 $0x0;
	[sflag:s12] =	ssyncadd.s32 $0xFFFFA000  }
.LBB2_3:
0x23: {  	s21 =	sshrl.u32 s20, $0x3  }
0x24: {  	s21 =	smul.u32 $0x1800, s21  }
0x25: {  	s22 =	sand.u32 $0x380, s19  }
0x26: {  	s21 =	sor.u32 s22, s21  }
0x27: {  	v0 =	vld [tilespmem:s21+$0x0]  }
0x28: {  	v1 =	vld [tilespmem:s21+$0x6000]  }
0x29: {  	v2 =	vld [tilespmem:s21+$0x10]  }
0x2a: {  	v3 =	vld [tilespmem:s21+$0x6010]  }
0x2b: {  	v4 =	vld [tilespmem:s21+$0x20]  }
0x2c: {  	v5 =	vld [tilespmem:s21+$0x6020]  }
0x2d: {  	v6 =	vld [tilespmem:s21+$0x30]  }
0x2e: {  	v7 =	vld [tilespmem:s21+$0x6030];
	v1 =	vadd.f32 v1, v0  }
0x2f: {  	v8 =	vld [tilespmem:s21+$0x40];
	v0 =	vadd.f32 v3, v2  }
0x30: {  	v9 =	vld [tilespmem:s21+$0x6040];
	v25 =	vadd.f32 $0.0e+00, v1  }
0x31: {  	v26 =	vld [tilespmem:s21+$0x50];
	v2 =	vadd.f32 v5, v4;
	v10 =	vmul.f32 v1, v1;
	v11 =	vmul.f32 v0, v0  }
0x32: {  	v12 =	vld [tilespmem:s21+$0x6050];
	v27 =	vadd.f32 v0, v25  }
0x33: {  	v29 =	vld [tilespmem:s21+$0x60];
	v3 =	vadd.f32 v7, v6;
	v28 =	vmul.f32 v2, v2;
	v10 =	vadd.f32 v11, v10  }
0x34: {  	v13 =	vld [tilespmem:s21+$0x6060];
	v30 =	vadd.f32 v2, v27  }
0x35: {  	v32 =	vld [tilespmem:s21+$0x70];
	v4 =	vadd.f32 v9, v8;
	v31 =	vmul.f32 v3, v3;
	v10 =	vadd.f32 v28, v10  }
0x36: {  	v33 =	vld [tilespmem:s21+$0x6070];
	v7 =	vadd.f32 v3, v30  }
0x37: {  	v35 =	vld [tilespmem:s21+$0x400];
	v5 =	vadd.f32 v12, v26;
	v34 =	vmul.f32 v4, v4;
	v10 =	vadd.f32 v31, v10  }
0x38: {  	v14 =	vld [tilespmem:s21+$0x6400];
	v7 =	vadd.f32 v4, v7  }
0x39: {  	v37 =	vld [tilespmem:s21+$0x410];
	v6 =	vadd.f32 v13, v29;
	v36 =	vmul.f32 v5, v5;
	v10 =	vadd.f32 v34, v10  }
0x3a: {  	v16 =	vld [tilespmem:s21+$0x6410];
	v15 =	vadd.f32 v5, v7  }
0x3b: {  	v17 =	vld [tilespmem:s21+$0x420];
	v38 =	vmul.f32 v6, v6;
	v10 =	vadd.f32 v36, v10;
	v7 =	vadd.f32 v33, v32  }
0x3c: {  	v40 =	vld [tilespmem:s21+$0x6420];
	v39 =	vadd.f32 v6, v15  }
0x3d: {  	v42 =	vld [tilespmem:s21+$0x430];
	v8 =	vadd.f32 v14, v35;
	v10 =	vadd.f32 v38, v10;
	v41 =	vmul.f32 v7, v7  }
0x3e: {  	v18 =	vld [tilespmem:s21+$0x6430];
	v43 =	vadd.f32 v7, v39  }
0x3f: {  	v45 =	vld [tilespmem:s21+$0x440];
	v9 =	vadd.f32 v16, v37;
	v44 =	vmul.f32 v8, v8;
	v10 =	vadd.f32 v41, v10  }
0x40: {  	v46 =	vld [tilespmem:s21+$0x6440];
	v14 =	vadd.f32 v8, v43  }
0x41: {  	v47 =	vld [tilespmem:s21+$0x450];
	v19 =	vmul.f32 v9, v9;
	v11 =	vadd.f32 v44, v10;
	v10 =	vadd.f32 v40, v17  }
0x42: {  	v48 =	vld [tilespmem:s21+$0x6450];
	v14 =	vadd.f32 v9, v14  }
0x43: {  	v49 =	vld [tilespmem:s21+$0x460];
	v19 =	vadd.f32 v19, v11;
	v20 =	vmul.f32 v10, v10;
	v11 =	vadd.f32 v18, v42  }
0x44: {  	v21 =	vld [tilespmem:s21+$0x6460];
	v14 =	vadd.f32 v10, v14  }
0x45: {  	v51 =	vld [tilespmem:s21+$0x470];
	v12 =	vadd.f32 v46, v45;
	v19 =	vadd.f32 v20, v19;
	v50 =	vmul.f32 v11, v11  }
0x46: {  	v22 =	vld [tilespmem:s21+$0x6470];
	v14 =	vadd.f32 v11, v14  }
0x47: {  	v53 =	vld [tilespmem:s21+$0x800];
	v13 =	vadd.f32 v48, v47;
	v52 =	vmul.f32 v12, v12;
	v19 =	vadd.f32 v50, v19  }
0x48: {  	v23 =	vld [tilespmem:s21+$0x6800];
	v54 =	vadd.f32 v12, v14  }
0x49: {  	v56 =	vld [tilespmem:s21+$0x810];
	v55 =	vmul.f32 v13, v13;
	v19 =	vadd.f32 v52, v19;
	v14 =	vadd.f32 v21, v49  }
0x4a: {  	v24 =	vld [tilespmem:s21+$0x6810];
	v57 =	vadd.f32 v13, v54  }
0x4b: {  	v59 =	vld [tilespmem:s21+$0x820];
	v15 =	vadd.f32 v22, v51;
	v19 =	vadd.f32 v55, v19;
	v58 =	vmul.f32 v14, v14  }
0x4c: {  	v25 =	vld [tilespmem:s21+$0x6820];
	v21 =	vadd.f32 v14, v57  }
0x4d: {  	v61 =	vld [tilespmem:s21+$0x830];
	v16 =	vadd.f32 v23, v53;
	v60 =	vmul.f32 v15, v15;
	v19 =	vadd.f32 v58, v19  }
0x4e: {  	v26 =	vld [tilespmem:s21+$0x6830];
	v21 =	vadd.f32 v15, v21  }
0x4f: {  	v63 =	vld [tilespmem:s21+$0x840];
	v62 =	vmul.f32 v16, v16;
	v17 =	vadd.f32 v24, v56;
	v19 =	vadd.f32 v60, v19  }
0x50: {  	v27 =	vld [tilespmem:s21+$0x6840];
	v21 =	vadd.f32 v16, v21  }
0x51: {  	v34 =	vld [tilespmem:s21+$0x6850];
	v32 =	vmul.f32 v17, v17;
	v18 =	vadd.f32 v25, v59;
	v19 =	vadd.f32 v62, v19  }
0x52: {  	v33 =	vld [tilespmem:s21+$0x850];
	v21 =	vadd.f32 v17, v21  }
0x53: {  	v35 =	vld [tilespmem:s21+$0x860];
	v28 =	vmul.f32 v18, v18;
	v20 =	vadd.f32 v32, v19;
	v19 =	vadd.f32 v26, v61  }
0x54: {  	v36 =	vld [tilespmem:s21+$0x6860];
	v21 =	vadd.f32 v18, v21  }
0x55: {  	v37 =	vld [tilespmem:s21+$0x870];
	v28 =	vadd.f32 v28, v20;
	v29 =	vmul.f32 v19, v19;
	v20 =	vadd.f32 v27, v63  }
0x56: {  	v30 =	vld [tilespmem:s21+$0x6870];
	v38 =	vadd.f32 v19, v21  }
0x57: {  	v31 =	vld [tilespmem:s21+$0x6C00];
	v28 =	vadd.f32 v29, v28;
	v39 =	vmul.f32 v20, v20;
	v21 =	vadd.f32 v34, v33  }
0x58: {  	v40 =	vld [tilespmem:s21+$0xC00];
	v27 =	vadd.f32 v20, v38  }
0x59: {  	v22 =	vadd.f32 v36, v35;
	v42 =	vld [tilespmem:s21+$0xC10];
	v28 =	vadd.f32 v39, v28;
	v41 =	vmul.f32 v21, v21  }
0x5a: {  	v32 =	vld [tilespmem:s21+$0x6C10];
	v27 =	vadd.f32 v21, v27  }
0x5b: {  	v23 =	vadd.f32 v30, v37;
	v44 =	vld [tilespmem:s21+$0xC20];
	v43 =	vmul.f32 v22, v22;
	v28 =	vadd.f32 v41, v28  }
0x5c: {  	v33 =	vld [tilespmem:s21+$0x6C20];
	v27 =	vadd.f32 v22, v27  }
0x5d: {  	v46 =	vld [tilespmem:s21+$0xC30];
	v45 =	vmul.f32 v23, v23;
	v24 =	vadd.f32 v31, v40;
	v28 =	vadd.f32 v43, v28  }
0x5e: {  	v34 =	vld [tilespmem:s21+$0x6C30];
	v27 =	vadd.f32 v23, v27  }
0x5f: {  	v48 =	vld [tilespmem:s21+$0xC40];
	v47 =	vmul.f32 v24, v24;
	v25 =	vadd.f32 v32, v42;
	v28 =	vadd.f32 v45, v28  }
0x60: {  	v35 =	vld [tilespmem:s21+$0x6C40];
	v27 =	vadd.f32 v24, v27  }
0x61: {  	v36 =	vld [tilespmem:s21+$0x6C50];
	v49 =	vmul.f32 v25, v25;
	v26 =	vadd.f32 v33, v44;
	v28 =	vadd.f32 v47, v28  }
0x62: {  	v50 =	vld [tilespmem:s21+$0xC50];
	v51 =	vadd.f32 v25, v27  }
0x63: {  	v53 =	vld [tilespmem:s21+$0xC60];
	v52 =	vmul.f32 v26, v26;
	v28 =	vadd.f32 v49, v28;
	v27 =	vadd.f32 v34, v46  }
0x64: {  	v54 =	vld [tilespmem:s21+$0x6C60];
	v33 =	vadd.f32 v26, v51  }
0x65: {  	v56 =	vld [tilespmem:s21+$0x6C70];
	v29 =	vadd.f32 v52, v28;
	v37 =	vmul.f32 v27, v27;
	v28 =	vadd.f32 v35, v48  }
0x66: {  	v55 =	vld [tilespmem:s21+$0xC70];
	v33 =	vadd.f32 v27, v33  }
0x67: {  	v57 =	vld [tilespmem:s21+$0x1000];
	v37 =	vadd.f32 v37, v29;
	v38 =	vmul.f32 v28, v28;
	v29 =	vadd.f32 v36, v50  }
0x68: {  	v39 =	vld [tilespmem:s21+$0x7000];
	v33 =	vadd.f32 v28, v33  }
0x69: {  	v59 =	vld [tilespmem:s21+$0x1010];
	v30 =	vadd.f32 v54, v53;
	v37 =	vadd.f32 v38, v37;
	v58 =	vmul.f32 v29, v29  }
0x6a: {  	v40 =	vld [tilespmem:s21+$0x7010];
	v33 =	vadd.f32 v29, v33  }
0x6b: {  	v31 =	vadd.f32 v56, v55;
	v60 =	vmul.f32 v30, v30;
	v61 =	vld [tilespmem:s21+$0x1020];
	v37 =	vadd.f32 v58, v37  }
0x6c: {  	v41 =	vld [tilespmem:s21+$0x7020];
	v33 =	vadd.f32 v30, v33  }
0x6d: {  	v62 =	vmul.f32 v31, v31;
	v63 =	vld [tilespmem:s21+$0x1030];
	v32 =	vadd.f32 v39, v57;
	v37 =	vadd.f32 v60, v37  }
0x6e: {  	v42 =	vld [tilespmem:s21+$0x7030];
	v46 =	vadd.f32 v31, v33  }
0x6f: {  	v43 =	vld [tilespmem:s21+$0x7040];
	v47 =	vmul.f32 v32, v32;
	v37 =	vadd.f32 v62, v37;
	v33 =	vadd.f32 v40, v59  }
0x70: {  	v48 =	vld [tilespmem:s21+$0x1040];
	v39 =	vadd.f32 v32, v46  }
0x71: {  	v44 =	vld [tilespmem:s21+$0x7050];
	v34 =	vadd.f32 v41, v61;
	v37 =	vadd.f32 v47, v37;
	v49 =	vmul.f32 v33, v33  }
0x72: {  	v50 =	vld [tilespmem:s21+$0x1050];
	v39 =	vadd.f32 v33, v39  }
0x73: {  	v45 =	vld [tilespmem:s21+$0x7060];
	v51 =	vmul.f32 v34, v34;
	v35 =	vadd.f32 v42, v63;
	v37 =	vadd.f32 v49, v37  }
0x74: {  	v52 =	vld [tilespmem:s21+$0x1060];
	v39 =	vadd.f32 v34, v39  }
0x75: {  	v54 =	vld [tilespmem:s21+$0x1070];
	v53 =	vmul.f32 v35, v35;
	v36 =	vadd.f32 v43, v48;
	v37 =	vadd.f32 v51, v37  }
0x76: {  	v55 =	vld [tilespmem:s21+$0x7070];
	v39 =	vadd.f32 v35, v39  }
0x77: {  	v56 =	vld [tilespmem:s21+$0x1400];
	v46 =	vmul.f32 v36, v36;
	v38 =	vadd.f32 v53, v37;
	v37 =	vadd.f32 v44, v50  }
0x78: {  	v57 =	vld [tilespmem:s21+$0x7400];
	v39 =	vadd.f32 v36, v39  }
0x79: {  	v48 =	vld [tilespmem:s21+$0x7410];
	v46 =	vadd.f32 v46, v38;
	v47 =	vmul.f32 v37, v37;
	v38 =	vadd.f32 v45, v52  }
0x7a: {  	v58 =	vld [tilespmem:s21+$0x1410];
	v59 =	vadd.f32 v37, v39  }
0x7b: {  	v61 =	vld [tilespmem:s21+$0x1420];
	v46 =	vadd.f32 v47, v46;
	v60 =	vmul.f32 v38, v38;
	v39 =	vadd.f32 v55, v54  }
0x7c: {  	v49 =	vld [tilespmem:s21+$0x7420];
	v45 =	vadd.f32 v38, v59  }
0x7d: {  	v63 =	vld [tilespmem:s21+$0x1430];
	v40 =	vadd.f32 v57, v56;
	v46 =	vadd.f32 v60, v46;
	v62 =	vmul.f32 v39, v39  }
0x7e: {  	v50 =	vld [tilespmem:s21+$0x7430];
	v45 =	vadd.f32 v39, v45  }
0x7f: {  	v56 =	vld [tilespmem:s21+$0x1440];
	v41 =	vadd.f32 v48, v58;
	v55 =	vmul.f32 v40, v40;
	v46 =	vadd.f32 v62, v46  }
0x80: {  	v51 =	vld [tilespmem:s21+$0x7440];
	v45 =	vadd.f32 v40, v45  }
0x81: {  	v58 =	vld [tilespmem:s21+$0x1450];
	v57 =	vmul.f32 v41, v41;
	v42 =	vadd.f32 v49, v61;
	v46 =	vadd.f32 v55, v46  }
0x82: {  	v52 =	vld [tilespmem:s21+$0x7450];
	v45 =	vadd.f32 v41, v45  }
0x83: {  	v53 =	vld [tilespmem:s21+$0x7460];
	v43 =	vadd.f32 v50, v63;
	v59 =	vmul.f32 v42, v42;
	v46 =	vadd.f32 v57, v46  }
0x84: {  	v60 =	vld [tilespmem:s21+$0x1460];
	v45 =	vadd.f32 v42, v45  }
0x85: {  	v44 =	vadd.f32 v51, v56;
	v54 =	vld [tilespmem:s21+$0x7470];
	v61 =	vmul.f32 v43, v43;
	v46 =	vadd.f32 v59, v46  }
0x86: {  	v62 =	vld [tilespmem:s21+$0x1470];
	v63 =	vadd.f32 v43, v45  }
0x87: {  	v56 =	vadd.f32 v52, v58;
	v57 =	vmul.f32 v44, v44;
	v46 =	vadd.f32 v61, v46  }
0x88: {  	v58 =	vadd.f32 v44, v63  }
0x89: {  	v59 =	vadd.f32 v53, v60;
	v60 =	vmul.f32 v56, v56;
	v47 =	vadd.f32 v57, v46  }
0x8a: {  	v49 =	vadd.f32 v56, v58  }
0x8b: {  	v61 =	vadd.f32 v54, v62;
	v62 =	vmul.f32 v59, v59;
	v50 =	vadd.f32 v60, v47  }
0x8c: {  	v49 =	vadd.f32 v59, v49  }
0x8d: {  	v63 =	vmul.f32 v61, v61;
	v48 =	vadd.f32 v62, v50  }
0x8e: {  	v49 =	vadd.f32 v61, v49  }
0x8f: {  	v48 =	vadd.f32 v63, v48  }
0x90: {  	(v2sf) =	vpush v49, $0x0  }
0x91: {  	(v2sf) =	vpush v48, $0x0  }
0x92: {  	(v2sf) =	vpush v49, $0x1  }
0x93: {  	(v2sf) =	vpush v48, $0x1  }
0x94: {  	(v2sf) =	vpush v49, $0x2  }
0x95: {  	(v2sf) =	vpush v48, $0x2  }
0x96: {  	(v2sf) =	vpush v49, $0x3  }
0x97: {  	(v2sf) =	vpush v48, $0x3  }
0x98: {  	(v2sf) =	vpush v49, $0x4  }
0x99: {  	(v2sf) =	vpush v48, $0x4  }
0x9a: {  	(v2sf) =	vpush v49, $0x5  }
0x9b: {  	(v2sf) =	vpush v48, $0x5  }
0x9c: {  	(v2sf) =	vpush v49, $0x6  }
0x9d: {  	(v2sf) =	vpush v48, $0x6  }
0x9e: {  	(v2sf) =	vpush v49, $0x7  }
0x9f: {  	s25 =	spop (v2sf);
	(v2sf) =	vpush v48, $0x7  }
0xa0: {  	s23 =	spop (v2sf);
	(v2sf) =	vpush v49, $0x8  }
0xa1: {  	s24 =	spop (v2sf);
	(v2sf) =	vpush v48, $0x8  }
0xa2: {  	s22 =	sadd.f32 s24, s25;
	s26 =	spop (v2sf);
	(v2sf) =	vpush v49, $0x9  }
0xa3: {  	s23 =	sadd.f32 s26, s23;
	s28 =	spop (v2sf);
	(v2sf) =	vpush v48, $0x9  }
0xa4: {  	s22 =	sadd.f32 s22, s28;
	s29 =	spop (v2sf);
	(v2sf) =	vpush v49, $0xA  }
0xa5: {  	s23 =	sadd.f32 s23, s29;
	s30 =	spop (v2sf);
	(v2sf) =	vpush v48, $0xA  }
0xa6: {  	s22 =	sadd.f32 s22, s30;
	s31 =	spop (v2sf);
	(v2sf) =	vpush v49, $0xB  }
0xa7: {  	s23 =	sadd.f32 s23, s31;
	s25 =	spop (v2sf);
	(v2sf) =	vpush v48, $0xB  }
0xa8: {  	s22 =	sadd.f32 s22, s25;
	s26 =	spop (v2sf);
	(v2sf) =	vpush v49, $0xC  }
0xa9: {  	s23 =	sadd.f32 s23, s26;
	s28 =	spop (v2sf);
	(v2sf) =	vpush v48, $0xC  }
0xaa: {  	s22 =	sadd.f32 s22, s28;
	s29 =	spop (v2sf);
	(v2sf) =	vpush v49, $0xD  }
0xab: {  	s23 =	sadd.f32 s23, s29;
	s30 =	spop (v2sf);
	(v2sf) =	vpush v48, $0xD  }
0xac: {  	s22 =	sadd.f32 s22, s30;
	s31 =	spop (v2sf);
	(v2sf) =	vpush v49, $0xE  }
0xad: {  	s23 =	sadd.f32 s23, s31;
	s25 =	spop (v2sf);
	(v2sf) =	vpush v48, $0xE  }
0xae: {  	(v2sf) =	vpush v49, $0xF;
	s22 =	sadd.f32 s22, s25;
	s26 =	spop (v2sf)  }
0xaf: {  	[tilespmem:s21+$0xC000] =	vst v1;
	(v2sf) =	vpush v48, $0xF;
	s25 =	spop (v2sf);
	s23 =	sadd.f32 s23, s26  }
0xb0: {  	[tilespmem:s21+$0xC010] =	vst v0;
	s28 =	spop (v2sf);
	s22 =	sadd.f32 s22, s25  }
0xb1: {  	[tilespmem:s21+$0xC020] =	vst v2;
	s29 =	spop (v2sf);
	s23 =	sadd.f32 s23, s28  }
0xb2: {  	[tilespmem:s21+$0xC030] =	vst v3;
	s30 =	spop (v2sf);
	s22 =	sadd.f32 s22, s29  }
0xb3: {  	[tilespmem:s21+$0xC040] =	vst v4;
	s31 =	spop (v2sf);
	s23 =	sadd.f32 s23, s30  }
0xb4: {  	[tilespmem:s21+$0xC050] =	vst v5;
	s26 =	spop (v2sf);
	s22 =	sadd.f32 s22, s31  }
0xb5: {  	[tilespmem:s21+$0xC060] =	vst v6;
	s28 =	spop (v2sf);
	s23 =	sadd.f32 s23, s26  }
0xb6: {  	[tilespmem:s21+$0xC400] =	vst v8;
	s29 =	spop (v2sf);
	s22 =	sadd.f32 s22, s28  }
0xb7: {  	[tilespmem:s21+$0xC410] =	vst v9;
	s30 =	spop (v2sf);
	s23 =	sadd.f32 s23, s29  }
0xb8: {  	[tilespmem:s21+$0xC440] =	vst v12;
	s31 =	spop (v2sf);
	s22 =	sadd.f32 s22, s30  }
0xb9: {  	[tilespmem:s21+$0xC070] =	vst v7;
	s26 =	spop (v2sf);
	s23 =	sadd.f32 s23, s31  }
0xba: {  	[tilespmem:s21+$0xC450] =	vst v13;
	s28 =	spop (v2sf);
	s22 =	sadd.f32 s22, s26  }
0xbb: {  	[tilespmem:s21+$0xC420] =	vst v10;
	s29 =	spop (v2sf);
	s23 =	sadd.f32 s23, s28  }
0xbc: {  	[tilespmem:s21+$0xC470] =	vst v15;
	s30 =	spop (v2sf);
	s22 =	sadd.f32 s22, s29  }
0xbd: {  	[tilespmem:s21+$0xC430] =	vst v11;
	s31 =	spop (v2sf);
	s23 =	sadd.f32 s23, s30  }
0xbe: {  	[tilespmem:s21+$0xC460] =	vst v14;
	s22 =	sadd.f32 s22, s31;
	s26 =	spop (v2sf)  }
0xbf: {  	[tilespmem:s21+$0xC800] =	vst v16;
	s23 =	sadd.f32 s23, s26  }
0xc0: {  	[tilespmem:s21+$0xC810] =	vst v17;
	s22 =	smul.f32 $1.302083370e-03, s22  }
0xc1: {  	[tilespmem:s21+$0xC820] =	vst v18;
	s23 =	smul.f32 $1.302083370e-03, s23  }
0xc2: {  	[tilespmem:s21+$0xC830] =	vst v19;
	s28 =	smul.f32 s22, s22  }
0xc3: {  	[tilespmem:s21+$0xC840] =	vst v20  }
0xc4: {  	[tilespmem:s21+$0xC860] =	vst v22;
	s23 =	ssub.f32 s23, s28  }
0xc5: {  	[tilespmem:s21+$0xC870] =	vst v23  }
0xc6: {  	[tilespmem:s21+$0xCC00] =	vst v24;
	s23 =	sadd.f32 $9.999999740e-06, s23  }
0xc7: {  	[tilespmem:s21+$0xCC60] =	vst v30  }
0xc8: {  	[tilespmem:s21+$0xCC70] =	vst v31;
	s29 =	sshrl.u32 s23, $0x1;
	s23 =	smul.f32 $5.000000000e-01, s23  }
0xc9: {  	[tilespmem:s21+$0xC850] =	vst v21;
	s24 =	ssub.s32 $0x5F3759DF, s29  }
0xca: {  	[tilespmem:s21+$0xCC10] =	vst v25;
	s30 =	smul.f32 s24, s23  }
0xcb: {  	[tilespmem:s21+$0xCC20] =	vst v26  }
0xcc: {  	[tilespmem:s21+$0xD000] =	vst v32;
	s25 =	smul.f32 s24, s30  }
0xcd: {  	[tilespmem:s21+$0xCC30] =	vst v27  }
0xce: {  	[tilespmem:s21+$0xD020] =	vst v34;
	s25 =	ssub.f32 $1.500000000e+00, s25  }
0xcf: {  	[tilespmem:s21+$0xCC40] =	vst v28  }
0xd0: {  	[tilespmem:s21+$0xD030] =	vst v35;
	s24 =	smul.f32 s24, s25  }
0xd1: {  	[tilespmem:s21+$0xCC50] =	vst v29  }
0xd2: {  	[tilespmem:s21+$0xD040] =	vst v36;
	s25 =	smul.f32 s24, s23  }
0xd3: {  	[tilespmem:s21+$0xD010] =	vst v33  }
0xd4: {  	[tilespmem:s21+$0xD400] =	vst v40;
	s25 =	smul.f32 s25, s24  }
0xd5: {  	[tilespmem:s21+$0xD410] =	vst v41  }
0xd6: {  	[tilespmem:s21+$0xD050] =	vst v37;
	s25 =	ssub.f32 $1.500000000e+00, s25  }
0xd7: {  	[tilespmem:s21+$0xD420] =	vst v42  }
0xd8: {  	[tilespmem:s21+$0xD060] =	vst v38;
	s24 =	smul.f32 s25, s24  }
0xd9: {  	[tilespmem:s21+$0xD440] =	vst v44  }
0xda: {  	[tilespmem:s21+$0xD070] =	vst v39;
	s23 =	smul.f32 s24, s23  }
0xdb: {  	v1 =	vld [tilespmem:s21+$0xC000];
	[tilespmem:s21+$0xD430] =	vst v43  }
0xdc: {  	[tilespmem:s21+$0xD450] =	vst v56;
	s23 =	smul.f32 s23, s24  }
0xdd: {  	[tilespmem:s21+$0xD460] =	vst v59  }
0xde: {  	[tilespmem:s21+$0xD470] =	vst v61;
	s23 =	ssub.f32 $1.500000000e+00, s23  }
0xdf: {  	v2 =	vld [tilespmem:$0x12000];
	v0 =	vmov s22  }
0xe0: {  	v1 =	vsub.f32 v1, v0;
	s31 =	smul.f32 s23, s24  }
0xe1: {  	v3 =	vld [tilespmem:$0x12300]  }
0xe2: {  	v1 =	vmul.f32 s31, v1;
	_ =	sdelay $0x1  }
0xe3: {  	v1 =	vmul.f32 v1, v2  }
0xe4: {  	v28 =	vld [tilespmem:s21+$0xC010]  }
0xe5: {  	v1 =	vadd.f32 v1, v3;
	_ =	sdelay $0x1  }
0xe6: {  	[tilespmem:s21+$0xC000] =	vst v1  }
0xe7: {  	v1 =	vld [tilespmem:$0x12010]  }
0xe8: {  	v2 =	vsub.f32 v28, v0  }
0xe9: {  	v29 =	vld [tilespmem:$0x12310]  }
0xea: {  	v2 =	vmul.f32 s31, v2;
	_ =	sdelay $0x1  }
0xeb: {  	v1 =	vmul.f32 v2, v1  }
0xec: {  	v30 =	vld [tilespmem:s21+$0xC020]  }
0xed: {  	v1 =	vadd.f32 v1, v29;
	_ =	sdelay $0x1  }
0xee: {  	[tilespmem:s21+$0xC010] =	vst v1  }
0xef: {  	v1 =	vld [tilespmem:$0x12020]  }
0xf0: {  	v2 =	vsub.f32 v30, v0  }
0xf1: {  	v31 =	vld [tilespmem:$0x12320]  }
0xf2: {  	v2 =	vmul.f32 s31, v2;
	_ =	sdelay $0x1  }
0xf3: {  	v1 =	vmul.f32 v2, v1  }
0xf4: {  	v32 =	vld [tilespmem:s21+$0xC030]  }
0xf5: {  	v1 =	vadd.f32 v1, v31;
	_ =	sdelay $0x1  }
0xf6: {  	[tilespmem:s21+$0xC020] =	vst v1  }
0xf7: {  	v1 =	vld [tilespmem:$0x12030]  }
0xf8: {  	v2 =	vsub.f32 v32, v0  }
0xf9: {  	v33 =	vld [tilespmem:$0x12330]  }
0xfa: {  	v2 =	vmul.f32 s31, v2;
	_ =	sdelay $0x1  }
0xfb: {  	v1 =	vmul.f32 v2, v1  }
0xfc: {  	v34 =	vld [tilespmem:s21+$0xC040]  }
0xfd: {  	v1 =	vadd.f32 v1, v33;
	_ =	sdelay $0x1  }
0xfe: {  	[tilespmem:s21+$0xC030] =	vst v1  }
0xff: {  	v1 =	vld [tilespmem:$0x12040]  }
0x100: {  	v2 =	vsub.f32 v34, v0  }
0x101: {  	v35 =	vld [tilespmem:$0x12340]  }
0x102: {  	v2 =	vmul.f32 s31, v2;
	_ =	sdelay $0x1  }
0x103: {  	v1 =	vmul.f32 v2, v1  }
0x104: {  	v36 =	vld [tilespmem:s21+$0xC050]  }
0x105: {  	v1 =	vadd.f32 v1, v35;
	_ =	sdelay $0x1  }
0x106: {  	[tilespmem:s21+$0xC040] =	vst v1  }
0x107: {  	v1 =	vld [tilespmem:$0x12050]  }
0x108: {  	v2 =	vsub.f32 v36, v0  }
0x109: {  	v37 =	vld [tilespmem:$0x12350]  }
0x10a: {  	v2 =	vmul.f32 s31, v2;
	_ =	sdelay $0x1  }
0x10b: {  	v1 =	vmul.f32 v2, v1  }
0x10c: {  	v38 =	vld [tilespmem:s21+$0xC060]  }
0x10d: {  	v1 =	vadd.f32 v1, v37;
	_ =	sdelay $0x1  }
0x10e: {  	[tilespmem:s21+$0xC050] =	vst v1  }
0x10f: {  	v1 =	vld [tilespmem:$0x12060]  }
0x110: {  	v2 =	vsub.f32 v38, v0  }
0x111: {  	v39 =	vld [tilespmem:$0x12360]  }
0x112: {  	v2 =	vmul.f32 s31, v2;
	_ =	sdelay $0x1  }
0x113: {  	v1 =	vmul.f32 v2, v1  }
0x114: {  	v40 =	vld [tilespmem:s21+$0xC070]  }
0x115: {  	v1 =	vadd.f32 v1, v39;
	_ =	sdelay $0x1  }
0x116: {  	[tilespmem:s21+$0xC060] =	vst v1  }
0x117: {  	v1 =	vld [tilespmem:$0x12070]  }
0x118: {  	v2 =	vsub.f32 v40, v0  }
0x119: {  	v41 =	vld [tilespmem:$0x12370]  }
0x11a: {  	v2 =	vmul.f32 s31, v2;
	_ =	sdelay $0x1  }
0x11b: {  	v1 =	vmul.f32 v2, v1  }
0x11c: {  	v42 =	vld [tilespmem:s21+$0xC400]  }
0x11d: {  	v1 =	vadd.f32 v1, v41;
	_ =	sdelay $0x1  }
0x11e: {  	[tilespmem:s21+$0xC070] =	vst v1  }
0x11f: {  	v1 =	vld [tilespmem:$0x12080]  }
0x120: {  	v2 =	vsub.f32 v42, v0  }
0x121: {  	v43 =	vld [tilespmem:$0x12380]  }
0x122: {  	v2 =	vmul.f32 s31, v2;
	_ =	sdelay $0x1  }
0x123: {  	v1 =	vmul.f32 v2, v1  }
0x124: {  	v44 =	vld [tilespmem:s21+$0xC410]  }
0x125: {  	v1 =	vadd.f32 v1, v43;
	_ =	sdelay $0x1  }
0x126: {  	[tilespmem:s21+$0xC400] =	vst v1  }
0x127: {  	v1 =	vld [tilespmem:$0x12090]  }
0x128: {  	v2 =	vsub.f32 v44, v0  }
0x129: {  	v45 =	vld [tilespmem:$0x12390]  }
0x12a: {  	v2 =	vmul.f32 s31, v2;
	_ =	sdelay $0x1  }
0x12b: {  	v1 =	vmul.f32 v2, v1  }
0x12c: {  	v46 =	vld [tilespmem:s21+$0xC420]  }
0x12d: {  	v1 =	vadd.f32 v1, v45;
	_ =	sdelay $0x1  }
0x12e: {  	[tilespmem:s21+$0xC410] =	vst v1  }
0x12f: {  	v1 =	vld [tilespmem:$0x120A0]  }
0x130: {  	v2 =	vsub.f32 v46, v0  }
0x131: {  	v47 =	vld [tilespmem:$0x123A0]  }
0x132: {  	v2 =	vmul.f32 s31, v2;
	_ =	sdelay $0x1  }
0x133: {  	v1 =	vmul.f32 v2, v1  }
0x134: {  	v48 =	vld [tilespmem:s21+$0xC430]  }
0x135: {  	v1 =	vadd.f32 v1, v47;
	_ =	sdelay $0x1  }
0x136: {  	[tilespmem:s21+$0xC420] =	vst v1  }
0x137: {  	v1 =	vld [tilespmem:$0x120B0]  }
0x138: {  	v2 =	vsub.f32 v48, v0  }
0x139: {  	v49 =	vld [tilespmem:$0x123B0]  }
0x13a: {  	v2 =	vmul.f32 s31, v2;
	_ =	sdelay $0x1  }
0x13b: {  	v1 =	vmul.f32 v2, v1  }
0x13c: {  	v50 =	vld [tilespmem:s21+$0xC440]  }
0x13d: {  	v1 =	vadd.f32 v1, v49;
	_ =	sdelay $0x1  }
0x13e: {  	[tilespmem:s21+$0xC430] =	vst v1  }
0x13f: {  	v1 =	vld [tilespmem:$0x120C0]  }
0x140: {  	v2 =	vsub.f32 v50, v0  }
0x141: {  	v51 =	vld [tilespmem:$0x123C0]  }
0x142: {  	v2 =	vmul.f32 s31, v2;
	_ =	sdelay $0x1  }
0x143: {  	v1 =	vmul.f32 v2, v1  }
0x144: {  	v52 =	vld [tilespmem:s21+$0xC450]  }
0x145: {  	v1 =	vadd.f32 v1, v51;
	_ =	sdelay $0x1  }
0x146: {  	[tilespmem:s21+$0xC440] =	vst v1  }
0x147: {  	v1 =	vld [tilespmem:$0x120D0]  }
0x148: {  	v2 =	vsub.f32 v52, v0  }
0x149: {  	v53 =	vld [tilespmem:$0x123D0]  }
0x14a: {  	v2 =	vmul.f32 s31, v2;
	_ =	sdelay $0x1  }
0x14b: {  	v1 =	vmul.f32 v2, v1  }
0x14c: {  	v54 =	vld [tilespmem:s21+$0xC460]  }
0x14d: {  	v1 =	vadd.f32 v1, v53;
	_ =	sdelay $0x1  }
0x14e: {  	[tilespmem:s21+$0xC450] =	vst v1  }
0x14f: {  	v1 =	vld [tilespmem:$0x120E0]  }
0x150: {  	v2 =	vsub.f32 v54, v0  }
0x151: {  	v55 =	vld [tilespmem:$0x123E0]  }
0x152: {  	v2 =	vmul.f32 s31, v2;
	_ =	sdelay $0x1  }
0x153: {  	v1 =	vmul.f32 v2, v1  }
0x154: {  	v56 =	vld [tilespmem:s21+$0xC470]  }
0x155: {  	v1 =	vadd.f32 v1, v55;
	_ =	sdelay $0x1  }
0x156: {  	[tilespmem:s21+$0xC460] =	vst v1  }
0x157: {  	v1 =	vld [tilespmem:$0x120F0]  }
0x158: {  	v2 =	vsub.f32 v56, v0  }
0x159: {  	v57 =	vld [tilespmem:$0x123F0]  }
0x15a: {  	v2 =	vmul.f32 s31, v2;
	_ =	sdelay $0x1  }
0x15b: {  	v1 =	vmul.f32 v2, v1  }
0x15c: {  	v58 =	vld [tilespmem:s21+$0xC800]  }
0x15d: {  	v1 =	vadd.f32 v1, v57;
	_ =	sdelay $0x1  }
0x15e: {  	[tilespmem:s21+$0xC470] =	vst v1  }
0x15f: {  	v1 =	vld [tilespmem:$0x12100]  }
0x160: {  	v2 =	vsub.f32 v58, v0  }
0x161: {  	v59 =	vld [tilespmem:$0x12400]  }
0x162: {  	v2 =	vmul.f32 s31, v2;
	_ =	sdelay $0x1  }
0x163: {  	v1 =	vmul.f32 v2, v1  }
0x164: {  	v60 =	vld [tilespmem:s21+$0xC810]  }
0x165: {  	v1 =	vadd.f32 v1, v59;
	_ =	sdelay $0x1  }
0x166: {  	[tilespmem:s21+$0xC800] =	vst v1  }
0x167: {  	v1 =	vld [tilespmem:$0x12110]  }
0x168: {  	v2 =	vsub.f32 v60, v0  }
0x169: {  	v61 =	vld [tilespmem:$0x12410]  }
0x16a: {  	v2 =	vmul.f32 s31, v2;
	_ =	sdelay $0x1  }
0x16b: {  	v1 =	vmul.f32 v2, v1  }
0x16c: {  	v62 =	vld [tilespmem:s21+$0xC820]  }
0x16d: {  	v1 =	vadd.f32 v1, v61;
	_ =	sdelay $0x1  }
0x16e: {  	[tilespmem:s21+$0xC810] =	vst v1  }
0x16f: {  	v1 =	vld [tilespmem:$0x12120]  }
0x170: {  	v2 =	vsub.f32 v62, v0  }
0x171: {  	v63 =	vld [tilespmem:$0x12420]  }
0x172: {  	v2 =	vmul.f32 s31, v2;
	_ =	sdelay $0x1  }
0x173: {  	v1 =	vmul.f32 v2, v1  }
0x174: {  	v6 =	vld [tilespmem:s21+$0xC830]  }
0x175: {  	v1 =	vadd.f32 v1, v63;
	_ =	sdelay $0x1  }
0x176: {  	[tilespmem:s21+$0xC820] =	vst v1  }
0x177: {  	v1 =	vld [tilespmem:$0x12130]  }
0x178: {  	v2 =	vsub.f32 v6, v0  }
0x179: {  	v7 =	vld [tilespmem:$0x12430]  }
0x17a: {  	v2 =	vmul.f32 s31, v2;
	_ =	sdelay $0x1  }
0x17b: {  	v1 =	vmul.f32 v2, v1  }
0x17c: {  	v8 =	vld [tilespmem:s21+$0xC840]  }
0x17d: {  	v1 =	vadd.f32 v1, v7;
	_ =	sdelay $0x1  }
0x17e: {  	[tilespmem:s21+$0xC830] =	vst v1  }
0x17f: {  	v1 =	vld [tilespmem:$0x12140]  }
0x180: {  	v2 =	vsub.f32 v8, v0  }
0x181: {  	v9 =	vld [tilespmem:$0x12440]  }
0x182: {  	v2 =	vmul.f32 s31, v2;
	_ =	sdelay $0x1  }
0x183: {  	v1 =	vmul.f32 v2, v1  }
0x184: {  	v10 =	vld [tilespmem:s21+$0xC850]  }
0x185: {  	v1 =	vadd.f32 v1, v9;
	_ =	sdelay $0x1  }
0x186: {  	[tilespmem:s21+$0xC840] =	vst v1  }
0x187: {  	v1 =	vld [tilespmem:$0x12150]  }
0x188: {  	v2 =	vsub.f32 v10, v0  }
0x189: {  	v11 =	vld [tilespmem:$0x12450]  }
0x18a: {  	v2 =	vmul.f32 s31, v2;
	_ =	sdelay $0x1  }
0x18b: {  	v1 =	vmul.f32 v2, v1  }
0x18c: {  	v12 =	vld [tilespmem:s21+$0xC860]  }
0x18d: {  	v1 =	vadd.f32 v1, v11;
	_ =	sdelay $0x1  }
0x18e: {  	[tilespmem:s21+$0xC850] =	vst v1  }
0x18f: {  	v1 =	vld [tilespmem:$0x12160]  }
0x190: {  	v2 =	vsub.f32 v12, v0  }
0x191: {  	v13 =	vld [tilespmem:$0x12460]  }
0x192: {  	v2 =	vmul.f32 s31, v2;
	_ =	sdelay $0x1  }
0x193: {  	v1 =	vmul.f32 v2, v1  }
0x194: {  	v14 =	vld [tilespmem:s21+$0xC870]  }
0x195: {  	v1 =	vadd.f32 v1, v13;
	_ =	sdelay $0x1  }
0x196: {  	[tilespmem:s21+$0xC860] =	vst v1  }
0x197: {  	v1 =	vld [tilespmem:$0x12170]  }
0x198: {  	v2 =	vsub.f32 v14, v0  }
0x199: {  	v15 =	vld [tilespmem:$0x12470]  }
0x19a: {  	v2 =	vmul.f32 s31, v2;
	_ =	sdelay $0x1  }
0x19b: {  	v1 =	vmul.f32 v2, v1  }
0x19c: {  	v16 =	vld [tilespmem:s21+$0xCC00]  }
0x19d: {  	v1 =	vadd.f32 v1, v15;
	_ =	sdelay $0x1  }
0x19e: {  	[tilespmem:s21+$0xC870] =	vst v1  }
0x19f: {  	v1 =	vld [tilespmem:$0x12180]  }
0x1a0: {  	v2 =	vsub.f32 v16, v0  }
0x1a1: {  	v17 =	vld [tilespmem:$0x12480]  }
0x1a2: {  	v2 =	vmul.f32 s31, v2;
	_ =	sdelay $0x1  }
0x1a3: {  	v1 =	vmul.f32 v2, v1  }
0x1a4: {  	v18 =	vld [tilespmem:s21+$0xCC10]  }
0x1a5: {  	v1 =	vadd.f32 v1, v17;
	_ =	sdelay $0x1  }
0x1a6: {  	[tilespmem:s21+$0xCC00] =	vst v1  }
0x1a7: {  	v1 =	vld [tilespmem:$0x12190]  }
0x1a8: {  	v2 =	vsub.f32 v18, v0  }
0x1a9: {  	v19 =	vld [tilespmem:$0x12490]  }
0x1aa: {  	v2 =	vmul.f32 s31, v2;
	_ =	sdelay $0x1  }
0x1ab: {  	v1 =	vmul.f32 v2, v1  }
0x1ac: {  	v20 =	vld [tilespmem:s21+$0xCC20]  }
0x1ad: {  	v1 =	vadd.f32 v1, v19;
	_ =	sdelay $0x1  }
0x1ae: {  	[tilespmem:s21+$0xCC10] =	vst v1  }
0x1af: {  	v1 =	vld [tilespmem:$0x121A0]  }
0x1b0: {  	v2 =	vsub.f32 v20, v0  }
0x1b1: {  	v21 =	vld [tilespmem:$0x124A0]  }
0x1b2: {  	v2 =	vmul.f32 s31, v2;
	_ =	sdelay $0x1  }
0x1b3: {  	v1 =	vmul.f32 v2, v1  }
0x1b4: {  	v22 =	vld [tilespmem:s21+$0xCC30]  }
0x1b5: {  	v1 =	vadd.f32 v1, v21;
	_ =	sdelay $0x1  }
0x1b6: {  	[tilespmem:s21+$0xCC20] =	vst v1  }
0x1b7: {  	v1 =	vld [tilespmem:$0x121B0]  }
0x1b8: {  	v2 =	vsub.f32 v22, v0  }
0x1b9: {  	v23 =	vld [tilespmem:$0x124B0]  }
0x1ba: {  	v2 =	vmul.f32 s31, v2;
	_ =	sdelay $0x1  }
0x1bb: {  	v1 =	vmul.f32 v2, v1  }
0x1bc: {  	v24 =	vld [tilespmem:s21+$0xCC40]  }
0x1bd: {  	v1 =	vadd.f32 v1, v23;
	_ =	sdelay $0x1  }
0x1be: {  	[tilespmem:s21+$0xCC30] =	vst v1  }
0x1bf: {  	v1 =	vld [tilespmem:$0x121C0]  }
0x1c0: {  	v2 =	vsub.f32 v24, v0  }
0x1c1: {  	v25 =	vld [tilespmem:$0x124C0]  }
0x1c2: {  	v2 =	vmul.f32 s31, v2;
	_ =	sdelay $0x1  }
0x1c3: {  	v1 =	vmul.f32 v2, v1  }
0x1c4: {  	v26 =	vld [tilespmem:s21+$0xCC50]  }
0x1c5: {  	v1 =	vadd.f32 v1, v25;
	_ =	sdelay $0x1  }
0x1c6: {  	[tilespmem:s21+$0xCC40] =	vst v1  }
0x1c7: {  	v1 =	vld [tilespmem:$0x121D0]  }
0x1c8: {  	v2 =	vsub.f32 v26, v0  }
0x1c9: {  	v27 =	vld [tilespmem:$0x124D0]  }
0x1ca: {  	v2 =	vmul.f32 s31, v2;
	_ =	sdelay $0x1  }
0x1cb: {  	v1 =	vmul.f32 v2, v1  }
0x1cc: {  	v28 =	vld [tilespmem:s21+$0xCC60]  }
0x1cd: {  	v1 =	vadd.f32 v1, v27;
	_ =	sdelay $0x1  }
0x1ce: {  	[tilespmem:s21+$0xCC50] =	vst v1  }
0x1cf: {  	v1 =	vld [tilespmem:$0x121E0]  }
0x1d0: {  	v2 =	vsub.f32 v28, v0  }
0x1d1: {  	v29 =	vld [tilespmem:$0x124E0]  }
0x1d2: {  	v2 =	vmul.f32 s31, v2;
	_ =	sdelay $0x1  }
0x1d3: {  	v1 =	vmul.f32 v2, v1  }
0x1d4: {  	v30 =	vld [tilespmem:s21+$0xCC70]  }
0x1d5: {  	v1 =	vadd.f32 v1, v29;
	_ =	sdelay $0x1  }
0x1d6: {  	[tilespmem:s21+$0xCC60] =	vst v1  }
0x1d7: {  	v1 =	vld [tilespmem:$0x121F0]  }
0x1d8: {  	v2 =	vsub.f32 v30, v0  }
0x1d9: {  	v31 =	vld [tilespmem:$0x124F0]  }
0x1da: {  	v2 =	vmul.f32 s31, v2;
	_ =	sdelay $0x1  }
0x1db: {  	v1 =	vmul.f32 v2, v1  }
0x1dc: {  	v32 =	vld [tilespmem:s21+$0xD000]  }
0x1dd: {  	v1 =	vadd.f32 v1, v31;
	_ =	sdelay $0x1  }
0x1de: {  	[tilespmem:s21+$0xCC70] =	vst v1  }
0x1df: {  	v1 =	vld [tilespmem:$0x12200]  }
0x1e0: {  	v2 =	vsub.f32 v32, v0  }
0x1e1: {  	v33 =	vld [tilespmem:$0x12500]  }
0x1e2: {  	v2 =	vmul.f32 s31, v2;
	_ =	sdelay $0x1  }
0x1e3: {  	v1 =	vmul.f32 v2, v1  }
0x1e4: {  	v34 =	vld [tilespmem:s21+$0xD010]  }
0x1e5: {  	v1 =	vadd.f32 v1, v33;
	_ =	sdelay $0x1  }
0x1e6: {  	[tilespmem:s21+$0xD000] =	vst v1  }
0x1e7: {  	v1 =	vld [tilespmem:$0x12210]  }
0x1e8: {  	v2 =	vsub.f32 v34, v0  }
0x1e9: {  	v35 =	vld [tilespmem:$0x12510]  }
0x1ea: {  	v2 =	vmul.f32 s31, v2;
	_ =	sdelay $0x1  }
0x1eb: {  	v1 =	vmul.f32 v2, v1  }
0x1ec: {  	v36 =	vld [tilespmem:s21+$0xD020]  }
0x1ed: {  	v1 =	vadd.f32 v1, v35;
	_ =	sdelay $0x1  }
0x1ee: {  	[tilespmem:s21+$0xD010] =	vst v1  }
0x1ef: {  	v1 =	vld [tilespmem:$0x12220]  }
0x1f0: {  	v2 =	vsub.f32 v36, v0  }
0x1f1: {  	v37 =	vld [tilespmem:$0x12520]  }
0x1f2: {  	v2 =	vmul.f32 s31, v2;
	_ =	sdelay $0x1  }
0x1f3: {  	v1 =	vmul.f32 v2, v1  }
0x1f4: {  	v38 =	vld [tilespmem:s21+$0xD030]  }
0x1f5: {  	v1 =	vadd.f32 v1, v37;
	_ =	sdelay $0x1  }
0x1f6: {  	[tilespmem:s21+$0xD020] =	vst v1  }
0x1f7: {  	v1 =	vld [tilespmem:$0x12230]  }
0x1f8: {  	v2 =	vsub.f32 v38, v0  }
0x1f9: {  	v39 =	vld [tilespmem:$0x12530]  }
0x1fa: {  	v2 =	vmul.f32 s31, v2;
	_ =	sdelay $0x1  }
0x1fb: {  	v1 =	vmul.f32 v2, v1  }
0x1fc: {  	v40 =	vld [tilespmem:s21+$0xD040]  }
0x1fd: {  	v1 =	vadd.f32 v1, v39;
	_ =	sdelay $0x1  }
0x1fe: {  	[tilespmem:s21+$0xD030] =	vst v1  }
0x1ff: {  	v1 =	vld [tilespmem:$0x12240]  }
0x200: {  	v2 =	vsub.f32 v40, v0  }
0x201: {  	v41 =	vld [tilespmem:$0x12540]  }
0x202: {  	v2 =	vmul.f32 s31, v2;
	_ =	sdelay $0x1  }
0x203: {  	v1 =	vmul.f32 v2, v1  }
0x204: {  	v42 =	vld [tilespmem:s21+$0xD050]  }
0x205: {  	v1 =	vadd.f32 v1, v41;
	_ =	sdelay $0x1  }
0x206: {  	[tilespmem:s21+$0xD040] =	vst v1  }
0x207: {  	v1 =	vld [tilespmem:$0x12250]  }
0x208: {  	v2 =	vsub.f32 v42, v0  }
0x209: {  	v43 =	vld [tilespmem:$0x12550]  }
0x20a: {  	v2 =	vmul.f32 s31, v2;
	_ =	sdelay $0x1  }
0x20b: {  	v1 =	vmul.f32 v2, v1  }
0x20c: {  	v44 =	vld [tilespmem:s21+$0xD060]  }
0x20d: {  	v1 =	vadd.f32 v1, v43;
	_ =	sdelay $0x1  }
0x20e: {  	[tilespmem:s21+$0xD050] =	vst v1  }
0x20f: {  	v1 =	vld [tilespmem:$0x12260]  }
0x210: {  	v2 =	vsub.f32 v44, v0  }
0x211: {  	v45 =	vld [tilespmem:$0x12560]  }
0x212: {  	v2 =	vmul.f32 s31, v2;
	_ =	sdelay $0x1  }
0x213: {  	v1 =	vmul.f32 v2, v1  }
0x214: {  	v46 =	vld [tilespmem:s21+$0xD070]  }
0x215: {  	v1 =	vadd.f32 v1, v45;
	_ =	sdelay $0x1  }
0x216: {  	[tilespmem:s21+$0xD060] =	vst v1  }
0x217: {  	v1 =	vld [tilespmem:$0x12270]  }
0x218: {  	v2 =	vsub.f32 v46, v0  }
0x219: {  	v47 =	vld [tilespmem:$0x12570]  }
0x21a: {  	v2 =	vmul.f32 s31, v2;
	_ =	sdelay $0x1  }
0x21b: {  	v1 =	vmul.f32 v2, v1  }
0x21c: {  	v48 =	vld [tilespmem:s21+$0xD400]  }
0x21d: {  	v1 =	vadd.f32 v1, v47;
	_ =	sdelay $0x1  }
0x21e: {  	[tilespmem:s21+$0xD070] =	vst v1  }
0x21f: {  	v1 =	vld [tilespmem:$0x12280]  }
0x220: {  	v2 =	vsub.f32 v48, v0  }
0x221: {  	v49 =	vld [tilespmem:$0x12580]  }
0x222: {  	v2 =	vmul.f32 s31, v2;
	_ =	sdelay $0x1  }
0x223: {  	v1 =	vmul.f32 v2, v1  }
0x224: {  	v50 =	vld [tilespmem:s21+$0xD410]  }
0x225: {  	v1 =	vadd.f32 v1, v49;
	_ =	sdelay $0x1  }
0x226: {  	[tilespmem:s21+$0xD400] =	vst v1  }
0x227: {  	v1 =	vld [tilespmem:$0x12290]  }
0x228: {  	v2 =	vsub.f32 v50, v0  }
0x229: {  	v51 =	vld [tilespmem:$0x12590]  }
0x22a: {  	v2 =	vmul.f32 s31, v2;
	_ =	sdelay $0x1  }
0x22b: {  	v1 =	vmul.f32 v2, v1  }
0x22c: {  	v52 =	vld [tilespmem:s21+$0xD420]  }
0x22d: {  	v1 =	vadd.f32 v1, v51;
	_ =	sdelay $0x1  }
0x22e: {  	[tilespmem:s21+$0xD410] =	vst v1  }
0x22f: {  	v1 =	vld [tilespmem:$0x122A0]  }
0x230: {  	v2 =	vsub.f32 v52, v0  }
0x231: {  	v53 =	vld [tilespmem:$0x125A0]  }
0x232: {  	v2 =	vmul.f32 s31, v2;
	_ =	sdelay $0x1  }
0x233: {  	v1 =	vmul.f32 v2, v1  }
0x234: {  	v54 =	vld [tilespmem:s21+$0xD430]  }
0x235: {  	v1 =	vadd.f32 v1, v53;
	_ =	sdelay $0x1  }
0x236: {  	[tilespmem:s21+$0xD420] =	vst v1  }
0x237: {  	v1 =	vld [tilespmem:$0x122B0]  }
0x238: {  	v2 =	vsub.f32 v54, v0  }
0x239: {  	v55 =	vld [tilespmem:$0x125B0]  }
0x23a: {  	v2 =	vmul.f32 s31, v2;
	_ =	sdelay $0x1  }
0x23b: {  	v1 =	vmul.f32 v2, v1  }
0x23c: {  	v56 =	vld [tilespmem:s21+$0xD440]  }
0x23d: {  	v1 =	vadd.f32 v1, v55;
	_ =	sdelay $0x1  }
0x23e: {  	[tilespmem:s21+$0xD430] =	vst v1  }
0x23f: {  	v1 =	vld [tilespmem:$0x122C0]  }
0x240: {  	v2 =	vsub.f32 v56, v0  }
0x241: {  	v57 =	vld [tilespmem:$0x125C0]  }
0x242: {  	v2 =	vmul.f32 s31, v2;
	_ =	sdelay $0x1  }
0x243: {  	v1 =	vmul.f32 v2, v1  }
0x244: {  	v58 =	vld [tilespmem:s21+$0xD450]  }
0x245: {  	v1 =	vadd.f32 v1, v57;
	_ =	sdelay $0x1  }
0x246: {  	[tilespmem:s21+$0xD440] =	vst v1  }
0x247: {  	v1 =	vld [tilespmem:$0x122D0]  }
0x248: {  	v2 =	vsub.f32 v58, v0  }
0x249: {  	v59 =	vld [tilespmem:$0x125D0]  }
0x24a: {  	v2 =	vmul.f32 s31, v2;
	_ =	sdelay $0x1  }
0x24b: {  	v1 =	vmul.f32 v2, v1  }
0x24c: {  	v60 =	vld [tilespmem:s21+$0xD460]  }
0x24d: {  	v1 =	vadd.f32 v1, v59;
	_ =	sdelay $0x1  }
0x24e: {  	[tilespmem:s21+$0xD450] =	vst v1  }
0x24f: {  	v1 =	vld [tilespmem:$0x122E0]  }
0x250: {  	v2 =	vsub.f32 v60, v0  }
0x251: {  	v61 =	vld [tilespmem:$0x125E0]  }
0x252: {  	v2 =	vmul.f32 s31, v2;
	_ =	sdelay $0x1  }
0x253: {  	v1 =	vmul.f32 v2, v1  }
0x254: {  	v62 =	vld [tilespmem:s21+$0xD470]  }
0x255: {  	v1 =	vadd.f32 v1, v61;
	_ =	sdelay $0x1  }
0x256: {  	[tilespmem:s21+$0xD460] =	vst v1  }
0x257: {  	v1 =	vld [tilespmem:$0x122F0]  }
0x258: {  	v0 =	vsub.f32 v62, v0  }
0x259: {  	v63 =	vld [tilespmem:$0x125F0]  }
0x25a: {  	v0 =	vmul.f32 s31, v0  }
0x25b: {  	p0 =	sne.s32 s20, $0x1F  }
.Ltmp0:
0x25c: {  	v0 =	vmul.f32 v0, v1;
	(pc) =	sbr.rel @p0 .LBB2_3-.Ltmp0, $3  }
0x25d: {  	_ = 	snop  }
0x25e: {  	v0 =	vadd.f32 v0, v63;
	_ =	sdelay $0x1  }
0x25f: {  	s19 =	sadd.s32 $0x80, s19;
	s20 =	sadd.s32 $0x1, s20;
	[tilespmem:s21+$0xD470] =	vst v0  }
0x260: {  	s17 =	sadd.s32 $0x1, s17  }
0x261: {  	p0 =	sne.s32 s17, $0x20  }
.Ltmp1:
0x262: {  	s18 =	sadd.s32 s5, s18;
	(pc) =	sbr.rel @p0 .LBB2_2-.Ltmp1, $4  }
0x263: {  	[hbm4b:s18+s7] =	stream.linear.scatter [tilespmem:s15], [sflag:$0x1], $0x6000, $0x38;
	[tilespmem:$0x12600] =	vst v63  }
0x264: {  	_ =	swait.ge [sflag:s12], $0x6000  }
0x265: {  	[sflag:s12] =	ssyncset.done $0x0  }
0x266: {  	[sflag:s12] =	ssyncadd.s32 $0xFFFFA000  }
0x267: {  	s16 =	sadd.s32 $0x1, s16  }
0x268: {  	p0 =	sne.s32 s16, s10  }
.Ltmp2:
0x269: {  	_ = 	snop;
	(pc) =	sbr.rel @p0 .LBB2_1-.Ltmp2, $1  }
0x26a: {  	_ =	sdelay $0x3  }
0x26b: {  	_ =	sfence.sel $0x180000  }
0x26c: {  	[bflag:$0x0] =	sbarrier.arrive $0xFFFF  }
0x26d: {  	p0 =	sne.s32 s6, $0x0;
	_ =	strace $0x90000047  }
0x26e: {  	s0 =	sadd.s32 @!p0 $0x100000, s0;
	[bflag:$0x2] =	sbarrier.arrive $0xFFFF  }
0x26f: {  	[sflag:s0] =	ssyncadd.tile.s32 @!p0 $0x1;
	_ =	shalt  }
.Lfunc_end2:
_tile_overlayer_lowered:
.L_overlay_start_2:
0x270: {  	(tag) =	ssettag $0x2  }
0x271: {  	s0 =	rddreg [dreg:$0x0];
	s2 =	stileid.u32  }
0x272: {  	s1 =	rddreg [dreg:$0x1];
	p0 =	sne.s32 s2, $0x0  }
0x273: {  	s3 =	rddreg [dreg:$0x2];
	[bflag:$0x3] =	sbarrier.arrive $0xFFFF;
	s2 =	simm.s32 @!p0 $0x1C01  }
0x274: {  	[timem:s3], [sflag:s2] =	dma.local @!p0 [hbm:s0], s1  }
0x275: {  	s0 =	simm.s32 @!p0 $0x1  }
0x276: {  	_ =	swait.ge @!p0 [sflag:s0], s1  }
0x277: {  	s1 =	ssub.s32 @!p0 $0x0, s1;
	[sflag:s0] =	ssyncset.done @!p0 $0x0  }
0x278: {  	[sflag:s0] =	ssyncadd.s32 @!p0 s1  }
0x279: {  	[bflag:$0x3] =	sbarrier.arrive $0xFFFF  }
0x27a: {  	_ =	shalt  }

</sc_bundles>
